<compile_context>
chip_gen: v7x
topology: tpu7x:2x2x1
jax: 0.10.2.dev20260603
libtpu: 0.0.44.dev20260713+nightly
codegen_flags: <defaults>
</compile_context>

<pallas_src>
import jax
import jax.numpy as jnp
from jax import lax
from jax.experimental import pallas as pl
from jax.experimental.pallas import tpu as pltpu
from jax.experimental.pallas import tpu_sc as plsc

N = 10000
E = 320000
D1 = 128
DC = 40
D2 = 64

NC = 2
NS = 16
NW = NC * NS
CHUNK = 128

NPAD = 10112
RPT = NPAD // NS

NCH = 81
EPW = NCH * CHUNK
EPAD = NW * EPW

_MESH = plsc.VectorSubcoreMesh(core_axis_name="c", subcore_axis_name="s")


def _deg_body(eidx_hbm, out_hbm, didx_a, didx_b, deg_v, sem_a, sem_b):
    c = lax.axis_index("c")
    s = lax.axis_index("s")
    wid = s * NC + c
    row0 = wid * NCH

    zero16 = jnp.zeros((16,), jnp.float32)
    ones = jnp.ones((16,), jnp.float32)

    def zb(i, carry):
        deg_v[pl.ds(i * 16, 16)] = zero16
        return carry

    lax.fori_loop(0, NPAD // 16, zb, 0)

    def scat(didx):
        for k in range(CHUNK // 16):
            idx16 = didx[pl.ds(k * 16, 16)]
            plsc.addupdate_scatter(deg_v, [idx16], ones)

    def pair(g, carry):
        j = row0 + 2 * g
        la = pltpu.async_copy(eidx_hbm.at[j, 1], didx_a, sem_a)
        lb = pltpu.async_copy(eidx_hbm.at[j + 1, 1], didx_b, sem_b)
        la.wait()
        scat(didx_a)
        lb.wait()
        scat(didx_b)
        return carry

    lax.fori_loop(0, NCH // 2, pair, 0)
    pltpu.sync_copy(eidx_hbm.at[row0 + NCH - 1, 1], didx_a)
    scat(didx_a)
    pltpu.sync_copy(deg_v, out_hbm.at[wid, 0])


_deg_kernel = pl.kernel(
    _deg_body,
    out_type=jax.ShapeDtypeStruct((NW, 8, NPAD), jnp.float32),
    mesh=_MESH,
    scratch_types=[
        pltpu.VMEM((CHUNK,), jnp.int32),
        pltpu.VMEM((CHUNK,), jnp.int32),
        pltpu.VMEM((NPAD,), jnp.float32),
        pltpu.SemaphoreType.DMA,
        pltpu.SemaphoreType.DMA,
    ],
    compiler_params=pltpu.CompilerParams(needs_layout_passes=False),
)


def _make_prop(d, tc_tiling=True):
    def body(g_hbm, eidx_hbm, z_hbm, out_hbm,
             idx_a, idx_b, idx_c,
             rows_a, rows_b, rows_c, acc,
             sem_ga, sem_gb, sem_gc, sem_sa, sem_sb, sem_sc):
        c = lax.axis_index("c")
        s = lax.axis_index("s")
        wid = s * NC + c
        r0 = s * RPT

        def row_chunks(fn):
            off = 0
            while off < RPT:
                cb = min(CHUNK, RPT - off)
                fn(off, cb)
                off += cb

        def init(off, cb):
            pltpu.sync_copy(z_hbm.at[pl.ds(r0 + off, cb)],
                            rows_a.at[pl.ds(0, cb)])
            pltpu.sync_copy(rows_a.at[pl.ds(0, cb)],
                            acc.at[pl.ds(r0 + off, cb)])

        row_chunks(init)
        plsc.subcore_barrier()

        def triple(g, carry):
            row_a = wid * NCH + 3 * g
            pltpu.sync_copy(eidx_hbm.at[row_a], idx_a)
            ga = pltpu.async_copy(g_hbm.at[idx_a.at[0]], rows_a, sem_ga)
            pltpu.sync_copy(eidx_hbm.at[row_a + 1], idx_b)
            gb = pltpu.async_copy(g_hbm.at[idx_b.at[0]], rows_b, sem_gb)
            pltpu.sync_copy(eidx_hbm.at[row_a + 2], idx_c)
            gc = pltpu.async_copy(g_hbm.at[idx_c.at[0]], rows_c, sem_gc)
            ga.wait()
            sa = pltpu.async_copy(rows_a, acc.at[idx_a.at[1]], sem_sa, add=True)
            gb.wait()
            sb = pltpu.async_copy(rows_b, acc.at[idx_b.at[1]], sem_sb, add=True)
            gc.wait()
            sc = pltpu.async_copy(rows_c, acc.at[idx_c.at[1]], sem_sc, add=True)
            sa.wait()
            sb.wait()
            sc.wait()
            return carry

        lax.fori_loop(0, NCH // 3, triple, 0)
        plsc.subcore_barrier()

        bufs = (rows_a, rows_b)
        sems = (sem_ga, sem_gb)
        descs = {}
        chunks = []
        off = 0
        while off < RPT:
            cb = min(CHUNK, RPT - off)
            chunks.append((off, cb))
            off += cb
        for i, (off, cb) in enumerate(chunks):
            if i >= 2:
                descs[i - 2].wait()
            buf = bufs[i % 2]
            pltpu.sync_copy(acc.at[pl.ds(r0 + off, cb)], buf.at[pl.ds(0, cb)])
            descs[i] = pltpu.async_copy(buf.at[pl.ds(0, cb)],
                                        out_hbm.at[c, pl.ds(r0 + off, cb)],
                                        sems[i % 2])
        for i in range(max(0, len(chunks) - 2), len(chunks)):
            descs[i].wait()

    return pl.kernel(
        body,
        out_type=jax.ShapeDtypeStruct((NC, NPAD, d), jnp.float32),
        mesh=_MESH,
        scratch_types=(
            [pltpu.VMEM((2, CHUNK), jnp.int32)] * 3
            + [pltpu.VMEM((CHUNK, d), jnp.float32)] * 3
            + [pltpu.VMEM_SHARED((NPAD, d), jnp.float32)]
            + [pltpu.SemaphoreType.DMA] * 6
        ),
        compiler_params=(
            None if tc_tiling
            else pltpu.CompilerParams(use_tc_tiling_on_sc=False)),
    )


_prop128 = _make_prop(D1)
_prop64 = _make_prop(D2, tc_tiling=False)


def _mm1_body(x_ref, w1_ref, h_ref):
    h_ref[...] = jnp.dot(x_ref[...], w1_ref[...],
                         preferred_element_type=jnp.float32)


_mm1 = pl.pallas_call(
    _mm1_body,
    out_shape=jax.ShapeDtypeStruct((NPAD, D1), jnp.float32),
)


def _stage_a_body(h_ref, degp_ref, g_ref, dinv_ref):
    deg0 = jnp.sum(degp_ref[...], axis=1, keepdims=True)
    dinv = lax.rsqrt(jnp.maximum(deg0, 1.0))
    dinv_ref[...] = dinv
    g_ref[...] = h_ref[...] * dinv


_stage_a = pl.pallas_call(
    _stage_a_body,
    out_shape=[
        jax.ShapeDtypeStruct((NPAD, D1), jnp.float32),
        jax.ShapeDtypeStruct((NPAD, 1), jnp.float32),
    ],
)


def _stage_b_body(p_ref, dinv_ref, b1_ref, w2_ref, g2_ref):
    acc = p_ref[0] + p_ref[1]
    dinv = dinv_ref[...]
    h = jnp.maximum(acc * dinv + b1_ref[...], 0.0)
    g2_ref[...] = jnp.dot(h, w2_ref[...],
                          preferred_element_type=jnp.float32) * dinv


_stage_b = pl.pallas_call(
    _stage_b_body,
    out_shape=jax.ShapeDtypeStruct((NPAD, D2), jnp.float32),
)


def _stage_c_body(q_ref, dinv_ref, b2_ref, o_ref):
    acc = q_ref[0] + q_ref[1]
    logits = acc * dinv_ref[...] + b2_ref[...]
    col = lax.broadcasted_iota(jnp.int32, (NPAD, D2), 1)
    valid = col < DC
    logits = jnp.where(valid, logits, -jnp.inf)
    m = jnp.max(logits, axis=1, keepdims=True)
    ex = jnp.where(valid, jnp.exp(logits - m), 0.0)
    lse = jnp.log(jnp.sum(ex, axis=1, keepdims=True))
    out = logits - m - lse
    o_ref[...] = out[:N, :DC]


_stage_c = pl.pallas_call(
    _stage_c_body,
    out_shape=jax.ShapeDtypeStruct((N, DC), jnp.float32),
)


def kernel(inputs, edge_index, W1, b1, W2, b2, epoch):
    ei = edge_index.astype(jnp.int32)
    pad = N + jnp.arange(EPAD - E, dtype=jnp.int32) % (NPAD - N)
    src = jnp.concatenate([ei[0], pad])
    dst = jnp.concatenate([ei[1], pad])
    eidx = jnp.stack([src.reshape(NW * NCH, CHUNK),
                      dst.reshape(NW * NCH, CHUNK)], axis=1)

    x = jnp.concatenate(
        [inputs, jnp.zeros((NPAD - N, D1), jnp.float32)], axis=0)
    w2p = jnp.concatenate(
        [W2, jnp.zeros((D1, D2 - DC), jnp.float32)], axis=1)
    b1r = b1.reshape(1, D1)
    b2r = jnp.concatenate([b2, jnp.zeros((D2 - DC,), jnp.float32)]
                          ).reshape(1, D2)

    z128 = jnp.zeros((NPAD, D1), jnp.float32)
    z64 = jnp.zeros((NPAD, D2), jnp.float32)

    degp = _deg_kernel(eidx)
    h1 = _mm1(x, W1)
    degt = jnp.transpose(degp[:, 0, :])
    g1, dinv = _stage_a(h1, degt)
    p = _prop128(g1, eidx, z128)
    g2 = _stage_b(p, dinv, b1r, w2p)
    q = _prop64(g2, eidx, z64)
    return _stage_c(q, dinv, b2r)

# --- scband reference (transcript-rebuilt; emitter-appended) ---
"""Pipeline reference for scband-gcn-42417097015690 (READ-ONLY COPY).

The authoritative reference and input builder live on the scoring server;
editing this copy changes nothing except your own understanding.
"""

import jax, jax.numpy as jnp
import numpy as np

N_NODES = 10000
N_EDGES = 320000
D_IN = 128
D_HID = 128
N_CLASSES = 40


def setup_inputs(seed: int = 0) -> dict:
    key = jax.random.key(seed)
    k1, k2, k3, k4, k5 = jax.random.split(key, 5)
    inputs = jax.random.normal(k1, (N_NODES, D_IN), dtype=jnp.float32)
    edge_index = jax.random.randint(k2, (2, N_EDGES), 0, N_NODES, dtype=jnp.int64)
    # Glorot-style init for layer weights (GCNConv weight per layer)
    W1 = jax.random.normal(k3, (D_IN, D_HID), dtype=jnp.float32) * (1.0 / np.sqrt(D_IN))
    b1 = jnp.zeros((D_HID,), dtype=jnp.float32)
    W2 = jax.random.normal(k4, (D_HID, N_CLASSES), dtype=jnp.float32) * (1.0 / np.sqrt(D_HID))
    b2 = jnp.zeros((N_CLASSES,), dtype=jnp.float32)
    return {"inputs": inputs, "edge_index": edge_index, "W1": W1, "b1": b1, "W2": W2, "b2": b2, "epoch": 0}


def _gcn_conv(x, edge_index, W, b):
    # GCNConv: symmetric-normalized sparse A @ (x @ W) + b
    src = edge_index[0]
    dst = edge_index[1]
    n = x.shape[0]
    h = x @ W
    deg = jnp.zeros((n,), dtype=h.dtype).at[dst].add(1.0)
    deg = jnp.maximum(deg, 1.0)
    dinv = 1.0 / jnp.sqrt(deg)
    norm = dinv[src] * dinv[dst]
    msgs = jnp.take(h, src, axis=0) * norm[:, None]
    out = jnp.zeros((n, h.shape[1]), dtype=h.dtype).at[dst].add(msgs)
    return out + b


def reference(inputs, edge_index, W1, b1, W2, b2, epoch=0):
    h = _gcn_conv(inputs, edge_index, W1, b1)
    h = jax.nn.relu(h)
    h = _gcn_conv(h, edge_index, W2, b2)
    return jax.nn.log_softmax(h, axis=1)

if __name__ == "__main__":
    import jax
    _d = setup_inputs()
    print(jax.jit(kernel)(*tuple(_d.values())))

</pallas_src>

<mosaic_0001>
#map = affine_map<(d0, d1) -> (0, 0)>
#map1 = affine_map<(d0, d1) -> (0, 0, 0)>
module attributes {stable_mosaic.version = 14 : i64} {
  func.func @body(%arg0: i32, %arg1: i32, %arg2: memref<10112x128xf32, #tpu.memory_space<hbm>>, %arg3: memref<2592x2x128xi32, #tpu.memory_space<hbm>>, %arg4: memref<10112x128xf32, #tpu.memory_space<hbm>>, %arg5: memref<2x10112x128xf32, #tpu.memory_space<hbm>>, %arg6: memref<2x128xi32, #tpu.memory_space<vmem>>, %arg7: memref<2x128xi32, #tpu.memory_space<vmem>>, %arg8: memref<2x128xi32, #tpu.memory_space<vmem>>, %arg9: memref<128x128xf32, #tpu.memory_space<vmem>>, %arg10: memref<128x128xf32, #tpu.memory_space<vmem>>, %arg11: memref<128x128xf32, #tpu.memory_space<vmem>>, %arg12: memref<10112x128xf32, #tpu.memory_space<vmem_shared>>, %arg13: memref<!tpu.dma_semaphore, #tpu.memory_space<semaphore_mem>>, %arg14: memref<!tpu.dma_semaphore, #tpu.memory_space<semaphore_mem>>, %arg15: memref<!tpu.dma_semaphore, #tpu.memory_space<semaphore_mem>>, %arg16: memref<!tpu.dma_semaphore, #tpu.memory_space<semaphore_mem>>, %arg17: memref<!tpu.dma_semaphore, #tpu.memory_space<semaphore_mem>>, %arg18: memref<!tpu.dma_semaphore, #tpu.memory_space<semaphore_mem>>) attributes {dimension_semantics = [#tpu.dimension_semantics<core_parallel>, #tpu.dimension_semantics<subcore_parallel>], iteration_bounds = array<i64: 2, 16>, scalar_prefetch = 0 : i64, scratch_operands = 13 : i64, tpu.core_type = #tpu.core_type<sc_vector_subcore>, window_params = [{transform_indices = #map}, {transform_indices = #map1}, {transform_indices = #map}, {transform_indices = #map1}]} {
    %mul3A = arith.constant 2 : i32
    %mul3A_0 = arith.muli %arg1, %mul3A : i32
    %add3A = arith.addi %mul3A_0, %arg0 : i32
    %mul3A_1 = arith.constant 632 : i32
    %mul3A_2 = arith.muli %arg1, %mul3A_1 : i32
    %add3A_3 = arith.constant 0 : i32
    %add3A_4 = arith.addi %mul3A_2, %add3A_3 : i32
    "tpu.region"() ({
      %run_scoped3A = tpu.sem_alloc : memref<!tpu.dma_semaphore, #tpu.memory_space<semaphore_mem>>
      %dma_start3A_167 = arith.constant 0 : i32
      %dma_start3A_168 = arith.constant 0 : i32
      %dma_start3A_169 = tpu.memref_slice %arg9[%dma_start3A_167, %dma_start3A_168] : memref<128x128xf32, #tpu.memory_space<vmem>> -> memref<128x128xf32, #tpu.memory_space<vmem>>
      %dma_start3A_170 = arith.constant 0 : i32
      %dma_start3A_171 = tpu.memref_slice %arg4[%add3A_4, %dma_start3A_170] : memref<10112x128xf32, #tpu.memory_space<hbm>> -> memref<128x128xf32, #tpu.memory_space<hbm>>
      %dma_start3A_172 = arith.constant 0 : i32
      %dma_start3A_173 = arith.constant 0 : i32
      %dma_start3A_174 = tpu.memref_slice %arg9[%dma_start3A_172, %dma_start3A_173] : memref<128x128xf32, #tpu.memory_space<vmem>> -> memref<128x128xf32, #tpu.memory_space<vmem>>
      %dma_start3A_175 = arith.constant 0 : i32
      %dma_start3A_176 = tpu.memref_slice %arg4[%add3A_4, %dma_start3A_175] : memref<10112x128xf32, #tpu.memory_space<hbm>> -> memref<128x128xf32, #tpu.memory_space<hbm>>
      tpu.enqueue_dma source(%dma_start3A_176 : memref<128x128xf32, #tpu.memory_space<hbm>>) target(%dma_start3A_174 : memref<128x128xf32, #tpu.memory_space<vmem>>) target_semaphore(%run_scoped3A : memref<!tpu.dma_semaphore, #tpu.memory_space<semaphore_mem>>)
      %dma_wait3A_177 = arith.constant 0 : i32
      %dma_wait3A_178 = arith.constant 0 : i32
      %dma_wait3A_179 = tpu.memref_slice %arg9[%dma_wait3A_177, %dma_wait3A_178] : memref<128x128xf32, #tpu.memory_space<vmem>> -> memref<128x128xf32, #tpu.memory_space<vmem>>
      %dma_wait3A_180 = arith.constant 0 : i32
      %dma_wait3A_181 = tpu.memref_slice %arg4[%add3A_4, %dma_wait3A_180] : memref<10112x128xf32, #tpu.memory_space<hbm>> -> memref<128x128xf32, #tpu.memory_space<hbm>>
      %dma_wait3A_182 = arith.constant 0 : i32
      %dma_wait3A_183 = arith.constant 0 : i32
      %dma_wait3A_184 = tpu.memref_slice %arg9[%dma_wait3A_182, %dma_wait3A_183] : memref<128x128xf32, #tpu.memory_space<vmem>> -> memref<128x128xf32, #tpu.memory_space<vmem>>
      %dma_wait3A_185 = arith.constant 0 : i32
      %dma_wait3A_186 = tpu.memref_slice %arg4[%add3A_4, %dma_wait3A_185] : memref<10112x128xf32, #tpu.memory_space<hbm>> -> memref<128x128xf32, #tpu.memory_space<hbm>>
      tpu.wait_dma2 semaphore(%run_scoped3A : memref<!tpu.dma_semaphore, #tpu.memory_space<semaphore_mem>>) src(%dma_wait3A_186 : memref<128x128xf32, #tpu.memory_space<hbm>>) dst(%dma_wait3A_184 : memref<128x128xf32, #tpu.memory_space<vmem>>)
      tpu.yield
    }) : () -> ()
    %add3A_5 = arith.constant 0 : i32
    %add3A_6 = arith.addi %mul3A_2, %add3A_5 : i32
    "tpu.region"() ({
      %run_scoped3A = tpu.sem_alloc : memref<!tpu.dma_semaphore, #tpu.memory_space<semaphore_mem>>
      %dma_start3A_167 = arith.constant 0 : i32
      %dma_start3A_168 = arith.constant 0 : i32
      %dma_start3A_169 = tpu.memref_slice %arg9[%dma_start3A_167, %dma_start3A_168] : memref<128x128xf32, #tpu.memory_space<vmem>> -> memref<128x128xf32, #tpu.memory_space<vmem>>
      %dma_start3A_170 = arith.constant 0 : i32
      %dma_start3A_171 = tpu.memref_slice %arg12[%add3A_6, %dma_start3A_170] : memref<10112x128xf32, #tpu.memory_space<vmem_shared>> -> memref<128x128xf32, #tpu.memory_space<vmem_shared>>
      %dma_start3A_172 = arith.constant 0 : i32
      %dma_start3A_173 = tpu.memref_slice %arg12[%add3A_6, %dma_start3A_172] : memref<10112x128xf32, #tpu.memory_space<vmem_shared>> -> memref<128x128xf32, #tpu.memory_space<vmem_shared>>
      %dma_start3A_174 = arith.constant 0 : i32
      %dma_start3A_175 = arith.constant 0 : i32
      %dma_start3A_176 = tpu.memref_slice %arg9[%dma_start3A_174, %dma_start3A_175] : memref<128x128xf32, #tpu.memory_space<vmem>> -> memref<128x128xf32, #tpu.memory_space<vmem>>
      tpu.enqueue_dma source(%dma_start3A_176 : memref<128x128xf32, #tpu.memory_space<vmem>>) target(%dma_start3A_173 : memref<128x128xf32, #tpu.memory_space<vmem_shared>>) target_semaphore(%run_scoped3A : memref<!tpu.dma_semaphore, #tpu.memory_space<semaphore_mem>>)
      %dma_wait3A_177 = arith.constant 0 : i32
      %dma_wait3A_178 = arith.constant 0 : i32
      %dma_wait3A_179 = tpu.memref_slice %arg9[%dma_wait3A_177, %dma_wait3A_178] : memref<128x128xf32, #tpu.memory_space<vmem>> -> memref<128x128xf32, #tpu.memory_space<vmem>>
      %dma_wait3A_180 = arith.constant 0 : i32
      %dma_wait3A_181 = tpu.memref_slice %arg12[%add3A_6, %dma_wait3A_180] : memref<10112x128xf32, #tpu.memory_space<vmem_shared>> -> memref<128x128xf32, #tpu.memory_space<vmem_shared>>
      %dma_wait3A_182 = arith.constant 0 : i32
      %dma_wait3A_183 = tpu.memref_slice %arg12[%add3A_6, %dma_wait3A_182] : memref<10112x128xf32, #tpu.memory_space<vmem_shared>> -> memref<128x128xf32, #tpu.memory_space<vmem_shared>>
      %dma_wait3A_184 = arith.constant 0 : i32
      %dma_wait3A_185 = arith.constant 0 : i32
      %dma_wait3A_186 = tpu.memref_slice %arg9[%dma_wait3A_184, %dma_wait3A_185] : memref<128x128xf32, #tpu.memory_space<vmem>> -> memref<128x128xf32, #tpu.memory_space<vmem>>
      tpu.wait_dma2 semaphore(%run_scoped3A : memref<!tpu.dma_semaphore, #tpu.memory_space<semaphore_mem>>) src(%dma_wait3A_186 : memref<128x128xf32, #tpu.memory_space<vmem>>) dst(%dma_wait3A_183 : memref<128x128xf32, #tpu.memory_space<vmem_shared>>)
      tpu.yield
    }) : () -> ()
    %add3A_7 = arith.constant 128 : i32
    %add3A_8 = arith.addi %mul3A_2, %add3A_7 : i32
    "tpu.region"() ({
      %run_scoped3A = tpu.sem_alloc : memref<!tpu.dma_semaphore, #tpu.memory_space<semaphore_mem>>
      %dma_start3A_167 = arith.constant 0 : i32
      %dma_start3A_168 = arith.constant 0 : i32
      %dma_start3A_169 = tpu.memref_slice %arg9[%dma_start3A_167, %dma_start3A_168] : memref<128x128xf32, #tpu.memory_space<vmem>> -> memref<128x128xf32, #tpu.memory_space<vmem>>
      %dma_start3A_170 = arith.constant 0 : i32
      %dma_start3A_171 = tpu.memref_slice %arg4[%add3A_8, %dma_start3A_170] : memref<10112x128xf32, #tpu.memory_space<hbm>> -> memref<128x128xf32, #tpu.memory_space<hbm>>
      %dma_start3A_172 = arith.constant 0 : i32
      %dma_start3A_173 = arith.constant 0 : i32
      %dma_start3A_174 = tpu.memref_slice %arg9[%dma_start3A_172, %dma_start3A_173] : memref<128x128xf32, #tpu.memory_space<vmem>> -> memref<128x128xf32, #tpu.memory_space<vmem>>
      %dma_start3A_175 = arith.constant 0 : i32
      %dma_start3A_176 = tpu.memref_slice %arg4[%add3A_8, %dma_start3A_175] : memref<10112x128xf32, #tpu.memory_space<hbm>> -> memref<128x128xf32, #tpu.memory_space<hbm>>
      tpu.enqueue_dma source(%dma_start3A_176 : memref<128x128xf32, #tpu.memory_space<hbm>>) target(%dma_start3A_174 : memref<128x128xf32, #tpu.memory_space<vmem>>) target_semaphore(%run_scoped3A : memref<!tpu.dma_semaphore, #tpu.memory_space<semaphore_mem>>)
      %dma_wait3A_177 = arith.constant 0 : i32
      %dma_wait3A_178 = arith.constant 0 : i32
      %dma_wait3A_179 = tpu.memref_slice %arg9[%dma_wait3A_177, %dma_wait3A_178] : memref<128x128xf32, #tpu.memory_space<vmem>> -> memref<128x128xf32, #tpu.memory_space<vmem>>
      %dma_wait3A_180 = arith.constant 0 : i32
      %dma_wait3A_181 = tpu.memref_slice %arg4[%add3A_8, %dma_wait3A_180] : memref<10112x128xf32, #tpu.memory_space<hbm>> -> memref<128x128xf32, #tpu.memory_space<hbm>>
      %dma_wait3A_182 = arith.constant 0 : i32
      %dma_wait3A_183 = arith.constant 0 : i32
      %dma_wait3A_184 = tpu.memref_slice %arg9[%dma_wait3A_182, %dma_wait3A_183] : memref<128x128xf32, #tpu.memory_space<vmem>> -> memref<128x128xf32, #tpu.memory_space<vmem>>
      %dma_wait3A_185 = arith.constant 0 : i32
      %dma_wait3A_186 = tpu.memref_slice %arg4[%add3A_8, %dma_wait3A_185] : memref<10112x128xf32, #tpu.memory_space<hbm>> -> memref<128x128xf32, #tpu.memory_space<hbm>>
      tpu.wait_dma2 semaphore(%run_scoped3A : memref<!tpu.dma_semaphore, #tpu.memory_space<semaphore_mem>>) src(%dma_wait3A_186 : memref<128x128xf32, #tpu.memory_space<hbm>>) dst(%dma_wait3A_184 : memref<128x128xf32, #tpu.memory_space<vmem>>)
      tpu.yield
    }) : () -> ()
    %add3A_9 = arith.constant 128 : i32
    %add3A_10 = arith.addi %mul3A_2, %add3A_9 : i32
    "tpu.region"() ({
      %run_scoped3A = tpu.sem_alloc : memref<!tpu.dma_semaphore, #tpu.memory_space<semaphore_mem>>
      %dma_start3A_167 = arith.constant 0 : i32
      %dma_start3A_168 = arith.constant 0 : i32
      %dma_start3A_169 = tpu.memref_slice %arg9[%dma_start3A_167, %dma_start3A_168] : memref<128x128xf32, #tpu.memory_space<vmem>> -> memref<128x128xf32, #tpu.memory_space<vmem>>
      %dma_start3A_170 = arith.constant 0 : i32
      %dma_start3A_171 = tpu.memref_slice %arg12[%add3A_10, %dma_start3A_170] : memref<10112x128xf32, #tpu.memory_space<vmem_shared>> -> memref<128x128xf32, #tpu.memory_space<vmem_shared>>
      %dma_start3A_172 = arith.constant 0 : i32
      %dma_start3A_173 = tpu.memref_slice %arg12[%add3A_10, %dma_start3A_172] : memref<10112x128xf32, #tpu.memory_space<vmem_shared>> -> memref<128x128xf32, #tpu.memory_space<vmem_shared>>
      %dma_start3A_174 = arith.constant 0 : i32
      %dma_start3A_175 = arith.constant 0 : i32
      %dma_start3A_176 = tpu.memref_slice %arg9[%dma_start3A_174, %dma_start3A_175] : memref<128x128xf32, #tpu.memory_space<vmem>> -> memref<128x128xf32, #tpu.memory_space<vmem>>
      tpu.enqueue_dma source(%dma_start3A_176 : memref<128x128xf32, #tpu.memory_space<vmem>>) target(%dma_start3A_173 : memref<128x128xf32, #tpu.memory_space<vmem_shared>>) target_semaphore(%run_scoped3A : memref<!tpu.dma_semaphore, #tpu.memory_space<semaphore_mem>>)
      %dma_wait3A_177 = arith.constant 0 : i32
      %dma_wait3A_178 = arith.constant 0 : i32
      %dma_wait3A_179 = tpu.memref_slice %arg9[%dma_wait3A_177, %dma_wait3A_178] : memref<128x128xf32, #tpu.memory_space<vmem>> -> memref<128x128xf32, #tpu.memory_space<vmem>>
      %dma_wait3A_180 = arith.constant 0 : i32
      %dma_wait3A_181 = tpu.memref_slice %arg12[%add3A_10, %dma_wait3A_180] : memref<10112x128xf32, #tpu.memory_space<vmem_shared>> -> memref<128x128xf32, #tpu.memory_space<vmem_shared>>
      %dma_wait3A_182 = arith.constant 0 : i32
      %dma_wait3A_183 = tpu.memref_slice %arg12[%add3A_10, %dma_wait3A_182] : memref<10112x128xf32, #tpu.memory_space<vmem_shared>> -> memref<128x128xf32, #tpu.memory_space<vmem_shared>>
      %dma_wait3A_184 = arith.constant 0 : i32
      %dma_wait3A_185 = arith.constant 0 : i32
      %dma_wait3A_186 = tpu.memref_slice %arg9[%dma_wait3A_184, %dma_wait3A_185] : memref<128x128xf32, #tpu.memory_space<vmem>> -> memref<128x128xf32, #tpu.memory_space<vmem>>
      tpu.wait_dma2 semaphore(%run_scoped3A : memref<!tpu.dma_semaphore, #tpu.memory_space<semaphore_mem>>) src(%dma_wait3A_186 : memref<128x128xf32, #tpu.memory_space<vmem>>) dst(%dma_wait3A_183 : memref<128x128xf32, #tpu.memory_space<vmem_shared>>)
      tpu.yield
    }) : () -> ()
    %add3A_11 = arith.constant 256 : i32
    %add3A_12 = arith.addi %mul3A_2, %add3A_11 : i32
    "tpu.region"() ({
      %run_scoped3A = tpu.sem_alloc : memref<!tpu.dma_semaphore, #tpu.memory_space<semaphore_mem>>
      %dma_start3A_167 = arith.constant 0 : i32
      %dma_start3A_168 = arith.constant 0 : i32
      %dma_start3A_169 = tpu.memref_slice %arg9[%dma_start3A_167, %dma_start3A_168] : memref<128x128xf32, #tpu.memory_space<vmem>> -> memref<128x128xf32, #tpu.memory_space<vmem>>
      %dma_start3A_170 = arith.constant 0 : i32
      %dma_start3A_171 = tpu.memref_slice %arg4[%add3A_12, %dma_start3A_170] : memref<10112x128xf32, #tpu.memory_space<hbm>> -> memref<128x128xf32, #tpu.memory_space<hbm>>
      %dma_start3A_172 = arith.constant 0 : i32
      %dma_start3A_173 = arith.constant 0 : i32
      %dma_start3A_174 = tpu.memref_slice %arg9[%dma_start3A_172, %dma_start3A_173] : memref<128x128xf32, #tpu.memory_space<vmem>> -> memref<128x128xf32, #tpu.memory_space<vmem>>
      %dma_start3A_175 = arith.constant 0 : i32
      %dma_start3A_176 = tpu.memref_slice %arg4[%add3A_12, %dma_start3A_175] : memref<10112x128xf32, #tpu.memory_space<hbm>> -> memref<128x128xf32, #tpu.memory_space<hbm>>
      tpu.enqueue_dma source(%dma_start3A_176 : memref<128x128xf32, #tpu.memory_space<hbm>>) target(%dma_start3A_174 : memref<128x128xf32, #tpu.memory_space<vmem>>) target_semaphore(%run_scoped3A : memref<!tpu.dma_semaphore, #tpu.memory_space<semaphore_mem>>)
      %dma_wait3A_177 = arith.constant 0 : i32
      %dma_wait3A_178 = arith.constant 0 : i32
      %dma_wait3A_179 = tpu.memref_slice %arg9[%dma_wait3A_177, %dma_wait3A_178] : memref<128x128xf32, #tpu.memory_space<vmem>> -> memref<128x128xf32, #tpu.memory_space<vmem>>
      %dma_wait3A_180 = arith.constant 0 : i32
      %dma_wait3A_181 = tpu.memref_slice %arg4[%add3A_12, %dma_wait3A_180] : memref<10112x128xf32, #tpu.memory_space<hbm>> -> memref<128x128xf32, #tpu.memory_space<hbm>>
      %dma_wait3A_182 = arith.constant 0 : i32
      %dma_wait3A_183 = arith.constant 0 : i32
      %dma_wait3A_184 = tpu.memref_slice %arg9[%dma_wait3A_182, %dma_wait3A_183] : memref<128x128xf32, #tpu.memory_space<vmem>> -> memref<128x128xf32, #tpu.memory_space<vmem>>
      %dma_wait3A_185 = arith.constant 0 : i32
      %dma_wait3A_186 = tpu.memref_slice %arg4[%add3A_12, %dma_wait3A_185] : memref<10112x128xf32, #tpu.memory_space<hbm>> -> memref<128x128xf32, #tpu.memory_space<hbm>>
      tpu.wait_dma2 semaphore(%run_scoped3A : memref<!tpu.dma_semaphore, #tpu.memory_space<semaphore_mem>>) src(%dma_wait3A_186 : memref<128x128xf32, #tpu.memory_space<hbm>>) dst(%dma_wait3A_184 : memref<128x128xf32, #tpu.memory_space<vmem>>)
      tpu.yield
    }) : () -> ()
    %add3A_13 = arith.constant 256 : i32
    %add3A_14 = arith.addi %mul3A_2, %add3A_13 : i32
    "tpu.region"() ({
      %run_scoped3A = tpu.sem_alloc : memref<!tpu.dma_semaphore, #tpu.memory_space<semaphore_mem>>
      %dma_start3A_167 = arith.constant 0 : i32
      %dma_start3A_168 = arith.constant 0 : i32
      %dma_start3A_169 = tpu.memref_slice %arg9[%dma_start3A_167, %dma_start3A_168] : memref<128x128xf32, #tpu.memory_space<vmem>> -> memref<128x128xf32, #tpu.memory_space<vmem>>
      %dma_start3A_170 = arith.constant 0 : i32
      %dma_start3A_171 = tpu.memref_slice %arg12[%add3A_14, %dma_start3A_170] : memref<10112x128xf32, #tpu.memory_space<vmem_shared>> -> memref<128x128xf32, #tpu.memory_space<vmem_shared>>
      %dma_start3A_172 = arith.constant 0 : i32
      %dma_start3A_173 = tpu.memref_slice %arg12[%add3A_14, %dma_start3A_172] : memref<10112x128xf32, #tpu.memory_space<vmem_shared>> -> memref<128x128xf32, #tpu.memory_space<vmem_shared>>
      %dma_start3A_174 = arith.constant 0 : i32
      %dma_start3A_175 = arith.constant 0 : i32
      %dma_start3A_176 = tpu.memref_slice %arg9[%dma_start3A_174, %dma_start3A_175] : memref<128x128xf32, #tpu.memory_space<vmem>> -> memref<128x128xf32, #tpu.memory_space<vmem>>
      tpu.enqueue_dma source(%dma_start3A_176 : memref<128x128xf32, #tpu.memory_space<vmem>>) target(%dma_start3A_173 : memref<128x128xf32, #tpu.memory_space<vmem_shared>>) target_semaphore(%run_scoped3A : memref<!tpu.dma_semaphore, #tpu.memory_space<semaphore_mem>>)
      %dma_wait3A_177 = arith.constant 0 : i32
      %dma_wait3A_178 = arith.constant 0 : i32
      %dma_wait3A_179 = tpu.memref_slice %arg9[%dma_wait3A_177, %dma_wait3A_178] : memref<128x128xf32, #tpu.memory_space<vmem>> -> memref<128x128xf32, #tpu.memory_space<vmem>>
      %dma_wait3A_180 = arith.constant 0 : i32
      %dma_wait3A_181 = tpu.memref_slice %arg12[%add3A_14, %dma_wait3A_180] : memref<10112x128xf32, #tpu.memory_space<vmem_shared>> -> memref<128x128xf32, #tpu.memory_space<vmem_shared>>
      %dma_wait3A_182 = arith.constant 0 : i32
      %dma_wait3A_183 = tpu.memref_slice %arg12[%add3A_14, %dma_wait3A_182] : memref<10112x128xf32, #tpu.memory_space<vmem_shared>> -> memref<128x128xf32, #tpu.memory_space<vmem_shared>>
      %dma_wait3A_184 = arith.constant 0 : i32
      %dma_wait3A_185 = arith.constant 0 : i32
      %dma_wait3A_186 = tpu.memref_slice %arg9[%dma_wait3A_184, %dma_wait3A_185] : memref<128x128xf32, #tpu.memory_space<vmem>> -> memref<128x128xf32, #tpu.memory_space<vmem>>
      tpu.wait_dma2 semaphore(%run_scoped3A : memref<!tpu.dma_semaphore, #tpu.memory_space<semaphore_mem>>) src(%dma_wait3A_186 : memref<128x128xf32, #tpu.memory_space<vmem>>) dst(%dma_wait3A_183 : memref<128x128xf32, #tpu.memory_space<vmem_shared>>)
      tpu.yield
    }) : () -> ()
    %add3A_15 = arith.constant 384 : i32
    %add3A_16 = arith.addi %mul3A_2, %add3A_15 : i32
    "tpu.region"() ({
      %run_scoped3A = tpu.sem_alloc : memref<!tpu.dma_semaphore, #tpu.memory_space<semaphore_mem>>
      %dma_start3A_167 = arith.constant 0 : i32
      %dma_start3A_168 = arith.constant 0 : i32
      %dma_start3A_169 = tpu.memref_slice %arg9[%dma_start3A_167, %dma_start3A_168] : memref<128x128xf32, #tpu.memory_space<vmem>> -> memref<128x128xf32, #tpu.memory_space<vmem>>
      %dma_start3A_170 = arith.constant 0 : i32
      %dma_start3A_171 = tpu.memref_slice %arg4[%add3A_16, %dma_start3A_170] : memref<10112x128xf32, #tpu.memory_space<hbm>> -> memref<128x128xf32, #tpu.memory_space<hbm>>
      %dma_start3A_172 = arith.constant 0 : i32
      %dma_start3A_173 = arith.constant 0 : i32
      %dma_start3A_174 = tpu.memref_slice %arg9[%dma_start3A_172, %dma_start3A_173] : memref<128x128xf32, #tpu.memory_space<vmem>> -> memref<128x128xf32, #tpu.memory_space<vmem>>
      %dma_start3A_175 = arith.constant 0 : i32
      %dma_start3A_176 = tpu.memref_slice %arg4[%add3A_16, %dma_start3A_175] : memref<10112x128xf32, #tpu.memory_space<hbm>> -> memref<128x128xf32, #tpu.memory_space<hbm>>
      tpu.enqueue_dma source(%dma_start3A_176 : memref<128x128xf32, #tpu.memory_space<hbm>>) target(%dma_start3A_174 : memref<128x128xf32, #tpu.memory_space<vmem>>) target_semaphore(%run_scoped3A : memref<!tpu.dma_semaphore, #tpu.memory_space<semaphore_mem>>)
      %dma_wait3A_177 = arith.constant 0 : i32
      %dma_wait3A_178 = arith.constant 0 : i32
      %dma_wait3A_179 = tpu.memref_slice %arg9[%dma_wait3A_177, %dma_wait3A_178] : memref<128x128xf32, #tpu.memory_space<vmem>> -> memref<128x128xf32, #tpu.memory_space<vmem>>
      %dma_wait3A_180 = arith.constant 0 : i32
      %dma_wait3A_181 = tpu.memref_slice %arg4[%add3A_16, %dma_wait3A_180] : memref<10112x128xf32, #tpu.memory_space<hbm>> -> memref<128x128xf32, #tpu.memory_space<hbm>>
      %dma_wait3A_182 = arith.constant 0 : i32
      %dma_wait3A_183 = arith.constant 0 : i32
      %dma_wait3A_184 = tpu.memref_slice %arg9[%dma_wait3A_182, %dma_wait3A_183] : memref<128x128xf32, #tpu.memory_space<vmem>> -> memref<128x128xf32, #tpu.memory_space<vmem>>
      %dma_wait3A_185 = arith.constant 0 : i32
      %dma_wait3A_186 = tpu.memref_slice %arg4[%add3A_16, %dma_wait3A_185] : memref<10112x128xf32, #tpu.memory_space<hbm>> -> memref<128x128xf32, #tpu.memory_space<hbm>>
      tpu.wait_dma2 semaphore(%run_scoped3A : memref<!tpu.dma_semaphore, #tpu.memory_space<semaphore_mem>>) src(%dma_wait3A_186 : memref<128x128xf32, #tpu.memory_space<hbm>>) dst(%dma_wait3A_184 : memref<128x128xf32, #tpu.memory_space<vmem>>)
      tpu.yield
    }) : () -> ()
    %add3A_17 = arith.constant 384 : i32
    %add3A_18 = arith.addi %mul3A_2, %add3A_17 : i32
    "tpu.region"() ({
      %run_scoped3A = tpu.sem_alloc : memref<!tpu.dma_semaphore, #tpu.memory_space<semaphore_mem>>
      %dma_start3A_167 = arith.constant 0 : i32
      %dma_start3A_168 = arith.constant 0 : i32
      %dma_start3A_169 = tpu.memref_slice %arg9[%dma_start3A_167, %dma_start3A_168] : memref<128x128xf32, #tpu.memory_space<vmem>> -> memref<128x128xf32, #tpu.memory_space<vmem>>
      %dma_start3A_170 = arith.constant 0 : i32
      %dma_start3A_171 = tpu.memref_slice %arg12[%add3A_18, %dma_start3A_170] : memref<10112x128xf32, #tpu.memory_space<vmem_shared>> -> memref<128x128xf32, #tpu.memory_space<vmem_shared>>
      %dma_start3A_172 = arith.constant 0 : i32
      %dma_start3A_173 = tpu.memref_slice %arg12[%add3A_18, %dma_start3A_172] : memref<10112x128xf32, #tpu.memory_space<vmem_shared>> -> memref<128x128xf32, #tpu.memory_space<vmem_shared>>
      %dma_start3A_174 = arith.constant 0 : i32
      %dma_start3A_175 = arith.constant 0 : i32
      %dma_start3A_176 = tpu.memref_slice %arg9[%dma_start3A_174, %dma_start3A_175] : memref<128x128xf32, #tpu.memory_space<vmem>> -> memref<128x128xf32, #tpu.memory_space<vmem>>
      tpu.enqueue_dma source(%dma_start3A_176 : memref<128x128xf32, #tpu.memory_space<vmem>>) target(%dma_start3A_173 : memref<128x128xf32, #tpu.memory_space<vmem_shared>>) target_semaphore(%run_scoped3A : memref<!tpu.dma_semaphore, #tpu.memory_space<semaphore_mem>>)
      %dma_wait3A_177 = arith.constant 0 : i32
      %dma_wait3A_178 = arith.constant 0 : i32
      %dma_wait3A_179 = tpu.memref_slice %arg9[%dma_wait3A_177, %dma_wait3A_178] : memref<128x128xf32, #tpu.memory_space<vmem>> -> memref<128x128xf32, #tpu.memory_space<vmem>>
      %dma_wait3A_180 = arith.constant 0 : i32
      %dma_wait3A_181 = tpu.memref_slice %arg12[%add3A_18, %dma_wait3A_180] : memref<10112x128xf32, #tpu.memory_space<vmem_shared>> -> memref<128x128xf32, #tpu.memory_space<vmem_shared>>
      %dma_wait3A_182 = arith.constant 0 : i32
      %dma_wait3A_183 = tpu.memref_slice %arg12[%add3A_18, %dma_wait3A_182] : memref<10112x128xf32, #tpu.memory_space<vmem_shared>> -> memref<128x128xf32, #tpu.memory_space<vmem_shared>>
      %dma_wait3A_184 = arith.constant 0 : i32
      %dma_wait3A_185 = arith.constant 0 : i32
      %dma_wait3A_186 = tpu.memref_slice %arg9[%dma_wait3A_184, %dma_wait3A_185] : memref<128x128xf32, #tpu.memory_space<vmem>> -> memref<128x128xf32, #tpu.memory_space<vmem>>
      tpu.wait_dma2 semaphore(%run_scoped3A : memref<!tpu.dma_semaphore, #tpu.memory_space<semaphore_mem>>) src(%dma_wait3A_186 : memref<128x128xf32, #tpu.memory_space<vmem>>) dst(%dma_wait3A_183 : memref<128x128xf32, #tpu.memory_space<vmem_shared>>)
      tpu.yield
    }) : () -> ()
    %add3A_19 = arith.constant 512 : i32
    %add3A_20 = arith.addi %mul3A_2, %add3A_19 : i32
    "tpu.region"() ({
      %run_scoped3A = tpu.sem_alloc : memref<!tpu.dma_semaphore, #tpu.memory_space<semaphore_mem>>
      %dma_start3A_167 = arith.constant 0 : i32
      %dma_start3A_168 = arith.constant 0 : i32
      %dma_start3A_169 = tpu.memref_slice %arg9[%dma_start3A_167, %dma_start3A_168] : memref<128x128xf32, #tpu.memory_space<vmem>> -> memref<120x128xf32, #tpu.memory_space<vmem>>
      %dma_start3A_170 = arith.constant 0 : i32
      %dma_start3A_171 = tpu.memref_slice %arg4[%add3A_20, %dma_start3A_170] : memref<10112x128xf32, #tpu.memory_space<hbm>> -> memref<120x128xf32, #tpu.memory_space<hbm>>
      %dma_start3A_172 = arith.constant 0 : i32
      %dma_start3A_173 = arith.constant 0 : i32
      %dma_start3A_174 = tpu.memref_slice %arg9[%dma_start3A_172, %dma_start3A_173] : memref<128x128xf32, #tpu.memory_space<vmem>> -> memref<120x128xf32, #tpu.memory_space<vmem>>
      %dma_start3A_175 = arith.constant 0 : i32
      %dma_start3A_176 = tpu.memref_slice %arg4[%add3A_20, %dma_start3A_175] : memref<10112x128xf32, #tpu.memory_space<hbm>> -> memref<120x128xf32, #tpu.memory_space<hbm>>
      tpu.enqueue_dma source(%dma_start3A_176 : memref<120x128xf32, #tpu.memory_space<hbm>>) target(%dma_start3A_174 : memref<120x128xf32, #tpu.memory_space<vmem>>) target_semaphore(%run_scoped3A : memref<!tpu.dma_semaphore, #tpu.memory_space<semaphore_mem>>)
      %dma_wait3A_177 = arith.constant 0 : i32
      %dma_wait3A_178 = arith.constant 0 : i32
      %dma_wait3A_179 = tpu.memref_slice %arg9[%dma_wait3A_177, %dma_wait3A_178] : memref<128x128xf32, #tpu.memory_space<vmem>> -> memref<120x128xf32, #tpu.memory_space<vmem>>
      %dma_wait3A_180 = arith.constant 0 : i32
      %dma_wait3A_181 = tpu.memref_slice %arg4[%add3A_20, %dma_wait3A_180] : memref<10112x128xf32, #tpu.memory_space<hbm>> -> memref<120x128xf32, #tpu.memory_space<hbm>>
      %dma_wait3A_182 = arith.constant 0 : i32
      %dma_wait3A_183 = arith.constant 0 : i32
      %dma_wait3A_184 = tpu.memref_slice %arg9[%dma_wait3A_182, %dma_wait3A_183] : memref<128x128xf32, #tpu.memory_space<vmem>> -> memref<120x128xf32, #tpu.memory_space<vmem>>
      %dma_wait3A_185 = arith.constant 0 : i32
      %dma_wait3A_186 = tpu.memref_slice %arg4[%add3A_20, %dma_wait3A_185] : memref<10112x128xf32, #tpu.memory_space<hbm>> -> memref<120x128xf32, #tpu.memory_space<hbm>>
      tpu.wait_dma2 semaphore(%run_scoped3A : memref<!tpu.dma_semaphore, #tpu.memory_space<semaphore_mem>>) src(%dma_wait3A_186 : memref<120x128xf32, #tpu.memory_space<hbm>>) dst(%dma_wait3A_184 : memref<120x128xf32, #tpu.memory_space<vmem>>)
      tpu.yield
    }) : () -> ()
    %add3A_21 = arith.constant 512 : i32
    %add3A_22 = arith.addi %mul3A_2, %add3A_21 : i32
    "tpu.region"() ({
      %run_scoped3A = tpu.sem_alloc : memref<!tpu.dma_semaphore, #tpu.memory_space<semaphore_mem>>
      %dma_start3A_167 = arith.constant 0 : i32
      %dma_start3A_168 = arith.constant 0 : i32
      %dma_start3A_169 = tpu.memref_slice %arg9[%dma_start3A_167, %dma_start3A_168] : memref<128x128xf32, #tpu.memory_space<vmem>> -> memref<120x128xf32, #tpu.memory_space<vmem>>
      %dma_start3A_170 = arith.constant 0 : i32
      %dma_start3A_171 = tpu.memref_slice %arg12[%add3A_22, %dma_start3A_170] : memref<10112x128xf32, #tpu.memory_space<vmem_shared>> -> memref<120x128xf32, #tpu.memory_space<vmem_shared>>
      %dma_start3A_172 = arith.constant 0 : i32
      %dma_start3A_173 = tpu.memref_slice %arg12[%add3A_22, %dma_start3A_172] : memref<10112x128xf32, #tpu.memory_space<vmem_shared>> -> memref<120x128xf32, #tpu.memory_space<vmem_shared>>
      %dma_start3A_174 = arith.constant 0 : i32
      %dma_start3A_175 = arith.constant 0 : i32
      %dma_start3A_176 = tpu.memref_slice %arg9[%dma_start3A_174, %dma_start3A_175] : memref<128x128xf32, #tpu.memory_space<vmem>> -> memref<120x128xf32, #tpu.memory_space<vmem>>
      tpu.enqueue_dma source(%dma_start3A_176 : memref<120x128xf32, #tpu.memory_space<vmem>>) target(%dma_start3A_173 : memref<120x128xf32, #tpu.memory_space<vmem_shared>>) target_semaphore(%run_scoped3A : memref<!tpu.dma_semaphore, #tpu.memory_space<semaphore_mem>>)
      %dma_wait3A_177 = arith.constant 0 : i32
      %dma_wait3A_178 = arith.constant 0 : i32
      %dma_wait3A_179 = tpu.memref_slice %arg9[%dma_wait3A_177, %dma_wait3A_178] : memref<128x128xf32, #tpu.memory_space<vmem>> -> memref<120x128xf32, #tpu.memory_space<vmem>>
      %dma_wait3A_180 = arith.constant 0 : i32
      %dma_wait3A_181 = tpu.memref_slice %arg12[%add3A_22, %dma_wait3A_180] : memref<10112x128xf32, #tpu.memory_space<vmem_shared>> -> memref<120x128xf32, #tpu.memory_space<vmem_shared>>
      %dma_wait3A_182 = arith.constant 0 : i32
      %dma_wait3A_183 = tpu.memref_slice %arg12[%add3A_22, %dma_wait3A_182] : memref<10112x128xf32, #tpu.memory_space<vmem_shared>> -> memref<120x128xf32, #tpu.memory_space<vmem_shared>>
      %dma_wait3A_184 = arith.constant 0 : i32
      %dma_wait3A_185 = arith.constant 0 : i32
      %dma_wait3A_186 = tpu.memref_slice %arg9[%dma_wait3A_184, %dma_wait3A_185] : memref<128x128xf32, #tpu.memory_space<vmem>> -> memref<120x128xf32, #tpu.memory_space<vmem>>
      tpu.wait_dma2 semaphore(%run_scoped3A : memref<!tpu.dma_semaphore, #tpu.memory_space<semaphore_mem>>) src(%dma_wait3A_186 : memref<120x128xf32, #tpu.memory_space<vmem>>) dst(%dma_wait3A_183 : memref<120x128xf32, #tpu.memory_space<vmem_shared>>)
      tpu.yield
    }) : () -> ()
    %barrier3A = arith.constant 0 : index
    tpu.barrier barrier_id(%barrier3A)
    %scan3A = arith.constant 0 : i32
    %scan3A_23 = arith.constant 0 : i32
    %scan3A_24 = arith.constant 27 : i32
    %scan3A_25 = arith.addi %scan3A_23, %scan3A_24 : i32
    %scan3A_26 = arith.constant 1 : i32
    scf.for %scan3A_167 = %scan3A_23 to %scan3A_25 step %scan3A_26  : i32 {
      %mul3A_168 = arith.constant 81 : i32
      %mul3A_169 = arith.muli %add3A, %mul3A_168 : i32
      %mul3A_170 = arith.constant 3 : i32
      %mul3A_171 = arith.muli %mul3A_170, %scan3A_167 : i32
      %add3A_172 = arith.addi %mul3A_169, %mul3A_171 : i32
      "tpu.region"() ({
        %run_scoped3A = tpu.sem_alloc : memref<!tpu.dma_semaphore, #tpu.memory_space<semaphore_mem>>
        %dma_start3A_261 = arith.constant 0 : i32
        %dma_start3A_262 = arith.constant 0 : i32
        %dma_start3A_263 = tpu.memref_slice %arg3[%add3A_172, %dma_start3A_261, %dma_start3A_262] : memref<2592x2x128xi32, #tpu.memory_space<hbm>> -> memref<1x2x128xi32, #tpu.memory_space<hbm>>
        %dma_start3A_264 = tpu.memref_squeeze %dma_start3A_263 : memref<1x2x128xi32, #tpu.memory_space<hbm>> -> memref<2x128xi32, #tpu.memory_space<hbm>>
        %dma_start3A_265 = arith.constant 0 : i32
        %dma_start3A_266 = arith.constant 0 : i32
        %dma_start3A_267 = tpu.memref_slice %arg3[%add3A_172, %dma_start3A_265, %dma_start3A_266] : memref<2592x2x128xi32, #tpu.memory_space<hbm>> -> memref<1x2x128xi32, #tpu.memory_space<hbm>>
        %dma_start3A_268 = tpu.memref_squeeze %dma_start3A_267 : memref<1x2x128xi32, #tpu.memory_space<hbm>> -> memref<2x128xi32, #tpu.memory_space<hbm>>
        tpu.enqueue_dma source(%dma_start3A_268 : memref<2x128xi32, #tpu.memory_space<hbm>>) target(%arg6 : memref<2x128xi32, #tpu.memory_space<vmem>>) target_semaphore(%run_scoped3A : memref<!tpu.dma_semaphore, #tpu.memory_space<semaphore_mem>>)
        %dma_wait3A_269 = arith.constant 0 : i32
        %dma_wait3A_270 = arith.constant 0 : i32
        %dma_wait3A_271 = tpu.memref_slice %arg3[%add3A_172, %dma_wait3A_269, %dma_wait3A_270] : memref<2592x2x128xi32, #tpu.memory_space<hbm>> -> memref<1x2x128xi32, #tpu.memory_space<hbm>>
        %dma_wait3A_272 = tpu.memref_squeeze %dma_wait3A_271 : memref<1x2x128xi32, #tpu.memory_space<hbm>> -> memref<2x128xi32, #tpu.memory_space<hbm>>
        %dma_wait3A_273 = arith.constant 0 : i32
        %dma_wait3A_274 = arith.constant 0 : i32
        %dma_wait3A_275 = tpu.memref_slice %arg3[%add3A_172, %dma_wait3A_273, %dma_wait3A_274] : memref<2592x2x128xi32, #tpu.memory_space<hbm>> -> memref<1x2x128xi32, #tpu.memory_space<hbm>>
        %dma_wait3A_276 = tpu.memref_squeeze %dma_wait3A_275 : memref<1x2x128xi32, #tpu.memory_space<hbm>> -> memref<2x128xi32, #tpu.memory_space<hbm>>
        tpu.wait_dma2 semaphore(%run_scoped3A : memref<!tpu.dma_semaphore, #tpu.memory_space<semaphore_mem>>) src(%dma_wait3A_276 : memref<2x128xi32, #tpu.memory_space<hbm>>) dst(%arg6 : memref<2x128xi32, #tpu.memory_space<vmem>>)
        tpu.yield
      }) : () -> ()
      %dma_start3A_173 = arith.constant 0 : i32
      %dma_start3A_174 = arith.constant 0 : i32
      %dma_start3A_175 = tpu.memref_slice %arg6[%dma_start3A_173, %dma_start3A_174] : memref<2x128xi32, #tpu.memory_space<vmem>> -> memref<1x128xi32, #tpu.memory_space<vmem>>
      %dma_start3A_176 = tpu.memref_squeeze %dma_start3A_175 : memref<1x128xi32, #tpu.memory_space<vmem>> -> memref<128xi32, #tpu.memory_space<vmem>>
      %dma_start3A_177 = arith.constant 0 : i32
      %dma_start3A_178 = arith.constant 0 : i32
      %dma_start3A_179 = tpu.memref_slice %arg2[%dma_start3A_177, %dma_start3A_178] : memref<10112x128xf32, #tpu.memory_space<hbm>> -> memref<10112x128xf32, #tpu.memory_space<hbm>>
      tpu.enqueue_indirect_dma source(%dma_start3A_179 : memref<10112x128xf32, #tpu.memory_space<hbm>>) target(%arg9 : memref<128x128xf32, #tpu.memory_space<vmem>>) offsets(%dma_start3A_176 : memref<128xi32, #tpu.memory_space<vmem>>) semaphore(%arg13 : memref<!tpu.dma_semaphore, #tpu.memory_space<semaphore_mem>>)
      %add3A_180 = arith.constant 1 : i32
      %add3A_181 = arith.addi %add3A_172, %add3A_180 : i32
      "tpu.region"() ({
        %run_scoped3A = tpu.sem_alloc : memref<!tpu.dma_semaphore, #tpu.memory_space<semaphore_mem>>
        %dma_start3A_261 = arith.constant 0 : i32
        %dma_start3A_262 = arith.constant 0 : i32
        %dma_start3A_263 = tpu.memref_slice %arg3[%add3A_181, %dma_start3A_261, %dma_start3A_262] : memref<2592x2x128xi32, #tpu.memory_space<hbm>> -> memref<1x2x128xi32, #tpu.memory_space<hbm>>
        %dma_start3A_264 = tpu.memref_squeeze %dma_start3A_263 : memref<1x2x128xi32, #tpu.memory_space<hbm>> -> memref<2x128xi32, #tpu.memory_space<hbm>>
        %dma_start3A_265 = arith.constant 0 : i32
        %dma_start3A_266 = arith.constant 0 : i32
        %dma_start3A_267 = tpu.memref_slice %arg3[%add3A_181, %dma_start3A_265, %dma_start3A_266] : memref<2592x2x128xi32, #tpu.memory_space<hbm>> -> memref<1x2x128xi32, #tpu.memory_space<hbm>>
        %dma_start3A_268 = tpu.memref_squeeze %dma_start3A_267 : memref<1x2x128xi32, #tpu.memory_space<hbm>> -> memref<2x128xi32, #tpu.memory_space<hbm>>
        tpu.enqueue_dma source(%dma_start3A_268 : memref<2x128xi32, #tpu.memory_space<hbm>>) target(%arg7 : memref<2x128xi32, #tpu.memory_space<vmem>>) target_semaphore(%run_scoped3A : memref<!tpu.dma_semaphore, #tpu.memory_space<semaphore_mem>>)
        %dma_wait3A_269 = arith.constant 0 : i32
        %dma_wait3A_270 = arith.constant 0 : i32
        %dma_wait3A_271 = tpu.memref_slice %arg3[%add3A_181, %dma_wait3A_269, %dma_wait3A_270] : memref<2592x2x128xi32, #tpu.memory_space<hbm>> -> memref<1x2x128xi32, #tpu.memory_space<hbm>>
        %dma_wait3A_272 = tpu.memref_squeeze %dma_wait3A_271 : memref<1x2x128xi32, #tpu.memory_space<hbm>> -> memref<2x128xi32, #tpu.memory_space<hbm>>
        %dma_wait3A_273 = arith.constant 0 : i32
        %dma_wait3A_274 = arith.constant 0 : i32
        %dma_wait3A_275 = tpu.memref_slice %arg3[%add3A_181, %dma_wait3A_273, %dma_wait3A_274] : memref<2592x2x128xi32, #tpu.memory_space<hbm>> -> memref<1x2x128xi32, #tpu.memory_space<hbm>>
        %dma_wait3A_276 = tpu.memref_squeeze %dma_wait3A_275 : memref<1x2x128xi32, #tpu.memory_space<hbm>> -> memref<2x128xi32, #tpu.memory_space<hbm>>
        tpu.wait_dma2 semaphore(%run_scoped3A : memref<!tpu.dma_semaphore, #tpu.memory_space<semaphore_mem>>) src(%dma_wait3A_276 : memref<2x128xi32, #tpu.memory_space<hbm>>) dst(%arg7 : memref<2x128xi32, #tpu.memory_space<vmem>>)
        tpu.yield
      }) : () -> ()
      %dma_start3A_182 = arith.constant 0 : i32
      %dma_start3A_183 = arith.constant 0 : i32
      %dma_start3A_184 = tpu.memref_slice %arg7[%dma_start3A_182, %dma_start3A_183] : memref<2x128xi32, #tpu.memory_space<vmem>> -> memref<1x128xi32, #tpu.memory_space<vmem>>
      %dma_start3A_185 = tpu.memref_squeeze %dma_start3A_184 : memref<1x128xi32, #tpu.memory_space<vmem>> -> memref<128xi32, #tpu.memory_space<vmem>>
      %dma_start3A_186 = arith.constant 0 : i32
      %dma_start3A_187 = arith.constant 0 : i32
      %dma_start3A_188 = tpu.memref_slice %arg2[%dma_start3A_186, %dma_start3A_187] : memref<10112x128xf32, #tpu.memory_space<hbm>> -> memref<10112x128xf32, #tpu.memory_space<hbm>>
      tpu.enqueue_indirect_dma source(%dma_start3A_188 : memref<10112x128xf32, #tpu.memory_space<hbm>>) target(%arg10 : memref<128x128xf32, #tpu.memory_space<vmem>>) offsets(%dma_start3A_185 : memref<128xi32, #tpu.memory_space<vmem>>) semaphore(%arg14 : memref<!tpu.dma_semaphore, #tpu.memory_space<semaphore_mem>>)
      %add3A_189 = arith.constant 2 : i32
      %add3A_190 = arith.addi %add3A_172, %add3A_189 : i32
      "tpu.region"() ({
        %run_scoped3A = tpu.sem_alloc : memref<!tpu.dma_semaphore, #tpu.memory_space<semaphore_mem>>
        %dma_start3A_261 = arith.constant 0 : i32
        %dma_start3A_262 = arith.constant 0 : i32
        %dma_start3A_263 = tpu.memref_slice %arg3[%add3A_190, %dma_start3A_261, %dma_start3A_262] : memref<2592x2x128xi32, #tpu.memory_space<hbm>> -> memref<1x2x128xi32, #tpu.memory_space<hbm>>
        %dma_start3A_264 = tpu.memref_squeeze %dma_start3A_263 : memref<1x2x128xi32, #tpu.memory_space<hbm>> -> memref<2x128xi32, #tpu.memory_space<hbm>>
        %dma_start3A_265 = arith.constant 0 : i32
        %dma_start3A_266 = arith.constant 0 : i32
        %dma_start3A_267 = tpu.memref_slice %arg3[%add3A_190, %dma_start3A_265, %dma_start3A_266] : memref<2592x2x128xi32, #tpu.memory_space<hbm>> -> memref<1x2x128xi32, #tpu.memory_space<hbm>>
        %dma_start3A_268 = tpu.memref_squeeze %dma_start3A_267 : memref<1x2x128xi32, #tpu.memory_space<hbm>> -> memref<2x128xi32, #tpu.memory_space<hbm>>
        tpu.enqueue_dma source(%dma_start3A_268 : memref<2x128xi32, #tpu.memory_space<hbm>>) target(%arg8 : memref<2x128xi32, #tpu.memory_space<vmem>>) target_semaphore(%run_scoped3A : memref<!tpu.dma_semaphore, #tpu.memory_space<semaphore_mem>>)
        %dma_wait3A_269 = arith.constant 0 : i32
        %dma_wait3A_270 = arith.constant 0 : i32
        %dma_wait3A_271 = tpu.memref_slice %arg3[%add3A_190, %dma_wait3A_269, %dma_wait3A_270] : memref<2592x2x128xi32, #tpu.memory_space<hbm>> -> memref<1x2x128xi32, #tpu.memory_space<hbm>>
        %dma_wait3A_272 = tpu.memref_squeeze %dma_wait3A_271 : memref<1x2x128xi32, #tpu.memory_space<hbm>> -> memref<2x128xi32, #tpu.memory_space<hbm>>
        %dma_wait3A_273 = arith.constant 0 : i32
        %dma_wait3A_274 = arith.constant 0 : i32
        %dma_wait3A_275 = tpu.memref_slice %arg3[%add3A_190, %dma_wait3A_273, %dma_wait3A_274] : memref<2592x2x128xi32, #tpu.memory_space<hbm>> -> memref<1x2x128xi32, #tpu.memory_space<hbm>>
        %dma_wait3A_276 = tpu.memref_squeeze %dma_wait3A_275 : memref<1x2x128xi32, #tpu.memory_space<hbm>> -> memref<2x128xi32, #tpu.memory_space<hbm>>
        tpu.wait_dma2 semaphore(%run_scoped3A : memref<!tpu.dma_semaphore, #tpu.memory_space<semaphore_mem>>) src(%dma_wait3A_276 : memref<2x128xi32, #tpu.memory_space<hbm>>) dst(%arg8 : memref<2x128xi32, #tpu.memory_space<vmem>>)
        tpu.yield
      }) : () -> ()
      %dma_start3A_191 = arith.constant 0 : i32
      %dma_start3A_192 = arith.constant 0 : i32
      %dma_start3A_193 = tpu.memref_slice %arg8[%dma_start3A_191, %dma_start3A_192] : memref<2x128xi32, #tpu.memory_space<vmem>> -> memref<1x128xi32, #tpu.memory_space<vmem>>
      %dma_start3A_194 = tpu.memref_squeeze %dma_start3A_193 : memref<1x128xi32, #tpu.memory_space<vmem>> -> memref<128xi32, #tpu.memory_space<vmem>>
      %dma_start3A_195 = arith.constant 0 : i32
      %dma_start3A_196 = arith.constant 0 : i32
      %dma_start3A_197 = tpu.memref_slice %arg2[%dma_start3A_195, %dma_start3A_196] : memref<10112x128xf32, #tpu.memory_space<hbm>> -> memref<10112x128xf32, #tpu.memory_space<hbm>>
      tpu.enqueue_indirect_dma source(%dma_start3A_197 : memref<10112x128xf32, #tpu.memory_space<hbm>>) target(%arg11 : memref<128x128xf32, #tpu.memory_space<vmem>>) offsets(%dma_start3A_194 : memref<128xi32, #tpu.memory_space<vmem>>) semaphore(%arg15 : memref<!tpu.dma_semaphore, #tpu.memory_space<semaphore_mem>>)
      %dma_wait3A_198 = arith.constant 0 : i32
      %dma_wait3A_199 = arith.constant 0 : i32
      %dma_wait3A_200 = tpu.memref_slice %arg6[%dma_wait3A_198, %dma_wait3A_199] : memref<2x128xi32, #tpu.memory_space<vmem>> -> memref<1x128xi32, #tpu.memory_space<vmem>>
      %dma_wait3A_201 = tpu.memref_squeeze %dma_wait3A_200 : memref<1x128xi32, #tpu.memory_space<vmem>> -> memref<128xi32, #tpu.memory_space<vmem>>
      %dma_wait3A_202 = arith.constant 0 : i32
      %dma_wait3A_203 = arith.constant 0 : i32
      %dma_wait3A_204 = tpu.memref_slice %arg2[%dma_wait3A_202, %dma_wait3A_203] : memref<10112x128xf32, #tpu.memory_space<hbm>> -> memref<10112x128xf32, #tpu.memory_space<hbm>>
      tpu.wait_indirect_dma semaphore(%arg13 : memref<!tpu.dma_semaphore, #tpu.memory_space<semaphore_mem>>) src(%dma_wait3A_204 : memref<10112x128xf32, #tpu.memory_space<hbm>>) dst(%arg9 : memref<128x128xf32, #tpu.memory_space<vmem>>)
      %dma_start3A_205 = arith.constant 1 : i32
      %dma_start3A_206 = arith.constant 0 : i32
      %dma_start3A_207 = tpu.memref_slice %arg6[%dma_start3A_205, %dma_start3A_206] : memref<2x128xi32, #tpu.memory_space<vmem>> -> memref<1x128xi32, #tpu.memory_space<vmem>>
      %dma_start3A_208 = tpu.memref_squeeze %dma_start3A_207 : memref<1x128xi32, #tpu.memory_space<vmem>> -> memref<128xi32, #tpu.memory_space<vmem>>
      %dma_start3A_209 = arith.constant 0 : i32
      %dma_start3A_210 = arith.constant 0 : i32
      %dma_start3A_211 = tpu.memref_slice %arg12[%dma_start3A_209, %dma_start3A_210] : memref<10112x128xf32, #tpu.memory_space<vmem_shared>> -> memref<10112x128xf32, #tpu.memory_space<vmem_shared>>
      tpu.enqueue_indirect_dma source(%arg9 : memref<128x128xf32, #tpu.memory_space<vmem>>) target(%dma_start3A_211 : memref<10112x128xf32, #tpu.memory_space<vmem_shared>>) offsets(%dma_start3A_208 : memref<128xi32, #tpu.memory_space<vmem>>) semaphore(%arg16 : memref<!tpu.dma_semaphore, #tpu.memory_space<semaphore_mem>>) {add = true}
      %dma_wait3A_212 = arith.constant 0 : i32
      %dma_wait3A_213 = arith.constant 0 : i32
      %dma_wait3A_214 = tpu.memref_slice %arg7[%dma_wait3A_212, %dma_wait3A_213] : memref<2x128xi32, #tpu.memory_space<vmem>> -> memref<1x128xi32, #tpu.memory_space<vmem>>
      %dma_wait3A_215 = tpu.memref_squeeze %dma_wait3A_214 : memref<1x128xi32, #tpu.memory_space<vmem>> -> memref<128xi32, #tpu.memory_space<vmem>>
      %dma_wait3A_216 = arith.constant 0 : i32
      %dma_wait3A_217 = arith.constant 0 : i32
      %dma_wait3A_218 = tpu.memref_slice %arg2[%dma_wait3A_216, %dma_wait3A_217] : memref<10112x128xf32, #tpu.memory_space<hbm>> -> memref<10112x128xf32, #tpu.memory_space<hbm>>
      tpu.wait_indirect_dma semaphore(%arg14 : memref<!tpu.dma_semaphore, #tpu.memory_space<semaphore_mem>>) src(%dma_wait3A_218 : memref<10112x128xf32, #tpu.memory_space<hbm>>) dst(%arg10 : memref<128x128xf32, #tpu.memory_space<vmem>>)
      %dma_start3A_219 = arith.constant 1 : i32
      %dma_start3A_220 = arith.constant 0 : i32
      %dma_start3A_221 = tpu.memref_slice %arg7[%dma_start3A_219, %dma_start3A_220] : memref<2x128xi32, #tpu.memory_space<vmem>> -> memref<1x128xi32, #tpu.memory_space<vmem>>
      %dma_start3A_222 = tpu.memref_squeeze %dma_start3A_221 : memref<1x128xi32, #tpu.memory_space<vmem>> -> memref<128xi32, #tpu.memory_space<vmem>>
      %dma_start3A_223 = arith.constant 0 : i32
      %dma_start3A_224 = arith.constant 0 : i32
      %dma_start3A_225 = tpu.memref_slice %arg12[%dma_start3A_223, %dma_start3A_224] : memref<10112x128xf32, #tpu.memory_space<vmem_shared>> -> memref<10112x128xf32, #tpu.memory_space<vmem_shared>>
      tpu.enqueue_indirect_dma source(%arg10 : memref<128x128xf32, #tpu.memory_space<vmem>>) target(%dma_start3A_225 : memref<10112x128xf32, #tpu.memory_space<vmem_shared>>) offsets(%dma_start3A_222 : memref<128xi32, #tpu.memory_space<vmem>>) semaphore(%arg17 : memref<!tpu.dma_semaphore, #tpu.memory_space<semaphore_mem>>) {add = true}
      %dma_wait3A_226 = arith.constant 0 : i32
      %dma_wait3A_227 = arith.constant 0 : i32
      %dma_wait3A_228 = tpu.memref_slice %arg8[%dma_wait3A_226, %dma_wait3A_227] : memref<2x128xi32, #tpu.memory_space<vmem>> -> memref<1x128xi32, #tpu.memory_space<vmem>>
      %dma_wait3A_229 = tpu.memref_squeeze %dma_wait3A_228 : memref<1x128xi32, #tpu.memory_space<vmem>> -> memref<128xi32, #tpu.memory_space<vmem>>
      %dma_wait3A_230 = arith.constant 0 : i32
      %dma_wait3A_231 = arith.constant 0 : i32
      %dma_wait3A_232 = tpu.memref_slice %arg2[%dma_wait3A_230, %dma_wait3A_231] : memref<10112x128xf32, #tpu.memory_space<hbm>> -> memref<10112x128xf32, #tpu.memory_space<hbm>>
      tpu.wait_indirect_dma semaphore(%arg15 : memref<!tpu.dma_semaphore, #tpu.memory_space<semaphore_mem>>) src(%dma_wait3A_232 : memref<10112x128xf32, #tpu.memory_space<hbm>>) dst(%arg11 : memref<128x128xf32, #tpu.memory_space<vmem>>)
      %dma_start3A_233 = arith.constant 1 : i32
      %dma_start3A_234 = arith.constant 0 : i32
      %dma_start3A_235 = tpu.memref_slice %arg8[%dma_start3A_233, %dma_start3A_234] : memref<2x128xi32, #tpu.memory_space<vmem>> -> memref<1x128xi32, #tpu.memory_space<vmem>>
      %dma_start3A_236 = tpu.memref_squeeze %dma_start3A_235 : memref<1x128xi32, #tpu.memory_space<vmem>> -> memref<128xi32, #tpu.memory_space<vmem>>
      %dma_start3A_237 = arith.constant 0 : i32
      %dma_start3A_238 = arith.constant 0 : i32
      %dma_start3A_239 = tpu.memref_slice %arg12[%dma_start3A_237, %dma_start3A_238] : memref<10112x128xf32, #tpu.memory_space<vmem_shared>> -> memref<10112x128xf32, #tpu.memory_space<vmem_shared>>
      tpu.enqueue_indirect_dma source(%arg11 : memref<128x128xf32, #tpu.memory_space<vmem>>) target(%dma_start3A_239 : memref<10112x128xf32, #tpu.memory_space<vmem_shared>>) offsets(%dma_start3A_236 : memref<128xi32, #tpu.memory_space<vmem>>) semaphore(%arg18 : memref<!tpu.dma_semaphore, #tpu.memory_space<semaphore_mem>>) {add = true}
      %dma_wait3A_240 = arith.constant 1 : i32
      %dma_wait3A_241 = arith.constant 0 : i32
      %dma_wait3A_242 = tpu.memref_slice %arg6[%dma_wait3A_240, %dma_wait3A_241] : memref<2x128xi32, #tpu.memory_space<vmem>> -> memref<1x128xi32, #tpu.memory_space<vmem>>
      %dma_wait3A_243 = tpu.memref_squeeze %dma_wait3A_242 : memref<1x128xi32, #tpu.memory_space<vmem>> -> memref<128xi32, #tpu.memory_space<vmem>>
      %dma_wait3A_244 = arith.constant 0 : i32
      %dma_wait3A_245 = arith.constant 0 : i32
      %dma_wait3A_246 = tpu.memref_slice %arg12[%dma_wait3A_244, %dma_wait3A_245] : memref<10112x128xf32, #tpu.memory_space<vmem_shared>> -> memref<10112x128xf32, #tpu.memory_space<vmem_shared>>
      tpu.wait_indirect_dma semaphore(%arg16 : memref<!tpu.dma_semaphore, #tpu.memory_space<semaphore_mem>>) src(%arg9 : memref<128x128xf32, #tpu.memory_space<vmem>>) dst(%dma_wait3A_246 : memref<10112x128xf32, #tpu.memory_space<vmem_shared>>)
      %dma_wait3A_247 = arith.constant 1 : i32
      %dma_wait3A_248 = arith.constant 0 : i32
      %dma_wait3A_249 = tpu.memref_slice %arg7[%dma_wait3A_247, %dma_wait3A_248] : memref<2x128xi32, #tpu.memory_space<vmem>> -> memref<1x128xi32, #tpu.memory_space<vmem>>
      %dma_wait3A_250 = tpu.memref_squeeze %dma_wait3A_249 : memref<1x128xi32, #tpu.memory_space<vmem>> -> memref<128xi32, #tpu.memory_space<vmem>>
      %dma_wait3A_251 = arith.constant 0 : i32
      %dma_wait3A_252 = arith.constant 0 : i32
      %dma_wait3A_253 = tpu.memref_slice %arg12[%dma_wait3A_251, %dma_wait3A_252] : memref<10112x128xf32, #tpu.memory_space<vmem_shared>> -> memref<10112x128xf32, #tpu.memory_space<vmem_shared>>
      tpu.wait_indirect_dma semaphore(%arg17 : memref<!tpu.dma_semaphore, #tpu.memory_space<semaphore_mem>>) src(%arg10 : memref<128x128xf32, #tpu.memory_space<vmem>>) dst(%dma_wait3A_253 : memref<10112x128xf32, #tpu.memory_space<vmem_shared>>)
      %dma_wait3A_254 = arith.constant 1 : i32
      %dma_wait3A_255 = arith.constant 0 : i32
      %dma_wait3A_256 = tpu.memref_slice %arg8[%dma_wait3A_254, %dma_wait3A_255] : memref<2x128xi32, #tpu.memory_space<vmem>> -> memref<1x128xi32, #tpu.memory_space<vmem>>
      %dma_wait3A_257 = tpu.memref_squeeze %dma_wait3A_256 : memref<1x128xi32, #tpu.memory_space<vmem>> -> memref<128xi32, #tpu.memory_space<vmem>>
      %dma_wait3A_258 = arith.constant 0 : i32
      %dma_wait3A_259 = arith.constant 0 : i32
      %dma_wait3A_260 = tpu.memref_slice %arg12[%dma_wait3A_258, %dma_wait3A_259] : memref<10112x128xf32, #tpu.memory_space<vmem_shared>> -> memref<10112x128xf32, #tpu.memory_space<vmem_shared>>
      tpu.wait_indirect_dma semaphore(%arg18 : memref<!tpu.dma_semaphore, #tpu.memory_space<semaphore_mem>>) src(%arg11 : memref<128x128xf32, #tpu.memory_space<vmem>>) dst(%dma_wait3A_260 : memref<10112x128xf32, #tpu.memory_space<vmem_shared>>)
    }
    %scan3A_27 = arith.constant 27 : i32
    %barrier3A_28 = arith.constant 0 : index
    tpu.barrier barrier_id(%barrier3A_28)
    %add3A_29 = arith.constant 0 : i32
    %add3A_30 = arith.addi %mul3A_2, %add3A_29 : i32
    "tpu.region"() ({
      %run_scoped3A = tpu.sem_alloc : memref<!tpu.dma_semaphore, #tpu.memory_space<semaphore_mem>>
      %dma_start3A_167 = arith.constant 0 : i32
      %dma_start3A_168 = arith.constant 0 : i32
      %dma_start3A_169 = tpu.memref_slice %arg9[%dma_start3A_167, %dma_start3A_168] : memref<128x128xf32, #tpu.memory_space<vmem>> -> memref<128x128xf32, #tpu.memory_space<vmem>>
      %dma_start3A_170 = arith.constant 0 : i32
      %dma_start3A_171 = tpu.memref_slice %arg12[%add3A_30, %dma_start3A_170] : memref<10112x128xf32, #tpu.memory_space<vmem_shared>> -> memref<128x128xf32, #tpu.memory_space<vmem_shared>>
      %dma_start3A_172 = arith.constant 0 : i32
      %dma_start3A_173 = arith.constant 0 : i32
      %dma_start3A_174 = tpu.memref_slice %arg9[%dma_start3A_172, %dma_start3A_173] : memref<128x128xf32, #tpu.memory_space<vmem>> -> memref<128x128xf32, #tpu.memory_space<vmem>>
      %dma_start3A_175 = arith.constant 0 : i32
      %dma_start3A_176 = tpu.memref_slice %arg12[%add3A_30, %dma_start3A_175] : memref<10112x128xf32, #tpu.memory_space<vmem_shared>> -> memref<128x128xf32, #tpu.memory_space<vmem_shared>>
      tpu.enqueue_dma source(%dma_start3A_176 : memref<128x128xf32, #tpu.memory_space<vmem_shared>>) target(%dma_start3A_174 : memref<128x128xf32, #tpu.memory_space<vmem>>) target_semaphore(%run_scoped3A : memref<!tpu.dma_semaphore, #tpu.memory_space<semaphore_mem>>)
      %dma_wait3A_177 = arith.constant 0 : i32
      %dma_wait3A_178 = arith.constant 0 : i32
      %dma_wait3A_179 = tpu.memref_slice %arg9[%dma_wait3A_177, %dma_wait3A_178] : memref<128x128xf32, #tpu.memory_space<vmem>> -> memref<128x128xf32, #tpu.memory_space<vmem>>
      %dma_wait3A_180 = arith.constant 0 : i32
      %dma_wait3A_181 = tpu.memref_slice %arg12[%add3A_30, %dma_wait3A_180] : memref<10112x128xf32, #tpu.memory_space<vmem_shared>> -> memref<128x128xf32, #tpu.memory_space<vmem_shared>>
      %dma_wait3A_182 = arith.constant 0 : i32
      %dma_wait3A_183 = arith.constant 0 : i32
      %dma_wait3A_184 = tpu.memref_slice %arg9[%dma_wait3A_182, %dma_wait3A_183] : memref<128x128xf32, #tpu.memory_space<vmem>> -> memref<128x128xf32, #tpu.memory_space<vmem>>
      %dma_wait3A_185 = arith.constant 0 : i32
      %dma_wait3A_186 = tpu.memref_slice %arg12[%add3A_30, %dma_wait3A_185] : memref<10112x128xf32, #tpu.memory_space<vmem_shared>> -> memref<128x128xf32, #tpu.memory_space<vmem_shared>>
      tpu.wait_dma2 semaphore(%run_scoped3A : memref<!tpu.dma_semaphore, #tpu.memory_space<semaphore_mem>>) src(%dma_wait3A_186 : memref<128x128xf32, #tpu.memory_space<vmem_shared>>) dst(%dma_wait3A_184 : memref<128x128xf32, #tpu.memory_space<vmem>>)
      tpu.yield
    }) : () -> ()
    %add3A_31 = arith.constant 0 : i32
    %add3A_32 = arith.addi %mul3A_2, %add3A_31 : i32
    %dma_start3A = arith.constant 0 : i32
    %dma_start3A_33 = arith.constant 0 : i32
    %dma_start3A_34 = tpu.memref_slice %arg9[%dma_start3A, %dma_start3A_33] : memref<128x128xf32, #tpu.memory_space<vmem>> -> memref<128x128xf32, #tpu.memory_space<vmem>>
    %dma_start3A_35 = arith.constant 0 : i32
    %dma_start3A_36 = tpu.memref_slice %arg5[%arg0, %add3A_32, %dma_start3A_35] : memref<2x10112x128xf32, #tpu.memory_space<hbm>> -> memref<1x128x128xf32, #tpu.memory_space<hbm>>
    %dma_start3A_37 = tpu.memref_squeeze %dma_start3A_36 : memref<1x128x128xf32, #tpu.memory_space<hbm>> -> memref<128x128xf32, #tpu.memory_space<hbm>>
    %dma_start3A_38 = arith.constant 0 : i32
    %dma_start3A_39 = tpu.memref_slice %arg5[%arg0, %add3A_32, %dma_start3A_38] : memref<2x10112x128xf32, #tpu.memory_space<hbm>> -> memref<1x128x128xf32, #tpu.memory_space<hbm>>
    %dma_start3A_40 = tpu.memref_squeeze %dma_start3A_39 : memref<1x128x128xf32, #tpu.memory_space<hbm>> -> memref<128x128xf32, #tpu.memory_space<hbm>>
    %dma_start3A_41 = arith.constant 0 : i32
    %dma_start3A_42 = arith.constant 0 : i32
    %dma_start3A_43 = tpu.memref_slice %arg9[%dma_start3A_41, %dma_start3A_42] : memref<128x128xf32, #tpu.memory_space<vmem>> -> memref<128x128xf32, #tpu.memory_space<vmem>>
    tpu.enqueue_dma source(%dma_start3A_43 : memref<128x128xf32, #tpu.memory_space<vmem>>) target(%dma_start3A_40 : memref<128x128xf32, #tpu.memory_space<hbm>>) target_semaphore(%arg13 : memref<!tpu.dma_semaphore, #tpu.memory_space<semaphore_mem>>)
    %add3A_44 = arith.constant 128 : i32
    %add3A_45 = arith.addi %mul3A_2, %add3A_44 : i32
    "tpu.region"() ({
      %run_scoped3A = tpu.sem_alloc : memref<!tpu.dma_semaphore, #tpu.memory_space<semaphore_mem>>
      %dma_start3A_167 = arith.constant 0 : i32
      %dma_start3A_168 = arith.constant 0 : i32
      %dma_start3A_169 = tpu.memref_slice %arg10[%dma_start3A_167, %dma_start3A_168] : memref<128x128xf32, #tpu.memory_space<vmem>> -> memref<128x128xf32, #tpu.memory_space<vmem>>
      %dma_start3A_170 = arith.constant 0 : i32
      %dma_start3A_171 = tpu.memref_slice %arg12[%add3A_45, %dma_start3A_170] : memref<10112x128xf32, #tpu.memory_space<vmem_shared>> -> memref<128x128xf32, #tpu.memory_space<vmem_shared>>
      %dma_start3A_172 = arith.constant 0 : i32
      %dma_start3A_173 = arith.constant 0 : i32
      %dma_start3A_174 = tpu.memref_slice %arg10[%dma_start3A_172, %dma_start3A_173] : memref<128x128xf32, #tpu.memory_space<vmem>> -> memref<128x128xf32, #tpu.memory_space<vmem>>
      %dma_start3A_175 = arith.constant 0 : i32
      %dma_start3A_176 = tpu.memref_slice %arg12[%add3A_45, %dma_start3A_175] : memref<10112x128xf32, #tpu.memory_space<vmem_shared>> -> memref<128x128xf32, #tpu.memory_space<vmem_shared>>
      tpu.enqueue_dma source(%dma_start3A_176 : memref<128x128xf32, #tpu.memory_space<vmem_shared>>) target(%dma_start3A_174 : memref<128x128xf32, #tpu.memory_space<vmem>>) target_semaphore(%run_scoped3A : memref<!tpu.dma_semaphore, #tpu.memory_space<semaphore_mem>>)
      %dma_wait3A_177 = arith.constant 0 : i32
      %dma_wait3A_178 = arith.constant 0 : i32
      %dma_wait3A_179 = tpu.memref_slice %arg10[%dma_wait3A_177, %dma_wait3A_178] : memref<128x128xf32, #tpu.memory_space<vmem>> -> memref<128x128xf32, #tpu.memory_space<vmem>>
      %dma_wait3A_180 = arith.constant 0 : i32
      %dma_wait3A_181 = tpu.memref_slice %arg12[%add3A_45, %dma_wait3A_180] : memref<10112x128xf32, #tpu.memory_space<vmem_shared>> -> memref<128x128xf32, #tpu.memory_space<vmem_shared>>
      %dma_wait3A_182 = arith.constant 0 : i32
      %dma_wait3A_183 = arith.constant 0 : i32
      %dma_wait3A_184 = tpu.memref_slice %arg10[%dma_wait3A_182, %dma_wait3A_183] : memref<128x128xf32, #tpu.memory_space<vmem>> -> memref<128x128xf32, #tpu.memory_space<vmem>>
      %dma_wait3A_185 = arith.constant 0 : i32
      %dma_wait3A_186 = tpu.memref_slice %arg12[%add3A_45, %dma_wait3A_185] : memref<10112x128xf32, #tpu.memory_space<vmem_shared>> -> memref<128x128xf32, #tpu.memory_space<vmem_shared>>
      tpu.wait_dma2 semaphore(%run_scoped3A : memref<!tpu.dma_semaphore, #tpu.memory_space<semaphore_mem>>) src(%dma_wait3A_186 : memref<128x128xf32, #tpu.memory_space<vmem_shared>>) dst(%dma_wait3A_184 : memref<128x128xf32, #tpu.memory_space<vmem>>)
      tpu.yield
    }) : () -> ()
    %add3A_46 = arith.constant 128 : i32
    %add3A_47 = arith.addi %mul3A_2, %add3A_46 : i32
    %dma_start3A_48 = arith.constant 0 : i32
    %dma_start3A_49 = arith.constant 0 : i32
    %dma_start3A_50 = tpu.memref_slice %arg10[%dma_start3A_48, %dma_start3A_49] : memref<128x128xf32, #tpu.memory_space<vmem>> -> memref<128x128xf32, #tpu.memory_space<vmem>>
    %dma_start3A_51 = arith.constant 0 : i32
    %dma_start3A_52 = tpu.memref_slice %arg5[%arg0, %add3A_47, %dma_start3A_51] : memref<2x10112x128xf32, #tpu.memory_space<hbm>> -> memref<1x128x128xf32, #tpu.memory_space<hbm>>
    %dma_start3A_53 = tpu.memref_squeeze %dma_start3A_52 : memref<1x128x128xf32, #tpu.memory_space<hbm>> -> memref<128x128xf32, #tpu.memory_space<hbm>>
    %dma_start3A_54 = arith.constant 0 : i32
    %dma_start3A_55 = tpu.memref_slice %arg5[%arg0, %add3A_47, %dma_start3A_54] : memref<2x10112x128xf32, #tpu.memory_space<hbm>> -> memref<1x128x128xf32, #tpu.memory_space<hbm>>
    %dma_start3A_56 = tpu.memref_squeeze %dma_start3A_55 : memref<1x128x128xf32, #tpu.memory_space<hbm>> -> memref<128x128xf32, #tpu.memory_space<hbm>>
    %dma_start3A_57 = arith.constant 0 : i32
    %dma_start3A_58 = arith.constant 0 : i32
    %dma_start3A_59 = tpu.memref_slice %arg10[%dma_start3A_57, %dma_start3A_58] : memref<128x128xf32, #tpu.memory_space<vmem>> -> memref<128x128xf32, #tpu.memory_space<vmem>>
    tpu.enqueue_dma source(%dma_start3A_59 : memref<128x128xf32, #tpu.memory_space<vmem>>) target(%dma_start3A_56 : memref<128x128xf32, #tpu.memory_space<hbm>>) target_semaphore(%arg14 : memref<!tpu.dma_semaphore, #tpu.memory_space<semaphore_mem>>)
    %dma_wait3A = arith.constant 0 : i32
    %dma_wait3A_60 = arith.constant 0 : i32
    %dma_wait3A_61 = tpu.memref_slice %arg9[%dma_wait3A, %dma_wait3A_60] : memref<128x128xf32, #tpu.memory_space<vmem>> -> memref<128x128xf32, #tpu.memory_space<vmem>>
    %dma_wait3A_62 = arith.constant 0 : i32
    %dma_wait3A_63 = tpu.memref_slice %arg5[%arg0, %add3A_32, %dma_wait3A_62] : memref<2x10112x128xf32, #tpu.memory_space<hbm>> -> memref<1x128x128xf32, #tpu.memory_space<hbm>>
    %dma_wait3A_64 = tpu.memref_squeeze %dma_wait3A_63 : memref<1x128x128xf32, #tpu.memory_space<hbm>> -> memref<128x128xf32, #tpu.memory_space<hbm>>
    %dma_wait3A_65 = arith.constant 0 : i32
    %dma_wait3A_66 = tpu.memref_slice %arg5[%arg0, %add3A_32, %dma_wait3A_65] : memref<2x10112x128xf32, #tpu.memory_space<hbm>> -> memref<1x128x128xf32, #tpu.memory_space<hbm>>
    %dma_wait3A_67 = tpu.memref_squeeze %dma_wait3A_66 : memref<1x128x128xf32, #tpu.memory_space<hbm>> -> memref<128x128xf32, #tpu.memory_space<hbm>>
    %dma_wait3A_68 = arith.constant 0 : i32
    %dma_wait3A_69 = arith.constant 0 : i32
    %dma_wait3A_70 = tpu.memref_slice %arg9[%dma_wait3A_68, %dma_wait3A_69] : memref<128x128xf32, #tpu.memory_space<vmem>> -> memref<128x128xf32, #tpu.memory_space<vmem>>
    tpu.wait_dma2 semaphore(%arg13 : memref<!tpu.dma_semaphore, #tpu.memory_space<semaphore_mem>>) src(%dma_wait3A_70 : memref<128x128xf32, #tpu.memory_space<vmem>>) dst(%dma_wait3A_67 : memref<128x128xf32, #tpu.memory_space<hbm>>)
    %add3A_71 = arith.constant 256 : i32
    %add3A_72 = arith.addi %mul3A_2, %add3A_71 : i32
    "tpu.region"() ({
      %run_scoped3A = tpu.sem_alloc : memref<!tpu.dma_semaphore, #tpu.memory_space<semaphore_mem>>
      %dma_start3A_167 = arith.constant 0 : i32
      %dma_start3A_168 = arith.constant 0 : i32
      %dma_start3A_169 = tpu.memref_slice %arg9[%dma_start3A_167, %dma_start3A_168] : memref<128x128xf32, #tpu.memory_space<vmem>> -> memref<128x128xf32, #tpu.memory_space<vmem>>
      %dma_start3A_170 = arith.constant 0 : i32
      %dma_start3A_171 = tpu.memref_slice %arg12[%add3A_72, %dma_start3A_170] : memref<10112x128xf32, #tpu.memory_space<vmem_shared>> -> memref<128x128xf32, #tpu.memory_space<vmem_shared>>
      %dma_start3A_172 = arith.constant 0 : i32
      %dma_start3A_173 = arith.constant 0 : i32
      %dma_start3A_174 = tpu.memref_slice %arg9[%dma_start3A_172, %dma_start3A_173] : memref<128x128xf32, #tpu.memory_space<vmem>> -> memref<128x128xf32, #tpu.memory_space<vmem>>
      %dma_start3A_175 = arith.constant 0 : i32
      %dma_start3A_176 = tpu.memref_slice %arg12[%add3A_72, %dma_start3A_175] : memref<10112x128xf32, #tpu.memory_space<vmem_shared>> -> memref<128x128xf32, #tpu.memory_space<vmem_shared>>
      tpu.enqueue_dma source(%dma_start3A_176 : memref<128x128xf32, #tpu.memory_space<vmem_shared>>) target(%dma_start3A_174 : memref<128x128xf32, #tpu.memory_space<vmem>>) target_semaphore(%run_scoped3A : memref<!tpu.dma_semaphore, #tpu.memory_space<semaphore_mem>>)
      %dma_wait3A_177 = arith.constant 0 : i32
      %dma_wait3A_178 = arith.constant 0 : i32
      %dma_wait3A_179 = tpu.memref_slice %arg9[%dma_wait3A_177, %dma_wait3A_178] : memref<128x128xf32, #tpu.memory_space<vmem>> -> memref<128x128xf32, #tpu.memory_space<vmem>>
      %dma_wait3A_180 = arith.constant 0 : i32
      %dma_wait3A_181 = tpu.memref_slice %arg12[%add3A_72, %dma_wait3A_180] : memref<10112x128xf32, #tpu.memory_space<vmem_shared>> -> memref<128x128xf32, #tpu.memory_space<vmem_shared>>
      %dma_wait3A_182 = arith.constant 0 : i32
      %dma_wait3A_183 = arith.constant 0 : i32
      %dma_wait3A_184 = tpu.memref_slice %arg9[%dma_wait3A_182, %dma_wait3A_183] : memref<128x128xf32, #tpu.memory_space<vmem>> -> memref<128x128xf32, #tpu.memory_space<vmem>>
      %dma_wait3A_185 = arith.constant 0 : i32
      %dma_wait3A_186 = tpu.memref_slice %arg12[%add3A_72, %dma_wait3A_185] : memref<10112x128xf32, #tpu.memory_space<vmem_shared>> -> memref<128x128xf32, #tpu.memory_space<vmem_shared>>
      tpu.wait_dma2 semaphore(%run_scoped3A : memref<!tpu.dma_semaphore, #tpu.memory_space<semaphore_mem>>) src(%dma_wait3A_186 : memref<128x128xf32, #tpu.memory_space<vmem_shared>>) dst(%dma_wait3A_184 : memref<128x128xf32, #tpu.memory_space<vmem>>)
      tpu.yield
    }) : () -> ()
    %add3A_73 = arith.constant 256 : i32
    %add3A_74 = arith.addi %mul3A_2, %add3A_73 : i32
    %dma_start3A_75 = arith.constant 0 : i32
    %dma_start3A_76 = arith.constant 0 : i32
    %dma_start3A_77 = tpu.memref_slice %arg9[%dma_start3A_75, %dma_start3A_76] : memref<128x128xf32, #tpu.memory_space<vmem>> -> memref<128x128xf32, #tpu.memory_space<vmem>>
    %dma_start3A_78 = arith.constant 0 : i32
    %dma_start3A_79 = tpu.memref_slice %arg5[%arg0, %add3A_74, %dma_start3A_78] : memref<2x10112x128xf32, #tpu.memory_space<hbm>> -> memref<1x128x128xf32, #tpu.memory_space<hbm>>
    %dma_start3A_80 = tpu.memref_squeeze %dma_start3A_79 : memref<1x128x128xf32, #tpu.memory_space<hbm>> -> memref<128x128xf32, #tpu.memory_space<hbm>>
    %dma_start3A_81 = arith.constant 0 : i32
    %dma_start3A_82 = tpu.memref_slice %arg5[%arg0, %add3A_74, %dma_start3A_81] : memref<2x10112x128xf32, #tpu.memory_space<hbm>> -> memref<1x128x128xf32, #tpu.memory_space<hbm>>
    %dma_start3A_83 = tpu.memref_squeeze %dma_start3A_82 : memref<1x128x128xf32, #tpu.memory_space<hbm>> -> memref<128x128xf32, #tpu.memory_space<hbm>>
    %dma_start3A_84 = arith.constant 0 : i32
    %dma_start3A_85 = arith.constant 0 : i32
    %dma_start3A_86 = tpu.memref_slice %arg9[%dma_start3A_84, %dma_start3A_85] : memref<128x128xf32, #tpu.memory_space<vmem>> -> memref<128x128xf32, #tpu.memory_space<vmem>>
    tpu.enqueue_dma source(%dma_start3A_86 : memref<128x128xf32, #tpu.memory_space<vmem>>) target(%dma_start3A_83 : memref<128x128xf32, #tpu.memory_space<hbm>>) target_semaphore(%arg13 : memref<!tpu.dma_semaphore, #tpu.memory_space<semaphore_mem>>)
    %dma_wait3A_87 = arith.constant 0 : i32
    %dma_wait3A_88 = arith.constant 0 : i32
    %dma_wait3A_89 = tpu.memref_slice %arg10[%dma_wait3A_87, %dma_wait3A_88] : memref<128x128xf32, #tpu.memory_space<vmem>> -> memref<128x128xf32, #tpu.memory_space<vmem>>
    %dma_wait3A_90 = arith.constant 0 : i32
    %dma_wait3A_91 = tpu.memref_slice %arg5[%arg0, %add3A_47, %dma_wait3A_90] : memref<2x10112x128xf32, #tpu.memory_space<hbm>> -> memref<1x128x128xf32, #tpu.memory_space<hbm>>
    %dma_wait3A_92 = tpu.memref_squeeze %dma_wait3A_91 : memref<1x128x128xf32, #tpu.memory_space<hbm>> -> memref<128x128xf32, #tpu.memory_space<hbm>>
    %dma_wait3A_93 = arith.constant 0 : i32
    %dma_wait3A_94 = tpu.memref_slice %arg5[%arg0, %add3A_47, %dma_wait3A_93] : memref<2x10112x128xf32, #tpu.memory_space<hbm>> -> memref<1x128x128xf32, #tpu.memory_space<hbm>>
    %dma_wait3A_95 = tpu.memref_squeeze %dma_wait3A_94 : memref<1x128x128xf32, #tpu.memory_space<hbm>> -> memref<128x128xf32, #tpu.memory_space<hbm>>
    %dma_wait3A_96 = arith.constant 0 : i32
    %dma_wait3A_97 = arith.constant 0 : i32
    %dma_wait3A_98 = tpu.memref_slice %arg10[%dma_wait3A_96, %dma_wait3A_97] : memref<128x128xf32, #tpu.memory_space<vmem>> -> memref<128x128xf32, #tpu.memory_space<vmem>>
    tpu.wait_dma2 semaphore(%arg14 : memref<!tpu.dma_semaphore, #tpu.memory_space<semaphore_mem>>) src(%dma_wait3A_98 : memref<128x128xf32, #tpu.memory_space<vmem>>) dst(%dma_wait3A_95 : memref<128x128xf32, #tpu.memory_space<hbm>>)
    %add3A_99 = arith.constant 384 : i32
    %add3A_100 = arith.addi %mul3A_2, %add3A_99 : i32
    "tpu.region"() ({
      %run_scoped3A = tpu.sem_alloc : memref<!tpu.dma_semaphore, #tpu.memory_space<semaphore_mem>>
      %dma_start3A_167 = arith.constant 0 : i32
      %dma_start3A_168 = arith.constant 0 : i32
      %dma_start3A_169 = tpu.memref_slice %arg10[%dma_start3A_167, %dma_start3A_168] : memref<128x128xf32, #tpu.memory_space<vmem>> -> memref<128x128xf32, #tpu.memory_space<vmem>>
      %dma_start3A_170 = arith.constant 0 : i32
      %dma_start3A_171 = tpu.memref_slice %arg12[%add3A_100, %dma_start3A_170] : memref<10112x128xf32, #tpu.memory_space<vmem_shared>> -> memref<128x128xf32, #tpu.memory_space<vmem_shared>>
      %dma_start3A_172 = arith.constant 0 : i32
      %dma_start3A_173 = arith.constant 0 : i32
      %dma_start3A_174 = tpu.memref_slice %arg10[%dma_start3A_172, %dma_start3A_173] : memref<128x128xf32, #tpu.memory_space<vmem>> -> memref<128x128xf32, #tpu.memory_space<vmem>>
      %dma_start3A_175 = arith.constant 0 : i32
      %dma_start3A_176 = tpu.memref_slice %arg12[%add3A_100, %dma_start3A_175] : memref<10112x128xf32, #tpu.memory_space<vmem_shared>> -> memref<128x128xf32, #tpu.memory_space<vmem_shared>>
      tpu.enqueue_dma source(%dma_start3A_176 : memref<128x128xf32, #tpu.memory_space<vmem_shared>>) target(%dma_start3A_174 : memref<128x128xf32, #tpu.memory_space<vmem>>) target_semaphore(%run_scoped3A : memref<!tpu.dma_semaphore, #tpu.memory_space<semaphore_mem>>)
      %dma_wait3A_177 = arith.constant 0 : i32
      %dma_wait3A_178 = arith.constant 0 : i32
      %dma_wait3A_179 = tpu.memref_slice %arg10[%dma_wait3A_177, %dma_wait3A_178] : memref<128x128xf32, #tpu.memory_space<vmem>> -> memref<128x128xf32, #tpu.memory_space<vmem>>
      %dma_wait3A_180 = arith.constant 0 : i32
      %dma_wait3A_181 = tpu.memref_slice %arg12[%add3A_100, %dma_wait3A_180] : memref<10112x128xf32, #tpu.memory_space<vmem_shared>> -> memref<128x128xf32, #tpu.memory_space<vmem_shared>>
      %dma_wait3A_182 = arith.constant 0 : i32
      %dma_wait3A_183 = arith.constant 0 : i32
      %dma_wait3A_184 = tpu.memref_slice %arg10[%dma_wait3A_182, %dma_wait3A_183] : memref<128x128xf32, #tpu.memory_space<vmem>> -> memref<128x128xf32, #tpu.memory_space<vmem>>
      %dma_wait3A_185 = arith.constant 0 : i32
      %dma_wait3A_186 = tpu.memref_slice %arg12[%add3A_100, %dma_wait3A_185] : memref<10112x128xf32, #tpu.memory_space<vmem_shared>> -> memref<128x128xf32, #tpu.memory_space<vmem_shared>>
      tpu.wait_dma2 semaphore(%run_scoped3A : memref<!tpu.dma_semaphore, #tpu.memory_space<semaphore_mem>>) src(%dma_wait3A_186 : memref<128x128xf32, #tpu.memory_space<vmem_shared>>) dst(%dma_wait3A_184 : memref<128x128xf32, #tpu.memory_space<vmem>>)
      tpu.yield
    }) : () -> ()
    %add3A_101 = arith.constant 384 : i32
    %add3A_102 = arith.addi %mul3A_2, %add3A_101 : i32
    %dma_start3A_103 = arith.constant 0 : i32
    %dma_start3A_104 = arith.constant 0 : i32
    %dma_start3A_105 = tpu.memref_slice %arg10[%dma_start3A_103, %dma_start3A_104] : memref<128x128xf32, #tpu.memory_space<vmem>> -> memref<128x128xf32, #tpu.memory_space<vmem>>
    %dma_start3A_106 = arith.constant 0 : i32
    %dma_start3A_107 = tpu.memref_slice %arg5[%arg0, %add3A_102, %dma_start3A_106] : memref<2x10112x128xf32, #tpu.memory_space<hbm>> -> memref<1x128x128xf32, #tpu.memory_space<hbm>>
    %dma_start3A_108 = tpu.memref_squeeze %dma_start3A_107 : memref<1x128x128xf32, #tpu.memory_space<hbm>> -> memref<128x128xf32, #tpu.memory_space<hbm>>
    %dma_start3A_109 = arith.constant 0 : i32
    %dma_start3A_110 = tpu.memref_slice %arg5[%arg0, %add3A_102, %dma_start3A_109] : memref<2x10112x128xf32, #tpu.memory_space<hbm>> -> memref<1x128x128xf32, #tpu.memory_space<hbm>>
    %dma_start3A_111 = tpu.memref_squeeze %dma_start3A_110 : memref<1x128x128xf32, #tpu.memory_space<hbm>> -> memref<128x128xf32, #tpu.memory_space<hbm>>
    %dma_start3A_112 = arith.constant 0 : i32
    %dma_start3A_113 = arith.constant 0 : i32
    %dma_start3A_114 = tpu.memref_slice %arg10[%dma_start3A_112, %dma_start3A_113] : memref<128x128xf32, #tpu.memory_space<vmem>> -> memref<128x128xf32, #tpu.memory_space<vmem>>
    tpu.enqueue_dma source(%dma_start3A_114 : memref<128x128xf32, #tpu.memory_space<vmem>>) target(%dma_start3A_111 : memref<128x128xf32, #tpu.memory_space<hbm>>) target_semaphore(%arg14 : memref<!tpu.dma_semaphore, #tpu.memory_space<semaphore_mem>>)
    %dma_wait3A_115 = arith.constant 0 : i32
    %dma_wait3A_116 = arith.constant 0 : i32
    %dma_wait3A_117 = tpu.memref_slice %arg9[%dma_wait3A_115, %dma_wait3A_116] : memref<128x128xf32, #tpu.memory_space<vmem>> -> memref<128x128xf32, #tpu.memory_space<vmem>>
    %dma_wait3A_118 = arith.constant 0 : i32
    %dma_wait3A_119 = tpu.memref_slice %arg5[%arg0, %add3A_74, %dma_wait3A_118] : memref<2x10112x128xf32, #tpu.memory_space<hbm>> -> memref<1x128x128xf32, #tpu.memory_space<hbm>>
    %dma_wait3A_120 = tpu.memref_squeeze %dma_wait3A_119 : memref<1x128x128xf32, #tpu.memory_space<hbm>> -> memref<128x128xf32, #tpu.memory_space<hbm>>
    %dma_wait3A_121 = arith.constant 0 : i32
    %dma_wait3A_122 = tpu.memref_slice %arg5[%arg0, %add3A_74, %dma_wait3A_121] : memref<2x10112x128xf32, #tpu.memory_space<hbm>> -> memref<1x128x128xf32, #tpu.memory_space<hbm>>
    %dma_wait3A_123 = tpu.memref_squeeze %dma_wait3A_122 : memref<1x128x128xf32, #tpu.memory_space<hbm>> -> memref<128x128xf32, #tpu.memory_space<hbm>>
    %dma_wait3A_124 = arith.constant 0 : i32
    %dma_wait3A_125 = arith.constant 0 : i32
    %dma_wait3A_126 = tpu.memref_slice %arg9[%dma_wait3A_124, %dma_wait3A_125] : memref<128x128xf32, #tpu.memory_space<vmem>> -> memref<128x128xf32, #tpu.memory_space<vmem>>
    tpu.wait_dma2 semaphore(%arg13 : memref<!tpu.dma_semaphore, #tpu.memory_space<semaphore_mem>>) src(%dma_wait3A_126 : memref<128x128xf32, #tpu.memory_space<vmem>>) dst(%dma_wait3A_123 : memref<128x128xf32, #tpu.memory_space<hbm>>)
    %add3A_127 = arith.constant 512 : i32
    %add3A_128 = arith.addi %mul3A_2, %add3A_127 : i32
    "tpu.region"() ({
      %run_scoped3A = tpu.sem_alloc : memref<!tpu.dma_semaphore, #tpu.memory_space<semaphore_mem>>
      %dma_start3A_167 = arith.constant 0 : i32
      %dma_start3A_168 = arith.constant 0 : i32
      %dma_start3A_169 = tpu.memref_slice %arg9[%dma_start3A_167, %dma_start3A_168] : memref<128x128xf32, #tpu.memory_space<vmem>> -> memref<120x128xf32, #tpu.memory_space<vmem>>
      %dma_start3A_170 = arith.constant 0 : i32
      %dma_start3A_171 = tpu.memref_slice %arg12[%add3A_128, %dma_start3A_170] : memref<10112x128xf32, #tpu.memory_space<vmem_shared>> -> memref<120x128xf32, #tpu.memory_space<vmem_shared>>
      %dma_start3A_172 = arith.constant 0 : i32
      %dma_start3A_173 = arith.constant 0 : i32
      %dma_start3A_174 = tpu.memref_slice %arg9[%dma_start3A_172, %dma_start3A_173] : memref<128x128xf32, #tpu.memory_space<vmem>> -> memref<120x128xf32, #tpu.memory_space<vmem>>
      %dma_start3A_175 = arith.constant 0 : i32
      %dma_start3A_176 = tpu.memref_slice %arg12[%add3A_128, %dma_start3A_175] : memref<10112x128xf32, #tpu.memory_space<vmem_shared>> -> memref<120x128xf32, #tpu.memory_space<vmem_shared>>
      tpu.enqueue_dma source(%dma_start3A_176 : memref<120x128xf32, #tpu.memory_space<vmem_shared>>) target(%dma_start3A_174 : memref<120x128xf32, #tpu.memory_space<vmem>>) target_semaphore(%run_scoped3A : memref<!tpu.dma_semaphore, #tpu.memory_space<semaphore_mem>>)
      %dma_wait3A_177 = arith.constant 0 : i32
      %dma_wait3A_178 = arith.constant 0 : i32
      %dma_wait3A_179 = tpu.memref_slice %arg9[%dma_wait3A_177, %dma_wait3A_178] : memref<128x128xf32, #tpu.memory_space<vmem>> -> memref<120x128xf32, #tpu.memory_space<vmem>>
      %dma_wait3A_180 = arith.constant 0 : i32
      %dma_wait3A_181 = tpu.memref_slice %arg12[%add3A_128, %dma_wait3A_180] : memref<10112x128xf32, #tpu.memory_space<vmem_shared>> -> memref<120x128xf32, #tpu.memory_space<vmem_shared>>
      %dma_wait3A_182 = arith.constant 0 : i32
      %dma_wait3A_183 = arith.constant 0 : i32
      %dma_wait3A_184 = tpu.memref_slice %arg9[%dma_wait3A_182, %dma_wait3A_183] : memref<128x128xf32, #tpu.memory_space<vmem>> -> memref<120x128xf32, #tpu.memory_space<vmem>>
      %dma_wait3A_185 = arith.constant 0 : i32
      %dma_wait3A_186 = tpu.memref_slice %arg12[%add3A_128, %dma_wait3A_185] : memref<10112x128xf32, #tpu.memory_space<vmem_shared>> -> memref<120x128xf32, #tpu.memory_space<vmem_shared>>
      tpu.wait_dma2 semaphore(%run_scoped3A : memref<!tpu.dma_semaphore, #tpu.memory_space<semaphore_mem>>) src(%dma_wait3A_186 : memref<120x128xf32, #tpu.memory_space<vmem_shared>>) dst(%dma_wait3A_184 : memref<120x128xf32, #tpu.memory_space<vmem>>)
      tpu.yield
    }) : () -> ()
    %add3A_129 = arith.constant 512 : i32
    %add3A_130 = arith.addi %mul3A_2, %add3A_129 : i32
    %dma_start3A_131 = arith.constant 0 : i32
    %dma_start3A_132 = arith.constant 0 : i32
    %dma_start3A_133 = tpu.memref_slice %arg9[%dma_start3A_131, %dma_start3A_132] : memref<128x128xf32, #tpu.memory_space<vmem>> -> memref<120x128xf32, #tpu.memory_space<vmem>>
    %dma_start3A_134 = arith.constant 0 : i32
    %dma_start3A_135 = tpu.memref_slice %arg5[%arg0, %add3A_130, %dma_start3A_134] : memref<2x10112x128xf32, #tpu.memory_space<hbm>> -> memref<1x120x128xf32, #tpu.memory_space<hbm>>
    %dma_start3A_136 = tpu.memref_squeeze %dma_start3A_135 : memref<1x120x128xf32, #tpu.memory_space<hbm>> -> memref<120x128xf32, #tpu.memory_space<hbm>>
    %dma_start3A_137 = arith.constant 0 : i32
    %dma_start3A_138 = tpu.memref_slice %arg5[%arg0, %add3A_130, %dma_start3A_137] : memref<2x10112x128xf32, #tpu.memory_space<hbm>> -> memref<1x120x128xf32, #tpu.memory_space<hbm>>
    %dma_start3A_139 = tpu.memref_squeeze %dma_start3A_138 : memref<1x120x128xf32, #tpu.memory_space<hbm>> -> memref<120x128xf32, #tpu.memory_space<hbm>>
    %dma_start3A_140 = arith.constant 0 : i32
    %dma_start3A_141 = arith.constant 0 : i32
    %dma_start3A_142 = tpu.memref_slice %arg9[%dma_start3A_140, %dma_start3A_141] : memref<128x128xf32, #tpu.memory_space<vmem>> -> memref<120x128xf32, #tpu.memory_space<vmem>>
    tpu.enqueue_dma source(%dma_start3A_142 : memref<120x128xf32, #tpu.memory_space<vmem>>) target(%dma_start3A_139 : memref<120x128xf32, #tpu.memory_space<hbm>>) target_semaphore(%arg13 : memref<!tpu.dma_semaphore, #tpu.memory_space<semaphore_mem>>)
    %dma_wait3A_143 = arith.constant 0 : i32
    %dma_wait3A_144 = arith.constant 0 : i32
    %dma_wait3A_145 = tpu.memref_slice %arg10[%dma_wait3A_143, %dma_wait3A_144] : memref<128x128xf32, #tpu.memory_space<vmem>> -> memref<128x128xf32, #tpu.memory_space<vmem>>
    %dma_wait3A_146 = arith.constant 0 : i32
    %dma_wait3A_147 = tpu.memref_slice %arg5[%arg0, %add3A_102, %dma_wait3A_146] : memref<2x10112x128xf32, #tpu.memory_space<hbm>> -> memref<1x128x128xf32, #tpu.memory_space<hbm>>
    %dma_wait3A_148 = tpu.memref_squeeze %dma_wait3A_147 : memref<1x128x128xf32, #tpu.memory_space<hbm>> -> memref<128x128xf32, #tpu.memory_space<hbm>>
    %dma_wait3A_149 = arith.constant 0 : i32
    %dma_wait3A_150 = tpu.memref_slice %arg5[%arg0, %add3A_102, %dma_wait3A_149] : memref<2x10112x128xf32, #tpu.memory_space<hbm>> -> memref<1x128x128xf32, #tpu.memory_space<hbm>>
    %dma_wait3A_151 = tpu.memref_squeeze %dma_wait3A_150 : memref<1x128x128xf32, #tpu.memory_space<hbm>> -> memref<128x128xf32, #tpu.memory_space<hbm>>
    %dma_wait3A_152 = arith.constant 0 : i32
    %dma_wait3A_153 = arith.constant 0 : i32
    %dma_wait3A_154 = tpu.memref_slice %arg10[%dma_wait3A_152, %dma_wait3A_153] : memref<128x128xf32, #tpu.memory_space<vmem>> -> memref<128x128xf32, #tpu.memory_space<vmem>>
    tpu.wait_dma2 semaphore(%arg14 : memref<!tpu.dma_semaphore, #tpu.memory_space<semaphore_mem>>) src(%dma_wait3A_154 : memref<128x128xf32, #tpu.memory_space<vmem>>) dst(%dma_wait3A_151 : memref<128x128xf32, #tpu.memory_space<hbm>>)
    %dma_wait3A_155 = arith.constant 0 : i32
    %dma_wait3A_156 = arith.constant 0 : i32
    %dma_wait3A_157 = tpu.memref_slice %arg9[%dma_wait3A_155, %dma_wait3A_156] : memref<128x128xf32, #tpu.memory_space<vmem>> -> memref<120x128xf32, #tpu.memory_space<vmem>>
    %dma_wait3A_158 = arith.constant 0 : i32
    %dma_wait3A_159 = tpu.memref_slice %arg5[%arg0, %add3A_130, %dma_wait3A_158] : memref<2x10112x128xf32, #tpu.memory_space<hbm>> -> memref<1x120x128xf32, #tpu.memory_space<hbm>>
    %dma_wait3A_160 = tpu.memref_squeeze %dma_wait3A_159 : memref<1x120x128xf32, #tpu.memory_space<hbm>> -> memref<120x128xf32, #tpu.memory_space<hbm>>
    %dma_wait3A_161 = arith.constant 0 : i32
    %dma_wait3A_162 = tpu.memref_slice %arg5[%arg0, %add3A_130, %dma_wait3A_161] : memref<2x10112x128xf32, #tpu.memory_space<hbm>> -> memref<1x120x128xf32, #tpu.memory_space<hbm>>
    %dma_wait3A_163 = tpu.memref_squeeze %dma_wait3A_162 : memref<1x120x128xf32, #tpu.memory_space<hbm>> -> memref<120x128xf32, #tpu.memory_space<hbm>>
    %dma_wait3A_164 = arith.constant 0 : i32
    %dma_wait3A_165 = arith.constant 0 : i32
    %dma_wait3A_166 = tpu.memref_slice %arg9[%dma_wait3A_164, %dma_wait3A_165] : memref<128x128xf32, #tpu.memory_space<vmem>> -> memref<120x128xf32, #tpu.memory_space<vmem>>
    tpu.wait_dma2 semaphore(%arg13 : memref<!tpu.dma_semaphore, #tpu.memory_space<semaphore_mem>>) src(%dma_wait3A_166 : memref<120x128xf32, #tpu.memory_space<vmem>>) dst(%dma_wait3A_163 : memref<120x128xf32, #tpu.memory_space<hbm>>)
    return
  }
}

#map = affine_map<(d0, d1) -> (0, 0, 0)>
module attributes {stable_mosaic.version = 14 : i64} {
  func.func @_deg_body(%arg0: i32, %arg1: i32, %arg2: memref<2592x2x128xi32, #tpu.memory_space<hbm>>, %arg3: memref<32x8x10112xf32, #tpu.memory_space<hbm>>, %arg4: memref<128xi32, #tpu.memory_space<vmem>>, %arg5: memref<128xi32, #tpu.memory_space<vmem>>, %arg6: memref<10112xf32, #tpu.memory_space<vmem>>, %arg7: memref<!tpu.dma_semaphore, #tpu.memory_space<semaphore_mem>>, %arg8: memref<!tpu.dma_semaphore, #tpu.memory_space<semaphore_mem>>) attributes {dimension_semantics = [#tpu.dimension_semantics<core_parallel>, #tpu.dimension_semantics<subcore_parallel>], iteration_bounds = array<i64: 2, 16>, scalar_prefetch = 0 : i64, scratch_operands = 5 : i64, tpu.core_type = #tpu.core_type<sc_vector_subcore>, window_params = [{transform_indices = #map}, {transform_indices = #map}]} {
    %mul3A = arith.constant 2 : i32
    %mul3A_0 = arith.muli %arg1, %mul3A : i32
    %add3A = arith.addi %mul3A_0, %arg0 : i32
    %mul3A_1 = arith.constant 81 : i32
    %mul3A_2 = arith.muli %add3A, %mul3A_1 : i32
    %broadcast_in_dim3A = arith.constant 0.000000e+00 : f32
    %broadcast_in_dim3A_3 = vector.broadcast %broadcast_in_dim3A : f32 to vector<16xf32>
    %broadcast_in_dim3A_4 = arith.constant 1.000000e+00 : f32
    %broadcast_in_dim3A_5 = vector.broadcast %broadcast_in_dim3A_4 : f32 to vector<16xf32>
    %scan3A = arith.constant 0 : i32
    %scan3A_6 = arith.constant 0 : i32
    %scan3A_7 = arith.constant 632 : i32
    %scan3A_8 = arith.addi %scan3A_6, %scan3A_7 : i32
    %scan3A_9 = arith.constant 1 : i32
    scf.for %scan3A_36 = %scan3A_6 to %scan3A_8 step %scan3A_9  : i32 {
      %mul3A_37 = arith.constant 16 : i32
      %mul3A_38 = arith.muli %scan3A_36, %mul3A_37 : i32
      %swap3A = arith.index_cast %mul3A_38 : i32 to index
      %swap3A_39 = tpu.vector_load %arg6[%swap3A] {strides = array<i32>} : memref<10112xf32, #tpu.memory_space<vmem>>, vector<16xf32>,
      tpu.vector_store %arg6[%swap3A], %broadcast_in_dim3A_3 {strides = array<i32>} : memref<10112xf32, #tpu.memory_space<vmem>>, vector<16xf32>,
    }
    %scan3A_10 = arith.constant 632 : i32
    %scan3A_11 = arith.constant 0 : i32
    %scan3A_12 = arith.constant 0 : i32
    %scan3A_13 = arith.constant 40 : i32
    %scan3A_14 = arith.addi %scan3A_12, %scan3A_13 : i32
    %scan3A_15 = arith.constant 1 : i32
    scf.for %scan3A_36 = %scan3A_12 to %scan3A_14 step %scan3A_15  : i32 {
      %mul3A_37 = arith.constant 2 : i32
      %mul3A_38 = arith.muli %mul3A_37, %scan3A_36 : i32
      %add3A_39 = arith.addi %mul3A_2, %mul3A_38 : i32
      %dma_start3A = arith.constant 1 : i32
      %dma_start3A_40 = arith.constant 0 : i32
      %dma_start3A_41 = tpu.memref_slice %arg2[%add3A_39, %dma_start3A, %dma_start3A_40] : memref<2592x2x128xi32, #tpu.memory_space<hbm>> -> memref<1x1x128xi32, #tpu.memory_space<hbm>>
      %dma_start3A_42 = tpu.memref_squeeze %dma_start3A_41 : memref<1x1x128xi32, #tpu.memory_space<hbm>> -> memref<128xi32, #tpu.memory_space<hbm>>
      %dma_start3A_43 = arith.constant 0 : i32
      %dma_start3A_44 = tpu.memref_slice %arg2[%add3A_39, %dma_start3A, %dma_start3A_43] : memref<2592x2x128xi32, #tpu.memory_space<hbm>> -> memref<1x1x128xi32, #tpu.memory_space<hbm>>
      %dma_start3A_45 = tpu.memref_squeeze %dma_start3A_44 : memref<1x1x128xi32, #tpu.memory_space<hbm>> -> memref<128xi32, #tpu.memory_space<hbm>>
      tpu.enqueue_dma source(%dma_start3A_45 : memref<128xi32, #tpu.memory_space<hbm>>) target(%arg4 : memref<128xi32, #tpu.memory_space<vmem>>) target_semaphore(%arg7 : memref<!tpu.dma_semaphore, #tpu.memory_space<semaphore_mem>>)
      %add3A_46 = arith.constant 1 : i32
      %add3A_47 = arith.addi %add3A_39, %add3A_46 : i32
      %dma_start3A_48 = arith.constant 1 : i32
      %dma_start3A_49 = arith.constant 0 : i32
      %dma_start3A_50 = tpu.memref_slice %arg2[%add3A_47, %dma_start3A_48, %dma_start3A_49] : memref<2592x2x128xi32, #tpu.memory_space<hbm>> -> memref<1x1x128xi32, #tpu.memory_space<hbm>>
      %dma_start3A_51 = tpu.memref_squeeze %dma_start3A_50 : memref<1x1x128xi32, #tpu.memory_space<hbm>> -> memref<128xi32, #tpu.memory_space<hbm>>
      %dma_start3A_52 = arith.constant 0 : i32
      %dma_start3A_53 = tpu.memref_slice %arg2[%add3A_47, %dma_start3A_48, %dma_start3A_52] : memref<2592x2x128xi32, #tpu.memory_space<hbm>> -> memref<1x1x128xi32, #tpu.memory_space<hbm>>
      %dma_start3A_54 = tpu.memref_squeeze %dma_start3A_53 : memref<1x1x128xi32, #tpu.memory_space<hbm>> -> memref<128xi32, #tpu.memory_space<hbm>>
      tpu.enqueue_dma source(%dma_start3A_54 : memref<128xi32, #tpu.memory_space<hbm>>) target(%arg5 : memref<128xi32, #tpu.memory_space<vmem>>) target_semaphore(%arg8 : memref<!tpu.dma_semaphore, #tpu.memory_space<semaphore_mem>>)
      %dma_wait3A = arith.constant 1 : i32
      %dma_wait3A_55 = arith.constant 0 : i32
      %dma_wait3A_56 = tpu.memref_slice %arg2[%add3A_39, %dma_wait3A, %dma_wait3A_55] : memref<2592x2x128xi32, #tpu.memory_space<hbm>> -> memref<1x1x128xi32, #tpu.memory_space<hbm>>
      %dma_wait3A_57 = tpu.memref_squeeze %dma_wait3A_56 : memref<1x1x128xi32, #tpu.memory_space<hbm>> -> memref<128xi32, #tpu.memory_space<hbm>>
      %dma_wait3A_58 = arith.constant 0 : i32
      %dma_wait3A_59 = tpu.memref_slice %arg2[%add3A_39, %dma_wait3A, %dma_wait3A_58] : memref<2592x2x128xi32, #tpu.memory_space<hbm>> -> memref<1x1x128xi32, #tpu.memory_space<hbm>>
      %dma_wait3A_60 = tpu.memref_squeeze %dma_wait3A_59 : memref<1x1x128xi32, #tpu.memory_space<hbm>> -> memref<128xi32, #tpu.memory_space<hbm>>
      tpu.wait_dma2 semaphore(%arg7 : memref<!tpu.dma_semaphore, #tpu.memory_space<semaphore_mem>>) src(%dma_wait3A_60 : memref<128xi32, #tpu.memory_space<hbm>>) dst(%arg4 : memref<128xi32, #tpu.memory_space<vmem>>)
      %get3A_61 = arith.constant 0 : index
      %get3A_62 = tpu.vector_load %arg4[%get3A_61] {strides = array<i32>} : memref<128xi32, #tpu.memory_space<vmem>>, vector<16xi32>,
      tpu.vector_store_idx %arg6[%get3A_62], %broadcast_in_dim3A_5 {add = true} : memref<10112xf32, #tpu.memory_space<vmem>>[vector<16xi32>], vector<16xf32>,
      %get3A_63 = arith.constant 16 : index
      %get3A_64 = tpu.vector_load %arg4[%get3A_63] {strides = array<i32>} : memref<128xi32, #tpu.memory_space<vmem>>, vector<16xi32>,
      tpu.vector_store_idx %arg6[%get3A_64], %broadcast_in_dim3A_5 {add = true} : memref<10112xf32, #tpu.memory_space<vmem>>[vector<16xi32>], vector<16xf32>,
      %get3A_65 = arith.constant 32 : index
      %get3A_66 = tpu.vector_load %arg4[%get3A_65] {strides = array<i32>} : memref<128xi32, #tpu.memory_space<vmem>>, vector<16xi32>,
      tpu.vector_store_idx %arg6[%get3A_66], %broadcast_in_dim3A_5 {add = true} : memref<10112xf32, #tpu.memory_space<vmem>>[vector<16xi32>], vector<16xf32>,
      %get3A_67 = arith.constant 48 : index
      %get3A_68 = tpu.vector_load %arg4[%get3A_67] {strides = array<i32>} : memref<128xi32, #tpu.memory_space<vmem>>, vector<16xi32>,
      tpu.vector_store_idx %arg6[%get3A_68], %broadcast_in_dim3A_5 {add = true} : memref<10112xf32, #tpu.memory_space<vmem>>[vector<16xi32>], vector<16xf32>,
      %get3A_69 = arith.constant 64 : index
      %get3A_70 = tpu.vector_load %arg4[%get3A_69] {strides = array<i32>} : memref<128xi32, #tpu.memory_space<vmem>>, vector<16xi32>,
      tpu.vector_store_idx %arg6[%get3A_70], %broadcast_in_dim3A_5 {add = true} : memref<10112xf32, #tpu.memory_space<vmem>>[vector<16xi32>], vector<16xf32>,
      %get3A_71 = arith.constant 80 : index
      %get3A_72 = tpu.vector_load %arg4[%get3A_71] {strides = array<i32>} : memref<128xi32, #tpu.memory_space<vmem>>, vector<16xi32>,
      tpu.vector_store_idx %arg6[%get3A_72], %broadcast_in_dim3A_5 {add = true} : memref<10112xf32, #tpu.memory_space<vmem>>[vector<16xi32>], vector<16xf32>,
      %get3A_73 = arith.constant 96 : index
      %get3A_74 = tpu.vector_load %arg4[%get3A_73] {strides = array<i32>} : memref<128xi32, #tpu.memory_space<vmem>>, vector<16xi32>,
      tpu.vector_store_idx %arg6[%get3A_74], %broadcast_in_dim3A_5 {add = true} : memref<10112xf32, #tpu.memory_space<vmem>>[vector<16xi32>], vector<16xf32>,
      %get3A_75 = arith.constant 112 : index
      %get3A_76 = tpu.vector_load %arg4[%get3A_75] {strides = array<i32>} : memref<128xi32, #tpu.memory_space<vmem>>, vector<16xi32>,
      tpu.vector_store_idx %arg6[%get3A_76], %broadcast_in_dim3A_5 {add = true} : memref<10112xf32, #tpu.memory_space<vmem>>[vector<16xi32>], vector<16xf32>,
      %dma_wait3A_77 = arith.constant 1 : i32
      %dma_wait3A_78 = arith.constant 0 : i32
      %dma_wait3A_79 = tpu.memref_slice %arg2[%add3A_47, %dma_wait3A_77, %dma_wait3A_78] : memref<2592x2x128xi32, #tpu.memory_space<hbm>> -> memref<1x1x128xi32, #tpu.memory_space<hbm>>
      %dma_wait3A_80 = tpu.memref_squeeze %dma_wait3A_79 : memref<1x1x128xi32, #tpu.memory_space<hbm>> -> memref<128xi32, #tpu.memory_space<hbm>>
      %dma_wait3A_81 = arith.constant 0 : i32
      %dma_wait3A_82 = tpu.memref_slice %arg2[%add3A_47, %dma_wait3A_77, %dma_wait3A_81] : memref<2592x2x128xi32, #tpu.memory_space<hbm>> -> memref<1x1x128xi32, #tpu.memory_space<hbm>>
      %dma_wait3A_83 = tpu.memref_squeeze %dma_wait3A_82 : memref<1x1x128xi32, #tpu.memory_space<hbm>> -> memref<128xi32, #tpu.memory_space<hbm>>
      tpu.wait_dma2 semaphore(%arg8 : memref<!tpu.dma_semaphore, #tpu.memory_space<semaphore_mem>>) src(%dma_wait3A_83 : memref<128xi32, #tpu.memory_space<hbm>>) dst(%arg5 : memref<128xi32, #tpu.memory_space<vmem>>)
      %get3A_84 = arith.constant 0 : index
      %get3A_85 = tpu.vector_load %arg5[%get3A_84] {strides = array<i32>} : memref<128xi32, #tpu.memory_space<vmem>>, vector<16xi32>,
      tpu.vector_store_idx %arg6[%get3A_85], %broadcast_in_dim3A_5 {add = true} : memref<10112xf32, #tpu.memory_space<vmem>>[vector<16xi32>], vector<16xf32>,
      %get3A_86 = arith.constant 16 : index
      %get3A_87 = tpu.vector_load %arg5[%get3A_86] {strides = array<i32>} : memref<128xi32, #tpu.memory_space<vmem>>, vector<16xi32>,
      tpu.vector_store_idx %arg6[%get3A_87], %broadcast_in_dim3A_5 {add = true} : memref<10112xf32, #tpu.memory_space<vmem>>[vector<16xi32>], vector<16xf32>,
      %get3A_88 = arith.constant 32 : index
      %get3A_89 = tpu.vector_load %arg5[%get3A_88] {strides = array<i32>} : memref<128xi32, #tpu.memory_space<vmem>>, vector<16xi32>,
      tpu.vector_store_idx %arg6[%get3A_89], %broadcast_in_dim3A_5 {add = true} : memref<10112xf32, #tpu.memory_space<vmem>>[vector<16xi32>], vector<16xf32>,
      %get3A_90 = arith.constant 48 : index
      %get3A_91 = tpu.vector_load %arg5[%get3A_90] {strides = array<i32>} : memref<128xi32, #tpu.memory_space<vmem>>, vector<16xi32>,
      tpu.vector_store_idx %arg6[%get3A_91], %broadcast_in_dim3A_5 {add = true} : memref<10112xf32, #tpu.memory_space<vmem>>[vector<16xi32>], vector<16xf32>,
      %get3A_92 = arith.constant 64 : index
      %get3A_93 = tpu.vector_load %arg5[%get3A_92] {strides = array<i32>} : memref<128xi32, #tpu.memory_space<vmem>>, vector<16xi32>,
      tpu.vector_store_idx %arg6[%get3A_93], %broadcast_in_dim3A_5 {add = true} : memref<10112xf32, #tpu.memory_space<vmem>>[vector<16xi32>], vector<16xf32>,
      %get3A_94 = arith.constant 80 : index
      %get3A_95 = tpu.vector_load %arg5[%get3A_94] {strides = array<i32>} : memref<128xi32, #tpu.memory_space<vmem>>, vector<16xi32>,
      tpu.vector_store_idx %arg6[%get3A_95], %broadcast_in_dim3A_5 {add = true} : memref<10112xf32, #tpu.memory_space<vmem>>[vector<16xi32>], vector<16xf32>,
      %get3A_96 = arith.constant 96 : index
      %get3A_97 = tpu.vector_load %arg5[%get3A_96] {strides = array<i32>} : memref<128xi32, #tpu.memory_space<vmem>>, vector<16xi32>,
      tpu.vector_store_idx %arg6[%get3A_97], %broadcast_in_dim3A_5 {add = true} : memref<10112xf32, #tpu.memory_space<vmem>>[vector<16xi32>], vector<16xf32>,
      %get3A_98 = arith.constant 112 : index
      %get3A_99 = tpu.vector_load %arg5[%get3A_98] {strides = array<i32>} : memref<128xi32, #tpu.memory_space<vmem>>, vector<16xi32>,
      tpu.vector_store_idx %arg6[%get3A_99], %broadcast_in_dim3A_5 {add = true} : memref<10112xf32, #tpu.memory_space<vmem>>[vector<16xi32>], vector<16xf32>,
    }
    %scan3A_16 = arith.constant 40 : i32
    %add3A_17 = arith.constant 81 : i32
    %add3A_18 = arith.addi %mul3A_2, %add3A_17 : i32
    %sub3A = arith.constant 1 : i32
    %sub3A_19 = arith.subi %add3A_18, %sub3A : i32
    %run_scoped3A = arith.constant 1 : i32
    "tpu.region"() ({
      %run_scoped3A_36 = tpu.sem_alloc : memref<!tpu.dma_semaphore, #tpu.memory_space<semaphore_mem>>
      %dma_start3A = arith.constant 0 : i32
      %dma_start3A_37 = tpu.memref_slice %arg2[%sub3A_19, %run_scoped3A, %dma_start3A] : memref<2592x2x128xi32, #tpu.memory_space<hbm>> -> memref<1x1x128xi32, #tpu.memory_space<hbm>>
      %dma_start3A_38 = tpu.memref_squeeze %dma_start3A_37 : memref<1x1x128xi32, #tpu.memory_space<hbm>> -> memref<128xi32, #tpu.memory_space<hbm>>
      %dma_start3A_39 = arith.constant 0 : i32
      %dma_start3A_40 = tpu.memref_slice %arg2[%sub3A_19, %run_scoped3A, %dma_start3A_39] : memref<2592x2x128xi32, #tpu.memory_space<hbm>> -> memref<1x1x128xi32, #tpu.memory_space<hbm>>
      %dma_start3A_41 = tpu.memref_squeeze %dma_start3A_40 : memref<1x1x128xi32, #tpu.memory_space<hbm>> -> memref<128xi32, #tpu.memory_space<hbm>>
      tpu.enqueue_dma source(%dma_start3A_41 : memref<128xi32, #tpu.memory_space<hbm>>) target(%arg4 : memref<128xi32, #tpu.memory_space<vmem>>) target_semaphore(%run_scoped3A_36 : memref<!tpu.dma_semaphore, #tpu.memory_space<semaphore_mem>>)
      %dma_wait3A = arith.constant 0 : i32
      %dma_wait3A_42 = tpu.memref_slice %arg2[%sub3A_19, %run_scoped3A, %dma_wait3A] : memref<2592x2x128xi32, #tpu.memory_space<hbm>> -> memref<1x1x128xi32, #tpu.memory_space<hbm>>
      %dma_wait3A_43 = tpu.memref_squeeze %dma_wait3A_42 : memref<1x1x128xi32, #tpu.memory_space<hbm>> -> memref<128xi32, #tpu.memory_space<hbm>>
      %dma_wait3A_44 = arith.constant 0 : i32
      %dma_wait3A_45 = tpu.memref_slice %arg2[%sub3A_19, %run_scoped3A, %dma_wait3A_44] : memref<2592x2x128xi32, #tpu.memory_space<hbm>> -> memref<1x1x128xi32, #tpu.memory_space<hbm>>
      %dma_wait3A_46 = tpu.memref_squeeze %dma_wait3A_45 : memref<1x1x128xi32, #tpu.memory_space<hbm>> -> memref<128xi32, #tpu.memory_space<hbm>>
      tpu.wait_dma2 semaphore(%run_scoped3A_36 : memref<!tpu.dma_semaphore, #tpu.memory_space<semaphore_mem>>) src(%dma_wait3A_46 : memref<128xi32, #tpu.memory_space<hbm>>) dst(%arg4 : memref<128xi32, #tpu.memory_space<vmem>>)
      tpu.yield
    }) : () -> ()
    %get3A = arith.constant 0 : index
    %get3A_20 = tpu.vector_load %arg4[%get3A] {strides = array<i32>} : memref<128xi32, #tpu.memory_space<vmem>>, vector<16xi32>,
    tpu.vector_store_idx %arg6[%get3A_20], %broadcast_in_dim3A_5 {add = true} : memref<10112xf32, #tpu.memory_space<vmem>>[vector<16xi32>], vector<16xf32>,
    %get3A_21 = arith.constant 16 : index
    %get3A_22 = tpu.vector_load %arg4[%get3A_21] {strides = array<i32>} : memref<128xi32, #tpu.memory_space<vmem>>, vector<16xi32>,
    tpu.vector_store_idx %arg6[%get3A_22], %broadcast_in_dim3A_5 {add = true} : memref<10112xf32, #tpu.memory_space<vmem>>[vector<16xi32>], vector<16xf32>,
    %get3A_23 = arith.constant 32 : index
    %get3A_24 = tpu.vector_load %arg4[%get3A_23] {strides = array<i32>} : memref<128xi32, #tpu.memory_space<vmem>>, vector<16xi32>,
    tpu.vector_store_idx %arg6[%get3A_24], %broadcast_in_dim3A_5 {add = true} : memref<10112xf32, #tpu.memory_space<vmem>>[vector<16xi32>], vector<16xf32>,
    %get3A_25 = arith.constant 48 : index
    %get3A_26 = tpu.vector_load %arg4[%get3A_25] {strides = array<i32>} : memref<128xi32, #tpu.memory_space<vmem>>, vector<16xi32>,
    tpu.vector_store_idx %arg6[%get3A_26], %broadcast_in_dim3A_5 {add = true} : memref<10112xf32, #tpu.memory_space<vmem>>[vector<16xi32>], vector<16xf32>,
    %get3A_27 = arith.constant 64 : index
    %get3A_28 = tpu.vector_load %arg4[%get3A_27] {strides = array<i32>} : memref<128xi32, #tpu.memory_space<vmem>>, vector<16xi32>,
    tpu.vector_store_idx %arg6[%get3A_28], %broadcast_in_dim3A_5 {add = true} : memref<10112xf32, #tpu.memory_space<vmem>>[vector<16xi32>], vector<16xf32>,
    %get3A_29 = arith.constant 80 : index
    %get3A_30 = tpu.vector_load %arg4[%get3A_29] {strides = array<i32>} : memref<128xi32, #tpu.memory_space<vmem>>, vector<16xi32>,
    tpu.vector_store_idx %arg6[%get3A_30], %broadcast_in_dim3A_5 {add = true} : memref<10112xf32, #tpu.memory_space<vmem>>[vector<16xi32>], vector<16xf32>,
    %get3A_31 = arith.constant 96 : index
    %get3A_32 = tpu.vector_load %arg4[%get3A_31] {strides = array<i32>} : memref<128xi32, #tpu.memory_space<vmem>>, vector<16xi32>,
    tpu.vector_store_idx %arg6[%get3A_32], %broadcast_in_dim3A_5 {add = true} : memref<10112xf32, #tpu.memory_space<vmem>>[vector<16xi32>], vector<16xf32>,
    %get3A_33 = arith.constant 112 : index
    %get3A_34 = tpu.vector_load %arg4[%get3A_33] {strides = array<i32>} : memref<128xi32, #tpu.memory_space<vmem>>, vector<16xi32>,
    tpu.vector_store_idx %arg6[%get3A_34], %broadcast_in_dim3A_5 {add = true} : memref<10112xf32, #tpu.memory_space<vmem>>[vector<16xi32>], vector<16xf32>,
    %run_scoped3A_35 = arith.constant 0 : i32
    "tpu.region"() ({
      %run_scoped3A_36 = tpu.sem_alloc : memref<!tpu.dma_semaphore, #tpu.memory_space<semaphore_mem>>
      %dma_start3A = arith.constant 0 : i32
      %dma_start3A_37 = tpu.memref_slice %arg3[%add3A, %run_scoped3A_35, %dma_start3A] : memref<32x8x10112xf32, #tpu.memory_space<hbm>> -> memref<1x1x10112xf32, #tpu.memory_space<hbm>>
      %dma_start3A_38 = tpu.memref_squeeze %dma_start3A_37 : memref<1x1x10112xf32, #tpu.memory_space<hbm>> -> memref<10112xf32, #tpu.memory_space<hbm>>
      %dma_start3A_39 = arith.constant 0 : i32
      %dma_start3A_40 = tpu.memref_slice %arg3[%add3A, %run_scoped3A_35, %dma_start3A_39] : memref<32x8x10112xf32, #tpu.memory_space<hbm>> -> memref<1x1x10112xf32, #tpu.memory_space<hbm>>
      %dma_start3A_41 = tpu.memref_squeeze %dma_start3A_40 : memref<1x1x10112xf32, #tpu.memory_space<hbm>> -> memref<10112xf32, #tpu.memory_space<hbm>>
      tpu.enqueue_dma source(%arg6 : memref<10112xf32, #tpu.memory_space<vmem>>) target(%dma_start3A_41 : memref<10112xf32, #tpu.memory_space<hbm>>) target_semaphore(%run_scoped3A_36 : memref<!tpu.dma_semaphore, #tpu.memory_space<semaphore_mem>>)
      %dma_wait3A = arith.constant 0 : i32
      %dma_wait3A_42 = tpu.memref_slice %arg3[%add3A, %run_scoped3A_35, %dma_wait3A] : memref<32x8x10112xf32, #tpu.memory_space<hbm>> -> memref<1x1x10112xf32, #tpu.memory_space<hbm>>
      %dma_wait3A_43 = tpu.memref_squeeze %dma_wait3A_42 : memref<1x1x10112xf32, #tpu.memory_space<hbm>> -> memref<10112xf32, #tpu.memory_space<hbm>>
      %dma_wait3A_44 = arith.constant 0 : i32
      %dma_wait3A_45 = tpu.memref_slice %arg3[%add3A, %run_scoped3A_35, %dma_wait3A_44] : memref<32x8x10112xf32, #tpu.memory_space<hbm>> -> memref<1x1x10112xf32, #tpu.memory_space<hbm>>
      %dma_wait3A_46 = tpu.memref_squeeze %dma_wait3A_45 : memref<1x1x10112xf32, #tpu.memory_space<hbm>> -> memref<10112xf32, #tpu.memory_space<hbm>>
      tpu.wait_dma2 semaphore(%run_scoped3A_36 : memref<!tpu.dma_semaphore, #tpu.memory_space<semaphore_mem>>) src(%arg6 : memref<10112xf32, #tpu.memory_space<vmem>>) dst(%dma_wait3A_46 : memref<10112xf32, #tpu.memory_space<hbm>>)
      tpu.yield
    }) : () -> ()
    return
  }
}

#map = affine_map<(d0, d1) -> (0, 0)>
#map1 = affine_map<(d0, d1) -> (0, 0, 0)>
module attributes {stable_mosaic.version = 14 : i64} {
  func.func @body(%arg0: i32, %arg1: i32, %arg2: memref<10112x64xf32, #tpu.memory_space<hbm>>, %arg3: memref<2592x2x128xi32, #tpu.memory_space<hbm>>, %arg4: memref<10112x64xf32, #tpu.memory_space<hbm>>, %arg5: memref<2x10112x64xf32, #tpu.memory_space<hbm>>, %arg6: memref<2x128xi32, #tpu.memory_space<vmem>>, %arg7: memref<2x128xi32, #tpu.memory_space<vmem>>, %arg8: memref<2x128xi32, #tpu.memory_space<vmem>>, %arg9: memref<128x64xf32, #tpu.memory_space<vmem>>, %arg10: memref<128x64xf32, #tpu.memory_space<vmem>>, %arg11: memref<128x64xf32, #tpu.memory_space<vmem>>, %arg12: memref<10112x64xf32, #tpu.memory_space<vmem_shared>>, %arg13: memref<!tpu.dma_semaphore, #tpu.memory_space<semaphore_mem>>, %arg14: memref<!tpu.dma_semaphore, #tpu.memory_space<semaphore_mem>>, %arg15: memref<!tpu.dma_semaphore, #tpu.memory_space<semaphore_mem>>, %arg16: memref<!tpu.dma_semaphore, #tpu.memory_space<semaphore_mem>>, %arg17: memref<!tpu.dma_semaphore, #tpu.memory_space<semaphore_mem>>, %arg18: memref<!tpu.dma_semaphore, #tpu.memory_space<semaphore_mem>>) attributes {dimension_semantics = [#tpu.dimension_semantics<core_parallel>, #tpu.dimension_semantics<subcore_parallel>], iteration_bounds = array<i64: 2, 16>, scalar_prefetch = 0 : i64, scratch_operands = 13 : i64, tpu.core_type = #tpu.core_type<sc_vector_subcore>, window_params = [{transform_indices = #map}, {transform_indices = #map1}, {transform_indices = #map}, {transform_indices = #map1}]} {
    %mul3A = arith.constant 2 : i32
    %mul3A_0 = arith.muli %arg1, %mul3A : i32
    %add3A = arith.addi %mul3A_0, %arg0 : i32
    %mul3A_1 = arith.constant 632 : i32
    %mul3A_2 = arith.muli %arg1, %mul3A_1 : i32
    %add3A_3 = arith.constant 0 : i32
    %add3A_4 = arith.addi %mul3A_2, %add3A_3 : i32
    "tpu.region"() ({
      %run_scoped3A = tpu.sem_alloc : memref<!tpu.dma_semaphore, #tpu.memory_space<semaphore_mem>>
      %dma_start3A_167 = arith.constant 0 : i32
      %dma_start3A_168 = arith.constant 0 : i32
      %dma_start3A_169 = tpu.memref_slice %arg9[%dma_start3A_167, %dma_start3A_168] : memref<128x64xf32, #tpu.memory_space<vmem>> -> memref<128x64xf32, #tpu.memory_space<vmem>>
      %dma_start3A_170 = arith.constant 0 : i32
      %dma_start3A_171 = tpu.memref_slice %arg4[%add3A_4, %dma_start3A_170] : memref<10112x64xf32, #tpu.memory_space<hbm>> -> memref<128x64xf32, #tpu.memory_space<hbm>>
      %dma_start3A_172 = arith.constant 0 : i32
      %dma_start3A_173 = arith.constant 0 : i32
      %dma_start3A_174 = tpu.memref_slice %arg9[%dma_start3A_172, %dma_start3A_173] : memref<128x64xf32, #tpu.memory_space<vmem>> -> memref<128x64xf32, #tpu.memory_space<vmem>>
      %dma_start3A_175 = arith.constant 0 : i32
      %dma_start3A_176 = tpu.memref_slice %arg4[%add3A_4, %dma_start3A_175] : memref<10112x64xf32, #tpu.memory_space<hbm>> -> memref<128x64xf32, #tpu.memory_space<hbm>>
      tpu.enqueue_dma source(%dma_start3A_176 : memref<128x64xf32, #tpu.memory_space<hbm>>) target(%dma_start3A_174 : memref<128x64xf32, #tpu.memory_space<vmem>>) target_semaphore(%run_scoped3A : memref<!tpu.dma_semaphore, #tpu.memory_space<semaphore_mem>>)
      %dma_wait3A_177 = arith.constant 0 : i32
      %dma_wait3A_178 = arith.constant 0 : i32
      %dma_wait3A_179 = tpu.memref_slice %arg9[%dma_wait3A_177, %dma_wait3A_178] : memref<128x64xf32, #tpu.memory_space<vmem>> -> memref<128x64xf32, #tpu.memory_space<vmem>>
      %dma_wait3A_180 = arith.constant 0 : i32
      %dma_wait3A_181 = tpu.memref_slice %arg4[%add3A_4, %dma_wait3A_180] : memref<10112x64xf32, #tpu.memory_space<hbm>> -> memref<128x64xf32, #tpu.memory_space<hbm>>
      %dma_wait3A_182 = arith.constant 0 : i32
      %dma_wait3A_183 = arith.constant 0 : i32
      %dma_wait3A_184 = tpu.memref_slice %arg9[%dma_wait3A_182, %dma_wait3A_183] : memref<128x64xf32, #tpu.memory_space<vmem>> -> memref<128x64xf32, #tpu.memory_space<vmem>>
      %dma_wait3A_185 = arith.constant 0 : i32
      %dma_wait3A_186 = tpu.memref_slice %arg4[%add3A_4, %dma_wait3A_185] : memref<10112x64xf32, #tpu.memory_space<hbm>> -> memref<128x64xf32, #tpu.memory_space<hbm>>
      tpu.wait_dma2 semaphore(%run_scoped3A : memref<!tpu.dma_semaphore, #tpu.memory_space<semaphore_mem>>) src(%dma_wait3A_186 : memref<128x64xf32, #tpu.memory_space<hbm>>) dst(%dma_wait3A_184 : memref<128x64xf32, #tpu.memory_space<vmem>>)
      tpu.yield
    }) : () -> ()
    %add3A_5 = arith.constant 0 : i32
    %add3A_6 = arith.addi %mul3A_2, %add3A_5 : i32
    "tpu.region"() ({
      %run_scoped3A = tpu.sem_alloc : memref<!tpu.dma_semaphore, #tpu.memory_space<semaphore_mem>>
      %dma_start3A_167 = arith.constant 0 : i32
      %dma_start3A_168 = arith.constant 0 : i32
      %dma_start3A_169 = tpu.memref_slice %arg9[%dma_start3A_167, %dma_start3A_168] : memref<128x64xf32, #tpu.memory_space<vmem>> -> memref<128x64xf32, #tpu.memory_space<vmem>>
      %dma_start3A_170 = arith.constant 0 : i32
      %dma_start3A_171 = tpu.memref_slice %arg12[%add3A_6, %dma_start3A_170] : memref<10112x64xf32, #tpu.memory_space<vmem_shared>> -> memref<128x64xf32, #tpu.memory_space<vmem_shared>>
      %dma_start3A_172 = arith.constant 0 : i32
      %dma_start3A_173 = tpu.memref_slice %arg12[%add3A_6, %dma_start3A_172] : memref<10112x64xf32, #tpu.memory_space<vmem_shared>> -> memref<128x64xf32, #tpu.memory_space<vmem_shared>>
      %dma_start3A_174 = arith.constant 0 : i32
      %dma_start3A_175 = arith.constant 0 : i32
      %dma_start3A_176 = tpu.memref_slice %arg9[%dma_start3A_174, %dma_start3A_175] : memref<128x64xf32, #tpu.memory_space<vmem>> -> memref<128x64xf32, #tpu.memory_space<vmem>>
      tpu.enqueue_dma source(%dma_start3A_176 : memref<128x64xf32, #tpu.memory_space<vmem>>) target(%dma_start3A_173 : memref<128x64xf32, #tpu.memory_space<vmem_shared>>) target_semaphore(%run_scoped3A : memref<!tpu.dma_semaphore, #tpu.memory_space<semaphore_mem>>)
      %dma_wait3A_177 = arith.constant 0 : i32
      %dma_wait3A_178 = arith.constant 0 : i32
      %dma_wait3A_179 = tpu.memref_slice %arg9[%dma_wait3A_177, %dma_wait3A_178] : memref<128x64xf32, #tpu.memory_space<vmem>> -> memref<128x64xf32, #tpu.memory_space<vmem>>
      %dma_wait3A_180 = arith.constant 0 : i32
      %dma_wait3A_181 = tpu.memref_slice %arg12[%add3A_6, %dma_wait3A_180] : memref<10112x64xf32, #tpu.memory_space<vmem_shared>> -> memref<128x64xf32, #tpu.memory_space<vmem_shared>>
      %dma_wait3A_182 = arith.constant 0 : i32
      %dma_wait3A_183 = tpu.memref_slice %arg12[%add3A_6, %dma_wait3A_182] : memref<10112x64xf32, #tpu.memory_space<vmem_shared>> -> memref<128x64xf32, #tpu.memory_space<vmem_shared>>
      %dma_wait3A_184 = arith.constant 0 : i32
      %dma_wait3A_185 = arith.constant 0 : i32
      %dma_wait3A_186 = tpu.memref_slice %arg9[%dma_wait3A_184, %dma_wait3A_185] : memref<128x64xf32, #tpu.memory_space<vmem>> -> memref<128x64xf32, #tpu.memory_space<vmem>>
      tpu.wait_dma2 semaphore(%run_scoped3A : memref<!tpu.dma_semaphore, #tpu.memory_space<semaphore_mem>>) src(%dma_wait3A_186 : memref<128x64xf32, #tpu.memory_space<vmem>>) dst(%dma_wait3A_183 : memref<128x64xf32, #tpu.memory_space<vmem_shared>>)
      tpu.yield
    }) : () -> ()
    %add3A_7 = arith.constant 128 : i32
    %add3A_8 = arith.addi %mul3A_2, %add3A_7 : i32
    "tpu.region"() ({
      %run_scoped3A = tpu.sem_alloc : memref<!tpu.dma_semaphore, #tpu.memory_space<semaphore_mem>>
      %dma_start3A_167 = arith.constant 0 : i32
      %dma_start3A_168 = arith.constant 0 : i32
      %dma_start3A_169 = tpu.memref_slice %arg9[%dma_start3A_167, %dma_start3A_168] : memref<128x64xf32, #tpu.memory_space<vmem>> -> memref<128x64xf32, #tpu.memory_space<vmem>>
      %dma_start3A_170 = arith.constant 0 : i32
      %dma_start3A_171 = tpu.memref_slice %arg4[%add3A_8, %dma_start3A_170] : memref<10112x64xf32, #tpu.memory_space<hbm>> -> memref<128x64xf32, #tpu.memory_space<hbm>>
      %dma_start3A_172 = arith.constant 0 : i32
      %dma_start3A_173 = arith.constant 0 : i32
      %dma_start3A_174 = tpu.memref_slice %arg9[%dma_start3A_172, %dma_start3A_173] : memref<128x64xf32, #tpu.memory_space<vmem>> -> memref<128x64xf32, #tpu.memory_space<vmem>>
      %dma_start3A_175 = arith.constant 0 : i32
      %dma_start3A_176 = tpu.memref_slice %arg4[%add3A_8, %dma_start3A_175] : memref<10112x64xf32, #tpu.memory_space<hbm>> -> memref<128x64xf32, #tpu.memory_space<hbm>>
      tpu.enqueue_dma source(%dma_start3A_176 : memref<128x64xf32, #tpu.memory_space<hbm>>) target(%dma_start3A_174 : memref<128x64xf32, #tpu.memory_space<vmem>>) target_semaphore(%run_scoped3A : memref<!tpu.dma_semaphore, #tpu.memory_space<semaphore_mem>>)
      %dma_wait3A_177 = arith.constant 0 : i32
      %dma_wait3A_178 = arith.constant 0 : i32
      %dma_wait3A_179 = tpu.memref_slice %arg9[%dma_wait3A_177, %dma_wait3A_178] : memref<128x64xf32, #tpu.memory_space<vmem>> -> memref<128x64xf32, #tpu.memory_space<vmem>>
      %dma_wait3A_180 = arith.constant 0 : i32
      %dma_wait3A_181 = tpu.memref_slice %arg4[%add3A_8, %dma_wait3A_180] : memref<10112x64xf32, #tpu.memory_space<hbm>> -> memref<128x64xf32, #tpu.memory_space<hbm>>
      %dma_wait3A_182 = arith.constant 0 : i32
      %dma_wait3A_183 = arith.constant 0 : i32
      %dma_wait3A_184 = tpu.memref_slice %arg9[%dma_wait3A_182, %dma_wait3A_183] : memref<128x64xf32, #tpu.memory_space<vmem>> -> memref<128x64xf32, #tpu.memory_space<vmem>>
      %dma_wait3A_185 = arith.constant 0 : i32
      %dma_wait3A_186 = tpu.memref_slice %arg4[%add3A_8, %dma_wait3A_185] : memref<10112x64xf32, #tpu.memory_space<hbm>> -> memref<128x64xf32, #tpu.memory_space<hbm>>
      tpu.wait_dma2 semaphore(%run_scoped3A : memref<!tpu.dma_semaphore, #tpu.memory_space<semaphore_mem>>) src(%dma_wait3A_186 : memref<128x64xf32, #tpu.memory_space<hbm>>) dst(%dma_wait3A_184 : memref<128x64xf32, #tpu.memory_space<vmem>>)
      tpu.yield
    }) : () -> ()
    %add3A_9 = arith.constant 128 : i32
    %add3A_10 = arith.addi %mul3A_2, %add3A_9 : i32
    "tpu.region"() ({
      %run_scoped3A = tpu.sem_alloc : memref<!tpu.dma_semaphore, #tpu.memory_space<semaphore_mem>>
      %dma_start3A_167 = arith.constant 0 : i32
      %dma_start3A_168 = arith.constant 0 : i32
      %dma_start3A_169 = tpu.memref_slice %arg9[%dma_start3A_167, %dma_start3A_168] : memref<128x64xf32, #tpu.memory_space<vmem>> -> memref<128x64xf32, #tpu.memory_space<vmem>>
      %dma_start3A_170 = arith.constant 0 : i32
      %dma_start3A_171 = tpu.memref_slice %arg12[%add3A_10, %dma_start3A_170] : memref<10112x64xf32, #tpu.memory_space<vmem_shared>> -> memref<128x64xf32, #tpu.memory_space<vmem_shared>>
      %dma_start3A_172 = arith.constant 0 : i32
      %dma_start3A_173 = tpu.memref_slice %arg12[%add3A_10, %dma_start3A_172] : memref<10112x64xf32, #tpu.memory_space<vmem_shared>> -> memref<128x64xf32, #tpu.memory_space<vmem_shared>>
      %dma_start3A_174 = arith.constant 0 : i32
      %dma_start3A_175 = arith.constant 0 : i32
      %dma_start3A_176 = tpu.memref_slice %arg9[%dma_start3A_174, %dma_start3A_175] : memref<128x64xf32, #tpu.memory_space<vmem>> -> memref<128x64xf32, #tpu.memory_space<vmem>>
      tpu.enqueue_dma source(%dma_start3A_176 : memref<128x64xf32, #tpu.memory_space<vmem>>) target(%dma_start3A_173 : memref<128x64xf32, #tpu.memory_space<vmem_shared>>) target_semaphore(%run_scoped3A : memref<!tpu.dma_semaphore, #tpu.memory_space<semaphore_mem>>)
      %dma_wait3A_177 = arith.constant 0 : i32
      %dma_wait3A_178 = arith.constant 0 : i32
      %dma_wait3A_179 = tpu.memref_slice %arg9[%dma_wait3A_177, %dma_wait3A_178] : memref<128x64xf32, #tpu.memory_space<vmem>> -> memref<128x64xf32, #tpu.memory_space<vmem>>
      %dma_wait3A_180 = arith.constant 0 : i32
      %dma_wait3A_181 = tpu.memref_slice %arg12[%add3A_10, %dma_wait3A_180] : memref<10112x64xf32, #tpu.memory_space<vmem_shared>> -> memref<128x64xf32, #tpu.memory_space<vmem_shared>>
      %dma_wait3A_182 = arith.constant 0 : i32
      %dma_wait3A_183 = tpu.memref_slice %arg12[%add3A_10, %dma_wait3A_182] : memref<10112x64xf32, #tpu.memory_space<vmem_shared>> -> memref<128x64xf32, #tpu.memory_space<vmem_shared>>
      %dma_wait3A_184 = arith.constant 0 : i32
      %dma_wait3A_185 = arith.constant 0 : i32
      %dma_wait3A_186 = tpu.memref_slice %arg9[%dma_wait3A_184, %dma_wait3A_185] : memref<128x64xf32, #tpu.memory_space<vmem>> -> memref<128x64xf32, #tpu.memory_space<vmem>>
      tpu.wait_dma2 semaphore(%run_scoped3A : memref<!tpu.dma_semaphore, #tpu.memory_space<semaphore_mem>>) src(%dma_wait3A_186 : memref<128x64xf32, #tpu.memory_space<vmem>>) dst(%dma_wait3A_183 : memref<128x64xf32, #tpu.memory_space<vmem_shared>>)
      tpu.yield
    }) : () -> ()
    %add3A_11 = arith.constant 256 : i32
    %add3A_12 = arith.addi %mul3A_2, %add3A_11 : i32
    "tpu.region"() ({
      %run_scoped3A = tpu.sem_alloc : memref<!tpu.dma_semaphore, #tpu.memory_space<semaphore_mem>>
      %dma_start3A_167 = arith.constant 0 : i32
      %dma_start3A_168 = arith.constant 0 : i32
      %dma_start3A_169 = tpu.memref_slice %arg9[%dma_start3A_167, %dma_start3A_168] : memref<128x64xf32, #tpu.memory_space<vmem>> -> memref<128x64xf32, #tpu.memory_space<vmem>>
      %dma_start3A_170 = arith.constant 0 : i32
      %dma_start3A_171 = tpu.memref_slice %arg4[%add3A_12, %dma_start3A_170] : memref<10112x64xf32, #tpu.memory_space<hbm>> -> memref<128x64xf32, #tpu.memory_space<hbm>>
      %dma_start3A_172 = arith.constant 0 : i32
      %dma_start3A_173 = arith.constant 0 : i32
      %dma_start3A_174 = tpu.memref_slice %arg9[%dma_start3A_172, %dma_start3A_173] : memref<128x64xf32, #tpu.memory_space<vmem>> -> memref<128x64xf32, #tpu.memory_space<vmem>>
      %dma_start3A_175 = arith.constant 0 : i32
      %dma_start3A_176 = tpu.memref_slice %arg4[%add3A_12, %dma_start3A_175] : memref<10112x64xf32, #tpu.memory_space<hbm>> -> memref<128x64xf32, #tpu.memory_space<hbm>>
      tpu.enqueue_dma source(%dma_start3A_176 : memref<128x64xf32, #tpu.memory_space<hbm>>) target(%dma_start3A_174 : memref<128x64xf32, #tpu.memory_space<vmem>>) target_semaphore(%run_scoped3A : memref<!tpu.dma_semaphore, #tpu.memory_space<semaphore_mem>>)
      %dma_wait3A_177 = arith.constant 0 : i32
      %dma_wait3A_178 = arith.constant 0 : i32
      %dma_wait3A_179 = tpu.memref_slice %arg9[%dma_wait3A_177, %dma_wait3A_178] : memref<128x64xf32, #tpu.memory_space<vmem>> -> memref<128x64xf32, #tpu.memory_space<vmem>>
      %dma_wait3A_180 = arith.constant 0 : i32
      %dma_wait3A_181 = tpu.memref_slice %arg4[%add3A_12, %dma_wait3A_180] : memref<10112x64xf32, #tpu.memory_space<hbm>> -> memref<128x64xf32, #tpu.memory_space<hbm>>
      %dma_wait3A_182 = arith.constant 0 : i32
      %dma_wait3A_183 = arith.constant 0 : i32
      %dma_wait3A_184 = tpu.memref_slice %arg9[%dma_wait3A_182, %dma_wait3A_183] : memref<128x64xf32, #tpu.memory_space<vmem>> -> memref<128x64xf32, #tpu.memory_space<vmem>>
      %dma_wait3A_185 = arith.constant 0 : i32
      %dma_wait3A_186 = tpu.memref_slice %arg4[%add3A_12, %dma_wait3A_185] : memref<10112x64xf32, #tpu.memory_space<hbm>> -> memref<128x64xf32, #tpu.memory_space<hbm>>
      tpu.wait_dma2 semaphore(%run_scoped3A : memref<!tpu.dma_semaphore, #tpu.memory_space<semaphore_mem>>) src(%dma_wait3A_186 : memref<128x64xf32, #tpu.memory_space<hbm>>) dst(%dma_wait3A_184 : memref<128x64xf32, #tpu.memory_space<vmem>>)
      tpu.yield
    }) : () -> ()
    %add3A_13 = arith.constant 256 : i32
    %add3A_14 = arith.addi %mul3A_2, %add3A_13 : i32
    "tpu.region"() ({
      %run_scoped3A = tpu.sem_alloc : memref<!tpu.dma_semaphore, #tpu.memory_space<semaphore_mem>>
      %dma_start3A_167 = arith.constant 0 : i32
      %dma_start3A_168 = arith.constant 0 : i32
      %dma_start3A_169 = tpu.memref_slice %arg9[%dma_start3A_167, %dma_start3A_168] : memref<128x64xf32, #tpu.memory_space<vmem>> -> memref<128x64xf32, #tpu.memory_space<vmem>>
      %dma_start3A_170 = arith.constant 0 : i32
      %dma_start3A_171 = tpu.memref_slice %arg12[%add3A_14, %dma_start3A_170] : memref<10112x64xf32, #tpu.memory_space<vmem_shared>> -> memref<128x64xf32, #tpu.memory_space<vmem_shared>>
      %dma_start3A_172 = arith.constant 0 : i32
      %dma_start3A_173 = tpu.memref_slice %arg12[%add3A_14, %dma_start3A_172] : memref<10112x64xf32, #tpu.memory_space<vmem_shared>> -> memref<128x64xf32, #tpu.memory_space<vmem_shared>>
      %dma_start3A_174 = arith.constant 0 : i32
      %dma_start3A_175 = arith.constant 0 : i32
      %dma_start3A_176 = tpu.memref_slice %arg9[%dma_start3A_174, %dma_start3A_175] : memref<128x64xf32, #tpu.memory_space<vmem>> -> memref<128x64xf32, #tpu.memory_space<vmem>>
      tpu.enqueue_dma source(%dma_start3A_176 : memref<128x64xf32, #tpu.memory_space<vmem>>) target(%dma_start3A_173 : memref<128x64xf32, #tpu.memory_space<vmem_shared>>) target_semaphore(%run_scoped3A : memref<!tpu.dma_semaphore, #tpu.memory_space<semaphore_mem>>)
      %dma_wait3A_177 = arith.constant 0 : i32
      %dma_wait3A_178 = arith.constant 0 : i32
      %dma_wait3A_179 = tpu.memref_slice %arg9[%dma_wait3A_177, %dma_wait3A_178] : memref<128x64xf32, #tpu.memory_space<vmem>> -> memref<128x64xf32, #tpu.memory_space<vmem>>
      %dma_wait3A_180 = arith.constant 0 : i32
      %dma_wait3A_181 = tpu.memref_slice %arg12[%add3A_14, %dma_wait3A_180] : memref<10112x64xf32, #tpu.memory_space<vmem_shared>> -> memref<128x64xf32, #tpu.memory_space<vmem_shared>>
      %dma_wait3A_182 = arith.constant 0 : i32
      %dma_wait3A_183 = tpu.memref_slice %arg12[%add3A_14, %dma_wait3A_182] : memref<10112x64xf32, #tpu.memory_space<vmem_shared>> -> memref<128x64xf32, #tpu.memory_space<vmem_shared>>
      %dma_wait3A_184 = arith.constant 0 : i32
      %dma_wait3A_185 = arith.constant 0 : i32
      %dma_wait3A_186 = tpu.memref_slice %arg9[%dma_wait3A_184, %dma_wait3A_185] : memref<128x64xf32, #tpu.memory_space<vmem>> -> memref<128x64xf32, #tpu.memory_space<vmem>>
      tpu.wait_dma2 semaphore(%run_scoped3A : memref<!tpu.dma_semaphore, #tpu.memory_space<semaphore_mem>>) src(%dma_wait3A_186 : memref<128x64xf32, #tpu.memory_space<vmem>>) dst(%dma_wait3A_183 : memref<128x64xf32, #tpu.memory_space<vmem_shared>>)
      tpu.yield
    }) : () -> ()
    %add3A_15 = arith.constant 384 : i32
    %add3A_16 = arith.addi %mul3A_2, %add3A_15 : i32
    "tpu.region"() ({
      %run_scoped3A = tpu.sem_alloc : memref<!tpu.dma_semaphore, #tpu.memory_space<semaphore_mem>>
      %dma_start3A_167 = arith.constant 0 : i32
      %dma_start3A_168 = arith.constant 0 : i32
      %dma_start3A_169 = tpu.memref_slice %arg9[%dma_start3A_167, %dma_start3A_168] : memref<128x64xf32, #tpu.memory_space<vmem>> -> memref<128x64xf32, #tpu.memory_space<vmem>>
      %dma_start3A_170 = arith.constant 0 : i32
      %dma_start3A_171 = tpu.memref_slice %arg4[%add3A_16, %dma_start3A_170] : memref<10112x64xf32, #tpu.memory_space<hbm>> -> memref<128x64xf32, #tpu.memory_space<hbm>>
      %dma_start3A_172 = arith.constant 0 : i32
      %dma_start3A_173 = arith.constant 0 : i32
      %dma_start3A_174 = tpu.memref_slice %arg9[%dma_start3A_172, %dma_start3A_173] : memref<128x64xf32, #tpu.memory_space<vmem>> -> memref<128x64xf32, #tpu.memory_space<vmem>>
      %dma_start3A_175 = arith.constant 0 : i32
      %dma_start3A_176 = tpu.memref_slice %arg4[%add3A_16, %dma_start3A_175] : memref<10112x64xf32, #tpu.memory_space<hbm>> -> memref<128x64xf32, #tpu.memory_space<hbm>>
      tpu.enqueue_dma source(%dma_start3A_176 : memref<128x64xf32, #tpu.memory_space<hbm>>) target(%dma_start3A_174 : memref<128x64xf32, #tpu.memory_space<vmem>>) target_semaphore(%run_scoped3A : memref<!tpu.dma_semaphore, #tpu.memory_space<semaphore_mem>>)
      %dma_wait3A_177 = arith.constant 0 : i32
      %dma_wait3A_178 = arith.constant 0 : i32
      %dma_wait3A_179 = tpu.memref_slice %arg9[%dma_wait3A_177, %dma_wait3A_178] : memref<128x64xf32, #tpu.memory_space<vmem>> -> memref<128x64xf32, #tpu.memory_space<vmem>>
      %dma_wait3A_180 = arith.constant 0 : i32
      %dma_wait3A_181 = tpu.memref_slice %arg4[%add3A_16, %dma_wait3A_180] : memref<10112x64xf32, #tpu.memory_space<hbm>> -> memref<128x64xf32, #tpu.memory_space<hbm>>
      %dma_wait3A_182 = arith.constant 0 : i32
      %dma_wait3A_183 = arith.constant 0 : i32
      %dma_wait3A_184 = tpu.memref_slice %arg9[%dma_wait3A_182, %dma_wait3A_183] : memref<128x64xf32, #tpu.memory_space<vmem>> -> memref<128x64xf32, #tpu.memory_space<vmem>>
      %dma_wait3A_185 = arith.constant 0 : i32
      %dma_wait3A_186 = tpu.memref_slice %arg4[%add3A_16, %dma_wait3A_185] : memref<10112x64xf32, #tpu.memory_space<hbm>> -> memref<128x64xf32, #tpu.memory_space<hbm>>
      tpu.wait_dma2 semaphore(%run_scoped3A : memref<!tpu.dma_semaphore, #tpu.memory_space<semaphore_mem>>) src(%dma_wait3A_186 : memref<128x64xf32, #tpu.memory_space<hbm>>) dst(%dma_wait3A_184 : memref<128x64xf32, #tpu.memory_space<vmem>>)
      tpu.yield
    }) : () -> ()
    %add3A_17 = arith.constant 384 : i32
    %add3A_18 = arith.addi %mul3A_2, %add3A_17 : i32
    "tpu.region"() ({
      %run_scoped3A = tpu.sem_alloc : memref<!tpu.dma_semaphore, #tpu.memory_space<semaphore_mem>>
      %dma_start3A_167 = arith.constant 0 : i32
      %dma_start3A_168 = arith.constant 0 : i32
      %dma_start3A_169 = tpu.memref_slice %arg9[%dma_start3A_167, %dma_start3A_168] : memref<128x64xf32, #tpu.memory_space<vmem>> -> memref<128x64xf32, #tpu.memory_space<vmem>>
      %dma_start3A_170 = arith.constant 0 : i32
      %dma_start3A_171 = tpu.memref_slice %arg12[%add3A_18, %dma_start3A_170] : memref<10112x64xf32, #tpu.memory_space<vmem_shared>> -> memref<128x64xf32, #tpu.memory_space<vmem_shared>>
      %dma_start3A_172 = arith.constant 0 : i32
      %dma_start3A_173 = tpu.memref_slice %arg12[%add3A_18, %dma_start3A_172] : memref<10112x64xf32, #tpu.memory_space<vmem_shared>> -> memref<128x64xf32, #tpu.memory_space<vmem_shared>>
      %dma_start3A_174 = arith.constant 0 : i32
      %dma_start3A_175 = arith.constant 0 : i32
      %dma_start3A_176 = tpu.memref_slice %arg9[%dma_start3A_174, %dma_start3A_175] : memref<128x64xf32, #tpu.memory_space<vmem>> -> memref<128x64xf32, #tpu.memory_space<vmem>>
      tpu.enqueue_dma source(%dma_start3A_176 : memref<128x64xf32, #tpu.memory_space<vmem>>) target(%dma_start3A_173 : memref<128x64xf32, #tpu.memory_space<vmem_shared>>) target_semaphore(%run_scoped3A : memref<!tpu.dma_semaphore, #tpu.memory_space<semaphore_mem>>)
      %dma_wait3A_177 = arith.constant 0 : i32
      %dma_wait3A_178 = arith.constant 0 : i32
      %dma_wait3A_179 = tpu.memref_slice %arg9[%dma_wait3A_177, %dma_wait3A_178] : memref<128x64xf32, #tpu.memory_space<vmem>> -> memref<128x64xf32, #tpu.memory_space<vmem>>
      %dma_wait3A_180 = arith.constant 0 : i32
      %dma_wait3A_181 = tpu.memref_slice %arg12[%add3A_18, %dma_wait3A_180] : memref<10112x64xf32, #tpu.memory_space<vmem_shared>> -> memref<128x64xf32, #tpu.memory_space<vmem_shared>>
      %dma_wait3A_182 = arith.constant 0 : i32
      %dma_wait3A_183 = tpu.memref_slice %arg12[%add3A_18, %dma_wait3A_182] : memref<10112x64xf32, #tpu.memory_space<vmem_shared>> -> memref<128x64xf32, #tpu.memory_space<vmem_shared>>
      %dma_wait3A_184 = arith.constant 0 : i32
      %dma_wait3A_185 = arith.constant 0 : i32
      %dma_wait3A_186 = tpu.memref_slice %arg9[%dma_wait3A_184, %dma_wait3A_185] : memref<128x64xf32, #tpu.memory_space<vmem>> -> memref<128x64xf32, #tpu.memory_space<vmem>>
      tpu.wait_dma2 semaphore(%run_scoped3A : memref<!tpu.dma_semaphore, #tpu.memory_space<semaphore_mem>>) src(%dma_wait3A_186 : memref<128x64xf32, #tpu.memory_space<vmem>>) dst(%dma_wait3A_183 : memref<128x64xf32, #tpu.memory_space<vmem_shared>>)
      tpu.yield
    }) : () -> ()
    %add3A_19 = arith.constant 512 : i32
    %add3A_20 = arith.addi %mul3A_2, %add3A_19 : i32
    "tpu.region"() ({
      %run_scoped3A = tpu.sem_alloc : memref<!tpu.dma_semaphore, #tpu.memory_space<semaphore_mem>>
      %dma_start3A_167 = arith.constant 0 : i32
      %dma_start3A_168 = arith.constant 0 : i32
      %dma_start3A_169 = tpu.memref_slice %arg9[%dma_start3A_167, %dma_start3A_168] : memref<128x64xf32, #tpu.memory_space<vmem>> -> memref<120x64xf32, #tpu.memory_space<vmem>>
      %dma_start3A_170 = arith.constant 0 : i32
      %dma_start3A_171 = tpu.memref_slice %arg4[%add3A_20, %dma_start3A_170] : memref<10112x64xf32, #tpu.memory_space<hbm>> -> memref<120x64xf32, #tpu.memory_space<hbm>>
      %dma_start3A_172 = arith.constant 0 : i32
      %dma_start3A_173 = arith.constant 0 : i32
      %dma_start3A_174 = tpu.memref_slice %arg9[%dma_start3A_172, %dma_start3A_173] : memref<128x64xf32, #tpu.memory_space<vmem>> -> memref<120x64xf32, #tpu.memory_space<vmem>>
      %dma_start3A_175 = arith.constant 0 : i32
      %dma_start3A_176 = tpu.memref_slice %arg4[%add3A_20, %dma_start3A_175] : memref<10112x64xf32, #tpu.memory_space<hbm>> -> memref<120x64xf32, #tpu.memory_space<hbm>>
      tpu.enqueue_dma source(%dma_start3A_176 : memref<120x64xf32, #tpu.memory_space<hbm>>) target(%dma_start3A_174 : memref<120x64xf32, #tpu.memory_space<vmem>>) target_semaphore(%run_scoped3A : memref<!tpu.dma_semaphore, #tpu.memory_space<semaphore_mem>>)
      %dma_wait3A_177 = arith.constant 0 : i32
      %dma_wait3A_178 = arith.constant 0 : i32
      %dma_wait3A_179 = tpu.memref_slice %arg9[%dma_wait3A_177, %dma_wait3A_178] : memref<128x64xf32, #tpu.memory_space<vmem>> -> memref<120x64xf32, #tpu.memory_space<vmem>>
      %dma_wait3A_180 = arith.constant 0 : i32
      %dma_wait3A_181 = tpu.memref_slice %arg4[%add3A_20, %dma_wait3A_180] : memref<10112x64xf32, #tpu.memory_space<hbm>> -> memref<120x64xf32, #tpu.memory_space<hbm>>
      %dma_wait3A_182 = arith.constant 0 : i32
      %dma_wait3A_183 = arith.constant 0 : i32
      %dma_wait3A_184 = tpu.memref_slice %arg9[%dma_wait3A_182, %dma_wait3A_183] : memref<128x64xf32, #tpu.memory_space<vmem>> -> memref<120x64xf32, #tpu.memory_space<vmem>>
      %dma_wait3A_185 = arith.constant 0 : i32
      %dma_wait3A_186 = tpu.memref_slice %arg4[%add3A_20, %dma_wait3A_185] : memref<10112x64xf32, #tpu.memory_space<hbm>> -> memref<120x64xf32, #tpu.memory_space<hbm>>
      tpu.wait_dma2 semaphore(%run_scoped3A : memref<!tpu.dma_semaphore, #tpu.memory_space<semaphore_mem>>) src(%dma_wait3A_186 : memref<120x64xf32, #tpu.memory_space<hbm>>) dst(%dma_wait3A_184 : memref<120x64xf32, #tpu.memory_space<vmem>>)
      tpu.yield
    }) : () -> ()
    %add3A_21 = arith.constant 512 : i32
    %add3A_22 = arith.addi %mul3A_2, %add3A_21 : i32
    "tpu.region"() ({
      %run_scoped3A = tpu.sem_alloc : memref<!tpu.dma_semaphore, #tpu.memory_space<semaphore_mem>>
      %dma_start3A_167 = arith.constant 0 : i32
      %dma_start3A_168 = arith.constant 0 : i32
      %dma_start3A_169 = tpu.memref_slice %arg9[%dma_start3A_167, %dma_start3A_168] : memref<128x64xf32, #tpu.memory_space<vmem>> -> memref<120x64xf32, #tpu.memory_space<vmem>>
      %dma_start3A_170 = arith.constant 0 : i32
      %dma_start3A_171 = tpu.memref_slice %arg12[%add3A_22, %dma_start3A_170] : memref<10112x64xf32, #tpu.memory_space<vmem_shared>> -> memref<120x64xf32, #tpu.memory_space<vmem_shared>>
      %dma_start3A_172 = arith.constant 0 : i32
      %dma_start3A_173 = tpu.memref_slice %arg12[%add3A_22, %dma_start3A_172] : memref<10112x64xf32, #tpu.memory_space<vmem_shared>> -> memref<120x64xf32, #tpu.memory_space<vmem_shared>>
      %dma_start3A_174 = arith.constant 0 : i32
      %dma_start3A_175 = arith.constant 0 : i32
      %dma_start3A_176 = tpu.memref_slice %arg9[%dma_start3A_174, %dma_start3A_175] : memref<128x64xf32, #tpu.memory_space<vmem>> -> memref<120x64xf32, #tpu.memory_space<vmem>>
      tpu.enqueue_dma source(%dma_start3A_176 : memref<120x64xf32, #tpu.memory_space<vmem>>) target(%dma_start3A_173 : memref<120x64xf32, #tpu.memory_space<vmem_shared>>) target_semaphore(%run_scoped3A : memref<!tpu.dma_semaphore, #tpu.memory_space<semaphore_mem>>)
      %dma_wait3A_177 = arith.constant 0 : i32
      %dma_wait3A_178 = arith.constant 0 : i32
      %dma_wait3A_179 = tpu.memref_slice %arg9[%dma_wait3A_177, %dma_wait3A_178] : memref<128x64xf32, #tpu.memory_space<vmem>> -> memref<120x64xf32, #tpu.memory_space<vmem>>
      %dma_wait3A_180 = arith.constant 0 : i32
      %dma_wait3A_181 = tpu.memref_slice %arg12[%add3A_22, %dma_wait3A_180] : memref<10112x64xf32, #tpu.memory_space<vmem_shared>> -> memref<120x64xf32, #tpu.memory_space<vmem_shared>>
      %dma_wait3A_182 = arith.constant 0 : i32
      %dma_wait3A_183 = tpu.memref_slice %arg12[%add3A_22, %dma_wait3A_182] : memref<10112x64xf32, #tpu.memory_space<vmem_shared>> -> memref<120x64xf32, #tpu.memory_space<vmem_shared>>
      %dma_wait3A_184 = arith.constant 0 : i32
      %dma_wait3A_185 = arith.constant 0 : i32
      %dma_wait3A_186 = tpu.memref_slice %arg9[%dma_wait3A_184, %dma_wait3A_185] : memref<128x64xf32, #tpu.memory_space<vmem>> -> memref<120x64xf32, #tpu.memory_space<vmem>>
      tpu.wait_dma2 semaphore(%run_scoped3A : memref<!tpu.dma_semaphore, #tpu.memory_space<semaphore_mem>>) src(%dma_wait3A_186 : memref<120x64xf32, #tpu.memory_space<vmem>>) dst(%dma_wait3A_183 : memref<120x64xf32, #tpu.memory_space<vmem_shared>>)
      tpu.yield
    }) : () -> ()
    %barrier3A = arith.constant 0 : index
    tpu.barrier barrier_id(%barrier3A)
    %scan3A = arith.constant 0 : i32
    %scan3A_23 = arith.constant 0 : i32
    %scan3A_24 = arith.constant 27 : i32
    %scan3A_25 = arith.addi %scan3A_23, %scan3A_24 : i32
    %scan3A_26 = arith.constant 1 : i32
    scf.for %scan3A_167 = %scan3A_23 to %scan3A_25 step %scan3A_26  : i32 {
      %mul3A_168 = arith.constant 81 : i32
      %mul3A_169 = arith.muli %add3A, %mul3A_168 : i32
      %mul3A_170 = arith.constant 3 : i32
      %mul3A_171 = arith.muli %mul3A_170, %scan3A_167 : i32
      %add3A_172 = arith.addi %mul3A_169, %mul3A_171 : i32
      "tpu.region"() ({
        %run_scoped3A = tpu.sem_alloc : memref<!tpu.dma_semaphore, #tpu.memory_space<semaphore_mem>>
        %dma_start3A_261 = arith.constant 0 : i32
        %dma_start3A_262 = arith.constant 0 : i32
        %dma_start3A_263 = tpu.memref_slice %arg3[%add3A_172, %dma_start3A_261, %dma_start3A_262] : memref<2592x2x128xi32, #tpu.memory_space<hbm>> -> memref<1x2x128xi32, #tpu.memory_space<hbm>>
        %dma_start3A_264 = tpu.memref_squeeze %dma_start3A_263 : memref<1x2x128xi32, #tpu.memory_space<hbm>> -> memref<2x128xi32, #tpu.memory_space<hbm>>
        %dma_start3A_265 = arith.constant 0 : i32
        %dma_start3A_266 = arith.constant 0 : i32
        %dma_start3A_267 = tpu.memref_slice %arg3[%add3A_172, %dma_start3A_265, %dma_start3A_266] : memref<2592x2x128xi32, #tpu.memory_space<hbm>> -> memref<1x2x128xi32, #tpu.memory_space<hbm>>
        %dma_start3A_268 = tpu.memref_squeeze %dma_start3A_267 : memref<1x2x128xi32, #tpu.memory_space<hbm>> -> memref<2x128xi32, #tpu.memory_space<hbm>>
        tpu.enqueue_dma source(%dma_start3A_268 : memref<2x128xi32, #tpu.memory_space<hbm>>) target(%arg6 : memref<2x128xi32, #tpu.memory_space<vmem>>) target_semaphore(%run_scoped3A : memref<!tpu.dma_semaphore, #tpu.memory_space<semaphore_mem>>)
        %dma_wait3A_269 = arith.constant 0 : i32
        %dma_wait3A_270 = arith.constant 0 : i32
        %dma_wait3A_271 = tpu.memref_slice %arg3[%add3A_172, %dma_wait3A_269, %dma_wait3A_270] : memref<2592x2x128xi32, #tpu.memory_space<hbm>> -> memref<1x2x128xi32, #tpu.memory_space<hbm>>
        %dma_wait3A_272 = tpu.memref_squeeze %dma_wait3A_271 : memref<1x2x128xi32, #tpu.memory_space<hbm>> -> memref<2x128xi32, #tpu.memory_space<hbm>>
        %dma_wait3A_273 = arith.constant 0 : i32
        %dma_wait3A_274 = arith.constant 0 : i32
        %dma_wait3A_275 = tpu.memref_slice %arg3[%add3A_172, %dma_wait3A_273, %dma_wait3A_274] : memref<2592x2x128xi32, #tpu.memory_space<hbm>> -> memref<1x2x128xi32, #tpu.memory_space<hbm>>
        %dma_wait3A_276 = tpu.memref_squeeze %dma_wait3A_275 : memref<1x2x128xi32, #tpu.memory_space<hbm>> -> memref<2x128xi32, #tpu.memory_space<hbm>>
        tpu.wait_dma2 semaphore(%run_scoped3A : memref<!tpu.dma_semaphore, #tpu.memory_space<semaphore_mem>>) src(%dma_wait3A_276 : memref<2x128xi32, #tpu.memory_space<hbm>>) dst(%arg6 : memref<2x128xi32, #tpu.memory_space<vmem>>)
        tpu.yield
      }) : () -> ()
      %dma_start3A_173 = arith.constant 0 : i32
      %dma_start3A_174 = arith.constant 0 : i32
      %dma_start3A_175 = tpu.memref_slice %arg6[%dma_start3A_173, %dma_start3A_174] : memref<2x128xi32, #tpu.memory_space<vmem>> -> memref<1x128xi32, #tpu.memory_space<vmem>>
      %dma_start3A_176 = tpu.memref_squeeze %dma_start3A_175 : memref<1x128xi32, #tpu.memory_space<vmem>> -> memref<128xi32, #tpu.memory_space<vmem>>
      %dma_start3A_177 = arith.constant 0 : i32
      %dma_start3A_178 = arith.constant 0 : i32
      %dma_start3A_179 = tpu.memref_slice %arg2[%dma_start3A_177, %dma_start3A_178] : memref<10112x64xf32, #tpu.memory_space<hbm>> -> memref<10112x64xf32, #tpu.memory_space<hbm>>
      tpu.enqueue_indirect_dma source(%dma_start3A_179 : memref<10112x64xf32, #tpu.memory_space<hbm>>) target(%arg9 : memref<128x64xf32, #tpu.memory_space<vmem>>) offsets(%dma_start3A_176 : memref<128xi32, #tpu.memory_space<vmem>>) semaphore(%arg13 : memref<!tpu.dma_semaphore, #tpu.memory_space<semaphore_mem>>)
      %add3A_180 = arith.constant 1 : i32
      %add3A_181 = arith.addi %add3A_172, %add3A_180 : i32
      "tpu.region"() ({
        %run_scoped3A = tpu.sem_alloc : memref<!tpu.dma_semaphore, #tpu.memory_space<semaphore_mem>>
        %dma_start3A_261 = arith.constant 0 : i32
        %dma_start3A_262 = arith.constant 0 : i32
        %dma_start3A_263 = tpu.memref_slice %arg3[%add3A_181, %dma_start3A_261, %dma_start3A_262] : memref<2592x2x128xi32, #tpu.memory_space<hbm>> -> memref<1x2x128xi32, #tpu.memory_space<hbm>>
        %dma_start3A_264 = tpu.memref_squeeze %dma_start3A_263 : memref<1x2x128xi32, #tpu.memory_space<hbm>> -> memref<2x128xi32, #tpu.memory_space<hbm>>
        %dma_start3A_265 = arith.constant 0 : i32
        %dma_start3A_266 = arith.constant 0 : i32
        %dma_start3A_267 = tpu.memref_slice %arg3[%add3A_181, %dma_start3A_265, %dma_start3A_266] : memref<2592x2x128xi32, #tpu.memory_space<hbm>> -> memref<1x2x128xi32, #tpu.memory_space<hbm>>
        %dma_start3A_268 = tpu.memref_squeeze %dma_start3A_267 : memref<1x2x128xi32, #tpu.memory_space<hbm>> -> memref<2x128xi32, #tpu.memory_space<hbm>>
        tpu.enqueue_dma source(%dma_start3A_268 : memref<2x128xi32, #tpu.memory_space<hbm>>) target(%arg7 : memref<2x128xi32, #tpu.memory_space<vmem>>) target_semaphore(%run_scoped3A : memref<!tpu.dma_semaphore, #tpu.memory_space<semaphore_mem>>)
        %dma_wait3A_269 = arith.constant 0 : i32
        %dma_wait3A_270 = arith.constant 0 : i32
        %dma_wait3A_271 = tpu.memref_slice %arg3[%add3A_181, %dma_wait3A_269, %dma_wait3A_270] : memref<2592x2x128xi32, #tpu.memory_space<hbm>> -> memref<1x2x128xi32, #tpu.memory_space<hbm>>
        %dma_wait3A_272 = tpu.memref_squeeze %dma_wait3A_271 : memref<1x2x128xi32, #tpu.memory_space<hbm>> -> memref<2x128xi32, #tpu.memory_space<hbm>>
        %dma_wait3A_273 = arith.constant 0 : i32
        %dma_wait3A_274 = arith.constant 0 : i32
        %dma_wait3A_275 = tpu.memref_slice %arg3[%add3A_181, %dma_wait3A_273, %dma_wait3A_274] : memref<2592x2x128xi32, #tpu.memory_space<hbm>> -> memref<1x2x128xi32, #tpu.memory_space<hbm>>
        %dma_wait3A_276 = tpu.memref_squeeze %dma_wait3A_275 : memref<1x2x128xi32, #tpu.memory_space<hbm>> -> memref<2x128xi32, #tpu.memory_space<hbm>>
        tpu.wait_dma2 semaphore(%run_scoped3A : memref<!tpu.dma_semaphore, #tpu.memory_space<semaphore_mem>>) src(%dma_wait3A_276 : memref<2x128xi32, #tpu.memory_space<hbm>>) dst(%arg7 : memref<2x128xi32, #tpu.memory_space<vmem>>)
        tpu.yield
      }) : () -> ()
      %dma_start3A_182 = arith.constant 0 : i32
      %dma_start3A_183 = arith.constant 0 : i32
      %dma_start3A_184 = tpu.memref_slice %arg7[%dma_start3A_182, %dma_start3A_183] : memref<2x128xi32, #tpu.memory_space<vmem>> -> memref<1x128xi32, #tpu.memory_space<vmem>>
      %dma_start3A_185 = tpu.memref_squeeze %dma_start3A_184 : memref<1x128xi32, #tpu.memory_space<vmem>> -> memref<128xi32, #tpu.memory_space<vmem>>
      %dma_start3A_186 = arith.constant 0 : i32
      %dma_start3A_187 = arith.constant 0 : i32
      %dma_start3A_188 = tpu.memref_slice %arg2[%dma_start3A_186, %dma_start3A_187] : memref<10112x64xf32, #tpu.memory_space<hbm>> -> memref<10112x64xf32, #tpu.memory_space<hbm>>
      tpu.enqueue_indirect_dma source(%dma_start3A_188 : memref<10112x64xf32, #tpu.memory_space<hbm>>) target(%arg10 : memref<128x64xf32, #tpu.memory_space<vmem>>) offsets(%dma_start3A_185 : memref<128xi32, #tpu.memory_space<vmem>>) semaphore(%arg14 : memref<!tpu.dma_semaphore, #tpu.memory_space<semaphore_mem>>)
      %add3A_189 = arith.constant 2 : i32
      %add3A_190 = arith.addi %add3A_172, %add3A_189 : i32
      "tpu.region"() ({
        %run_scoped3A = tpu.sem_alloc : memref<!tpu.dma_semaphore, #tpu.memory_space<semaphore_mem>>
        %dma_start3A_261 = arith.constant 0 : i32
        %dma_start3A_262 = arith.constant 0 : i32
        %dma_start3A_263 = tpu.memref_slice %arg3[%add3A_190, %dma_start3A_261, %dma_start3A_262] : memref<2592x2x128xi32, #tpu.memory_space<hbm>> -> memref<1x2x128xi32, #tpu.memory_space<hbm>>
        %dma_start3A_264 = tpu.memref_squeeze %dma_start3A_263 : memref<1x2x128xi32, #tpu.memory_space<hbm>> -> memref<2x128xi32, #tpu.memory_space<hbm>>
        %dma_start3A_265 = arith.constant 0 : i32
        %dma_start3A_266 = arith.constant 0 : i32
        %dma_start3A_267 = tpu.memref_slice %arg3[%add3A_190, %dma_start3A_265, %dma_start3A_266] : memref<2592x2x128xi32, #tpu.memory_space<hbm>> -> memref<1x2x128xi32, #tpu.memory_space<hbm>>
        %dma_start3A_268 = tpu.memref_squeeze %dma_start3A_267 : memref<1x2x128xi32, #tpu.memory_space<hbm>> -> memref<2x128xi32, #tpu.memory_space<hbm>>
        tpu.enqueue_dma source(%dma_start3A_268 : memref<2x128xi32, #tpu.memory_space<hbm>>) target(%arg8 : memref<2x128xi32, #tpu.memory_space<vmem>>) target_semaphore(%run_scoped3A : memref<!tpu.dma_semaphore, #tpu.memory_space<semaphore_mem>>)
        %dma_wait3A_269 = arith.constant 0 : i32
        %dma_wait3A_270 = arith.constant 0 : i32
        %dma_wait3A_271 = tpu.memref_slice %arg3[%add3A_190, %dma_wait3A_269, %dma_wait3A_270] : memref<2592x2x128xi32, #tpu.memory_space<hbm>> -> memref<1x2x128xi32, #tpu.memory_space<hbm>>
        %dma_wait3A_272 = tpu.memref_squeeze %dma_wait3A_271 : memref<1x2x128xi32, #tpu.memory_space<hbm>> -> memref<2x128xi32, #tpu.memory_space<hbm>>
        %dma_wait3A_273 = arith.constant 0 : i32
        %dma_wait3A_274 = arith.constant 0 : i32
        %dma_wait3A_275 = tpu.memref_slice %arg3[%add3A_190, %dma_wait3A_273, %dma_wait3A_274] : memref<2592x2x128xi32, #tpu.memory_space<hbm>> -> memref<1x2x128xi32, #tpu.memory_space<hbm>>
        %dma_wait3A_276 = tpu.memref_squeeze %dma_wait3A_275 : memref<1x2x128xi32, #tpu.memory_space<hbm>> -> memref<2x128xi32, #tpu.memory_space<hbm>>
        tpu.wait_dma2 semaphore(%run_scoped3A : memref<!tpu.dma_semaphore, #tpu.memory_space<semaphore_mem>>) src(%dma_wait3A_276 : memref<2x128xi32, #tpu.memory_space<hbm>>) dst(%arg8 : memref<2x128xi32, #tpu.memory_space<vmem>>)
        tpu.yield
      }) : () -> ()
      %dma_start3A_191 = arith.constant 0 : i32
      %dma_start3A_192 = arith.constant 0 : i32
      %dma_start3A_193 = tpu.memref_slice %arg8[%dma_start3A_191, %dma_start3A_192] : memref<2x128xi32, #tpu.memory_space<vmem>> -> memref<1x128xi32, #tpu.memory_space<vmem>>
      %dma_start3A_194 = tpu.memref_squeeze %dma_start3A_193 : memref<1x128xi32, #tpu.memory_space<vmem>> -> memref<128xi32, #tpu.memory_space<vmem>>
      %dma_start3A_195 = arith.constant 0 : i32
      %dma_start3A_196 = arith.constant 0 : i32
      %dma_start3A_197 = tpu.memref_slice %arg2[%dma_start3A_195, %dma_start3A_196] : memref<10112x64xf32, #tpu.memory_space<hbm>> -> memref<10112x64xf32, #tpu.memory_space<hbm>>
      tpu.enqueue_indirect_dma source(%dma_start3A_197 : memref<10112x64xf32, #tpu.memory_space<hbm>>) target(%arg11 : memref<128x64xf32, #tpu.memory_space<vmem>>) offsets(%dma_start3A_194 : memref<128xi32, #tpu.memory_space<vmem>>) semaphore(%arg15 : memref<!tpu.dma_semaphore, #tpu.memory_space<semaphore_mem>>)
      %dma_wait3A_198 = arith.constant 0 : i32
      %dma_wait3A_199 = arith.constant 0 : i32
      %dma_wait3A_200 = tpu.memref_slice %arg6[%dma_wait3A_198, %dma_wait3A_199] : memref<2x128xi32, #tpu.memory_space<vmem>> -> memref<1x128xi32, #tpu.memory_space<vmem>>
      %dma_wait3A_201 = tpu.memref_squeeze %dma_wait3A_200 : memref<1x128xi32, #tpu.memory_space<vmem>> -> memref<128xi32, #tpu.memory_space<vmem>>
      %dma_wait3A_202 = arith.constant 0 : i32
      %dma_wait3A_203 = arith.constant 0 : i32
      %dma_wait3A_204 = tpu.memref_slice %arg2[%dma_wait3A_202, %dma_wait3A_203] : memref<10112x64xf32, #tpu.memory_space<hbm>> -> memref<10112x64xf32, #tpu.memory_space<hbm>>
      tpu.wait_indirect_dma semaphore(%arg13 : memref<!tpu.dma_semaphore, #tpu.memory_space<semaphore_mem>>) src(%dma_wait3A_204 : memref<10112x64xf32, #tpu.memory_space<hbm>>) dst(%arg9 : memref<128x64xf32, #tpu.memory_space<vmem>>)
      %dma_start3A_205 = arith.constant 1 : i32
      %dma_start3A_206 = arith.constant 0 : i32
      %dma_start3A_207 = tpu.memref_slice %arg6[%dma_start3A_205, %dma_start3A_206] : memref<2x128xi32, #tpu.memory_space<vmem>> -> memref<1x128xi32, #tpu.memory_space<vmem>>
      %dma_start3A_208 = tpu.memref_squeeze %dma_start3A_207 : memref<1x128xi32, #tpu.memory_space<vmem>> -> memref<128xi32, #tpu.memory_space<vmem>>
      %dma_start3A_209 = arith.constant 0 : i32
      %dma_start3A_210 = arith.constant 0 : i32
      %dma_start3A_211 = tpu.memref_slice %arg12[%dma_start3A_209, %dma_start3A_210] : memref<10112x64xf32, #tpu.memory_space<vmem_shared>> -> memref<10112x64xf32, #tpu.memory_space<vmem_shared>>
      tpu.enqueue_indirect_dma source(%arg9 : memref<128x64xf32, #tpu.memory_space<vmem>>) target(%dma_start3A_211 : memref<10112x64xf32, #tpu.memory_space<vmem_shared>>) offsets(%dma_start3A_208 : memref<128xi32, #tpu.memory_space<vmem>>) semaphore(%arg16 : memref<!tpu.dma_semaphore, #tpu.memory_space<semaphore_mem>>) {add = true}
      %dma_wait3A_212 = arith.constant 0 : i32
      %dma_wait3A_213 = arith.constant 0 : i32
      %dma_wait3A_214 = tpu.memref_slice %arg7[%dma_wait3A_212, %dma_wait3A_213] : memref<2x128xi32, #tpu.memory_space<vmem>> -> memref<1x128xi32, #tpu.memory_space<vmem>>
      %dma_wait3A_215 = tpu.memref_squeeze %dma_wait3A_214 : memref<1x128xi32, #tpu.memory_space<vmem>> -> memref<128xi32, #tpu.memory_space<vmem>>
      %dma_wait3A_216 = arith.constant 0 : i32
      %dma_wait3A_217 = arith.constant 0 : i32
      %dma_wait3A_218 = tpu.memref_slice %arg2[%dma_wait3A_216, %dma_wait3A_217] : memref<10112x64xf32, #tpu.memory_space<hbm>> -> memref<10112x64xf32, #tpu.memory_space<hbm>>
      tpu.wait_indirect_dma semaphore(%arg14 : memref<!tpu.dma_semaphore, #tpu.memory_space<semaphore_mem>>) src(%dma_wait3A_218 : memref<10112x64xf32, #tpu.memory_space<hbm>>) dst(%arg10 : memref<128x64xf32, #tpu.memory_space<vmem>>)
      %dma_start3A_219 = arith.constant 1 : i32
      %dma_start3A_220 = arith.constant 0 : i32
      %dma_start3A_221 = tpu.memref_slice %arg7[%dma_start3A_219, %dma_start3A_220] : memref<2x128xi32, #tpu.memory_space<vmem>> -> memref<1x128xi32, #tpu.memory_space<vmem>>
      %dma_start3A_222 = tpu.memref_squeeze %dma_start3A_221 : memref<1x128xi32, #tpu.memory_space<vmem>> -> memref<128xi32, #tpu.memory_space<vmem>>
      %dma_start3A_223 = arith.constant 0 : i32
      %dma_start3A_224 = arith.constant 0 : i32
      %dma_start3A_225 = tpu.memref_slice %arg12[%dma_start3A_223, %dma_start3A_224] : memref<10112x64xf32, #tpu.memory_space<vmem_shared>> -> memref<10112x64xf32, #tpu.memory_space<vmem_shared>>
      tpu.enqueue_indirect_dma source(%arg10 : memref<128x64xf32, #tpu.memory_space<vmem>>) target(%dma_start3A_225 : memref<10112x64xf32, #tpu.memory_space<vmem_shared>>) offsets(%dma_start3A_222 : memref<128xi32, #tpu.memory_space<vmem>>) semaphore(%arg17 : memref<!tpu.dma_semaphore, #tpu.memory_space<semaphore_mem>>) {add = true}
      %dma_wait3A_226 = arith.constant 0 : i32
      %dma_wait3A_227 = arith.constant 0 : i32
      %dma_wait3A_228 = tpu.memref_slice %arg8[%dma_wait3A_226, %dma_wait3A_227] : memref<2x128xi32, #tpu.memory_space<vmem>> -> memref<1x128xi32, #tpu.memory_space<vmem>>
      %dma_wait3A_229 = tpu.memref_squeeze %dma_wait3A_228 : memref<1x128xi32, #tpu.memory_space<vmem>> -> memref<128xi32, #tpu.memory_space<vmem>>
      %dma_wait3A_230 = arith.constant 0 : i32
      %dma_wait3A_231 = arith.constant 0 : i32
      %dma_wait3A_232 = tpu.memref_slice %arg2[%dma_wait3A_230, %dma_wait3A_231] : memref<10112x64xf32, #tpu.memory_space<hbm>> -> memref<10112x64xf32, #tpu.memory_space<hbm>>
      tpu.wait_indirect_dma semaphore(%arg15 : memref<!tpu.dma_semaphore, #tpu.memory_space<semaphore_mem>>) src(%dma_wait3A_232 : memref<10112x64xf32, #tpu.memory_space<hbm>>) dst(%arg11 : memref<128x64xf32, #tpu.memory_space<vmem>>)
      %dma_start3A_233 = arith.constant 1 : i32
      %dma_start3A_234 = arith.constant 0 : i32
      %dma_start3A_235 = tpu.memref_slice %arg8[%dma_start3A_233, %dma_start3A_234] : memref<2x128xi32, #tpu.memory_space<vmem>> -> memref<1x128xi32, #tpu.memory_space<vmem>>
      %dma_start3A_236 = tpu.memref_squeeze %dma_start3A_235 : memref<1x128xi32, #tpu.memory_space<vmem>> -> memref<128xi32, #tpu.memory_space<vmem>>
      %dma_start3A_237 = arith.constant 0 : i32
      %dma_start3A_238 = arith.constant 0 : i32
      %dma_start3A_239 = tpu.memref_slice %arg12[%dma_start3A_237, %dma_start3A_238] : memref<10112x64xf32, #tpu.memory_space<vmem_shared>> -> memref<10112x64xf32, #tpu.memory_space<vmem_shared>>
      tpu.enqueue_indirect_dma source(%arg11 : memref<128x64xf32, #tpu.memory_space<vmem>>) target(%dma_start3A_239 : memref<10112x64xf32, #tpu.memory_space<vmem_shared>>) offsets(%dma_start3A_236 : memref<128xi32, #tpu.memory_space<vmem>>) semaphore(%arg18 : memref<!tpu.dma_semaphore, #tpu.memory_space<semaphore_mem>>) {add = true}
      %dma_wait3A_240 = arith.constant 1 : i32
      %dma_wait3A_241 = arith.constant 0 : i32
      %dma_wait3A_242 = tpu.memref_slice %arg6[%dma_wait3A_240, %dma_wait3A_241] : memref<2x128xi32, #tpu.memory_space<vmem>> -> memref<1x128xi32, #tpu.memory_space<vmem>>
      %dma_wait3A_243 = tpu.memref_squeeze %dma_wait3A_242 : memref<1x128xi32, #tpu.memory_space<vmem>> -> memref<128xi32, #tpu.memory_space<vmem>>
      %dma_wait3A_244 = arith.constant 0 : i32
      %dma_wait3A_245 = arith.constant 0 : i32
      %dma_wait3A_246 = tpu.memref_slice %arg12[%dma_wait3A_244, %dma_wait3A_245] : memref<10112x64xf32, #tpu.memory_space<vmem_shared>> -> memref<10112x64xf32, #tpu.memory_space<vmem_shared>>
      tpu.wait_indirect_dma semaphore(%arg16 : memref<!tpu.dma_semaphore, #tpu.memory_space<semaphore_mem>>) src(%arg9 : memref<128x64xf32, #tpu.memory_space<vmem>>) dst(%dma_wait3A_246 : memref<10112x64xf32, #tpu.memory_space<vmem_shared>>)
      %dma_wait3A_247 = arith.constant 1 : i32
      %dma_wait3A_248 = arith.constant 0 : i32
      %dma_wait3A_249 = tpu.memref_slice %arg7[%dma_wait3A_247, %dma_wait3A_248] : memref<2x128xi32, #tpu.memory_space<vmem>> -> memref<1x128xi32, #tpu.memory_space<vmem>>
      %dma_wait3A_250 = tpu.memref_squeeze %dma_wait3A_249 : memref<1x128xi32, #tpu.memory_space<vmem>> -> memref<128xi32, #tpu.memory_space<vmem>>
      %dma_wait3A_251 = arith.constant 0 : i32
      %dma_wait3A_252 = arith.constant 0 : i32
      %dma_wait3A_253 = tpu.memref_slice %arg12[%dma_wait3A_251, %dma_wait3A_252] : memref<10112x64xf32, #tpu.memory_space<vmem_shared>> -> memref<10112x64xf32, #tpu.memory_space<vmem_shared>>
      tpu.wait_indirect_dma semaphore(%arg17 : memref<!tpu.dma_semaphore, #tpu.memory_space<semaphore_mem>>) src(%arg10 : memref<128x64xf32, #tpu.memory_space<vmem>>) dst(%dma_wait3A_253 : memref<10112x64xf32, #tpu.memory_space<vmem_shared>>)
      %dma_wait3A_254 = arith.constant 1 : i32
      %dma_wait3A_255 = arith.constant 0 : i32
      %dma_wait3A_256 = tpu.memref_slice %arg8[%dma_wait3A_254, %dma_wait3A_255] : memref<2x128xi32, #tpu.memory_space<vmem>> -> memref<1x128xi32, #tpu.memory_space<vmem>>
      %dma_wait3A_257 = tpu.memref_squeeze %dma_wait3A_256 : memref<1x128xi32, #tpu.memory_space<vmem>> -> memref<128xi32, #tpu.memory_space<vmem>>
      %dma_wait3A_258 = arith.constant 0 : i32
      %dma_wait3A_259 = arith.constant 0 : i32
      %dma_wait3A_260 = tpu.memref_slice %arg12[%dma_wait3A_258, %dma_wait3A_259] : memref<10112x64xf32, #tpu.memory_space<vmem_shared>> -> memref<10112x64xf32, #tpu.memory_space<vmem_shared>>
      tpu.wait_indirect_dma semaphore(%arg18 : memref<!tpu.dma_semaphore, #tpu.memory_space<semaphore_mem>>) src(%arg11 : memref<128x64xf32, #tpu.memory_space<vmem>>) dst(%dma_wait3A_260 : memref<10112x64xf32, #tpu.memory_space<vmem_shared>>)
    }
    %scan3A_27 = arith.constant 27 : i32
    %barrier3A_28 = arith.constant 0 : index
    tpu.barrier barrier_id(%barrier3A_28)
    %add3A_29 = arith.constant 0 : i32
    %add3A_30 = arith.addi %mul3A_2, %add3A_29 : i32
    "tpu.region"() ({
      %run_scoped3A = tpu.sem_alloc : memref<!tpu.dma_semaphore, #tpu.memory_space<semaphore_mem>>
      %dma_start3A_167 = arith.constant 0 : i32
      %dma_start3A_168 = arith.constant 0 : i32
      %dma_start3A_169 = tpu.memref_slice %arg9[%dma_start3A_167, %dma_start3A_168] : memref<128x64xf32, #tpu.memory_space<vmem>> -> memref<128x64xf32, #tpu.memory_space<vmem>>
      %dma_start3A_170 = arith.constant 0 : i32
      %dma_start3A_171 = tpu.memref_slice %arg12[%add3A_30, %dma_start3A_170] : memref<10112x64xf32, #tpu.memory_space<vmem_shared>> -> memref<128x64xf32, #tpu.memory_space<vmem_shared>>
      %dma_start3A_172 = arith.constant 0 : i32
      %dma_start3A_173 = arith.constant 0 : i32
      %dma_start3A_174 = tpu.memref_slice %arg9[%dma_start3A_172, %dma_start3A_173] : memref<128x64xf32, #tpu.memory_space<vmem>> -> memref<128x64xf32, #tpu.memory_space<vmem>>
      %dma_start3A_175 = arith.constant 0 : i32
      %dma_start3A_176 = tpu.memref_slice %arg12[%add3A_30, %dma_start3A_175] : memref<10112x64xf32, #tpu.memory_space<vmem_shared>> -> memref<128x64xf32, #tpu.memory_space<vmem_shared>>
      tpu.enqueue_dma source(%dma_start3A_176 : memref<128x64xf32, #tpu.memory_space<vmem_shared>>) target(%dma_start3A_174 : memref<128x64xf32, #tpu.memory_space<vmem>>) target_semaphore(%run_scoped3A : memref<!tpu.dma_semaphore, #tpu.memory_space<semaphore_mem>>)
      %dma_wait3A_177 = arith.constant 0 : i32
      %dma_wait3A_178 = arith.constant 0 : i32
      %dma_wait3A_179 = tpu.memref_slice %arg9[%dma_wait3A_177, %dma_wait3A_178] : memref<128x64xf32, #tpu.memory_space<vmem>> -> memref<128x64xf32, #tpu.memory_space<vmem>>
      %dma_wait3A_180 = arith.constant 0 : i32
      %dma_wait3A_181 = tpu.memref_slice %arg12[%add3A_30, %dma_wait3A_180] : memref<10112x64xf32, #tpu.memory_space<vmem_shared>> -> memref<128x64xf32, #tpu.memory_space<vmem_shared>>
      %dma_wait3A_182 = arith.constant 0 : i32
      %dma_wait3A_183 = arith.constant 0 : i32
      %dma_wait3A_184 = tpu.memref_slice %arg9[%dma_wait3A_182, %dma_wait3A_183] : memref<128x64xf32, #tpu.memory_space<vmem>> -> memref<128x64xf32, #tpu.memory_space<vmem>>
      %dma_wait3A_185 = arith.constant 0 : i32
      %dma_wait3A_186 = tpu.memref_slice %arg12[%add3A_30, %dma_wait3A_185] : memref<10112x64xf32, #tpu.memory_space<vmem_shared>> -> memref<128x64xf32, #tpu.memory_space<vmem_shared>>
      tpu.wait_dma2 semaphore(%run_scoped3A : memref<!tpu.dma_semaphore, #tpu.memory_space<semaphore_mem>>) src(%dma_wait3A_186 : memref<128x64xf32, #tpu.memory_space<vmem_shared>>) dst(%dma_wait3A_184 : memref<128x64xf32, #tpu.memory_space<vmem>>)
      tpu.yield
    }) : () -> ()
    %add3A_31 = arith.constant 0 : i32
    %add3A_32 = arith.addi %mul3A_2, %add3A_31 : i32
    %dma_start3A = arith.constant 0 : i32
    %dma_start3A_33 = arith.constant 0 : i32
    %dma_start3A_34 = tpu.memref_slice %arg9[%dma_start3A, %dma_start3A_33] : memref<128x64xf32, #tpu.memory_space<vmem>> -> memref<128x64xf32, #tpu.memory_space<vmem>>
    %dma_start3A_35 = arith.constant 0 : i32
    %dma_start3A_36 = tpu.memref_slice %arg5[%arg0, %add3A_32, %dma_start3A_35] : memref<2x10112x64xf32, #tpu.memory_space<hbm>> -> memref<1x128x64xf32, #tpu.memory_space<hbm>>
    %dma_start3A_37 = tpu.memref_squeeze %dma_start3A_36 : memref<1x128x64xf32, #tpu.memory_space<hbm>> -> memref<128x64xf32, #tpu.memory_space<hbm>>
    %dma_start3A_38 = arith.constant 0 : i32
    %dma_start3A_39 = tpu.memref_slice %arg5[%arg0, %add3A_32, %dma_start3A_38] : memref<2x10112x64xf32, #tpu.memory_space<hbm>> -> memref<1x128x64xf32, #tpu.memory_space<hbm>>
    %dma_start3A_40 = tpu.memref_squeeze %dma_start3A_39 : memref<1x128x64xf32, #tpu.memory_space<hbm>> -> memref<128x64xf32, #tpu.memory_space<hbm>>
    %dma_start3A_41 = arith.constant 0 : i32
    %dma_start3A_42 = arith.constant 0 : i32
    %dma_start3A_43 = tpu.memref_slice %arg9[%dma_start3A_41, %dma_start3A_42] : memref<128x64xf32, #tpu.memory_space<vmem>> -> memref<128x64xf32, #tpu.memory_space<vmem>>
    tpu.enqueue_dma source(%dma_start3A_43 : memref<128x64xf32, #tpu.memory_space<vmem>>) target(%dma_start3A_40 : memref<128x64xf32, #tpu.memory_space<hbm>>) target_semaphore(%arg13 : memref<!tpu.dma_semaphore, #tpu.memory_space<semaphore_mem>>)
    %add3A_44 = arith.constant 128 : i32
    %add3A_45 = arith.addi %mul3A_2, %add3A_44 : i32
    "tpu.region"() ({
      %run_scoped3A = tpu.sem_alloc : memref<!tpu.dma_semaphore, #tpu.memory_space<semaphore_mem>>
      %dma_start3A_167 = arith.constant 0 : i32
      %dma_start3A_168 = arith.constant 0 : i32
      %dma_start3A_169 = tpu.memref_slice %arg10[%dma_start3A_167, %dma_start3A_168] : memref<128x64xf32, #tpu.memory_space<vmem>> -> memref<128x64xf32, #tpu.memory_space<vmem>>
      %dma_start3A_170 = arith.constant 0 : i32
      %dma_start3A_171 = tpu.memref_slice %arg12[%add3A_45, %dma_start3A_170] : memref<10112x64xf32, #tpu.memory_space<vmem_shared>> -> memref<128x64xf32, #tpu.memory_space<vmem_shared>>
      %dma_start3A_172 = arith.constant 0 : i32
      %dma_start3A_173 = arith.constant 0 : i32
      %dma_start3A_174 = tpu.memref_slice %arg10[%dma_start3A_172, %dma_start3A_173] : memref<128x64xf32, #tpu.memory_space<vmem>> -> memref<128x64xf32, #tpu.memory_space<vmem>>
      %dma_start3A_175 = arith.constant 0 : i32
      %dma_start3A_176 = tpu.memref_slice %arg12[%add3A_45, %dma_start3A_175] : memref<10112x64xf32, #tpu.memory_space<vmem_shared>> -> memref<128x64xf32, #tpu.memory_space<vmem_shared>>
      tpu.enqueue_dma source(%dma_start3A_176 : memref<128x64xf32, #tpu.memory_space<vmem_shared>>) target(%dma_start3A_174 : memref<128x64xf32, #tpu.memory_space<vmem>>) target_semaphore(%run_scoped3A : memref<!tpu.dma_semaphore, #tpu.memory_space<semaphore_mem>>)
      %dma_wait3A_177 = arith.constant 0 : i32
      %dma_wait3A_178 = arith.constant 0 : i32
      %dma_wait3A_179 = tpu.memref_slice %arg10[%dma_wait3A_177, %dma_wait3A_178] : memref<128x64xf32, #tpu.memory_space<vmem>> -> memref<128x64xf32, #tpu.memory_space<vmem>>
      %dma_wait3A_180 = arith.constant 0 : i32
      %dma_wait3A_181 = tpu.memref_slice %arg12[%add3A_45, %dma_wait3A_180] : memref<10112x64xf32, #tpu.memory_space<vmem_shared>> -> memref<128x64xf32, #tpu.memory_space<vmem_shared>>
      %dma_wait3A_182 = arith.constant 0 : i32
      %dma_wait3A_183 = arith.constant 0 : i32
      %dma_wait3A_184 = tpu.memref_slice %arg10[%dma_wait3A_182, %dma_wait3A_183] : memref<128x64xf32, #tpu.memory_space<vmem>> -> memref<128x64xf32, #tpu.memory_space<vmem>>
      %dma_wait3A_185 = arith.constant 0 : i32
      %dma_wait3A_186 = tpu.memref_slice %arg12[%add3A_45, %dma_wait3A_185] : memref<10112x64xf32, #tpu.memory_space<vmem_shared>> -> memref<128x64xf32, #tpu.memory_space<vmem_shared>>
      tpu.wait_dma2 semaphore(%run_scoped3A : memref<!tpu.dma_semaphore, #tpu.memory_space<semaphore_mem>>) src(%dma_wait3A_186 : memref<128x64xf32, #tpu.memory_space<vmem_shared>>) dst(%dma_wait3A_184 : memref<128x64xf32, #tpu.memory_space<vmem>>)
      tpu.yield
    }) : () -> ()
    %add3A_46 = arith.constant 128 : i32
    %add3A_47 = arith.addi %mul3A_2, %add3A_46 : i32
    %dma_start3A_48 = arith.constant 0 : i32
    %dma_start3A_49 = arith.constant 0 : i32
    %dma_start3A_50 = tpu.memref_slice %arg10[%dma_start3A_48, %dma_start3A_49] : memref<128x64xf32, #tpu.memory_space<vmem>> -> memref<128x64xf32, #tpu.memory_space<vmem>>
    %dma_start3A_51 = arith.constant 0 : i32
    %dma_start3A_52 = tpu.memref_slice %arg5[%arg0, %add3A_47, %dma_start3A_51] : memref<2x10112x64xf32, #tpu.memory_space<hbm>> -> memref<1x128x64xf32, #tpu.memory_space<hbm>>
    %dma_start3A_53 = tpu.memref_squeeze %dma_start3A_52 : memref<1x128x64xf32, #tpu.memory_space<hbm>> -> memref<128x64xf32, #tpu.memory_space<hbm>>
    %dma_start3A_54 = arith.constant 0 : i32
    %dma_start3A_55 = tpu.memref_slice %arg5[%arg0, %add3A_47, %dma_start3A_54] : memref<2x10112x64xf32, #tpu.memory_space<hbm>> -> memref<1x128x64xf32, #tpu.memory_space<hbm>>
    %dma_start3A_56 = tpu.memref_squeeze %dma_start3A_55 : memref<1x128x64xf32, #tpu.memory_space<hbm>> -> memref<128x64xf32, #tpu.memory_space<hbm>>
    %dma_start3A_57 = arith.constant 0 : i32
    %dma_start3A_58 = arith.constant 0 : i32
    %dma_start3A_59 = tpu.memref_slice %arg10[%dma_start3A_57, %dma_start3A_58] : memref<128x64xf32, #tpu.memory_space<vmem>> -> memref<128x64xf32, #tpu.memory_space<vmem>>
    tpu.enqueue_dma source(%dma_start3A_59 : memref<128x64xf32, #tpu.memory_space<vmem>>) target(%dma_start3A_56 : memref<128x64xf32, #tpu.memory_space<hbm>>) target_semaphore(%arg14 : memref<!tpu.dma_semaphore, #tpu.memory_space<semaphore_mem>>)
    %dma_wait3A = arith.constant 0 : i32
    %dma_wait3A_60 = arith.constant 0 : i32
    %dma_wait3A_61 = tpu.memref_slice %arg9[%dma_wait3A, %dma_wait3A_60] : memref<128x64xf32, #tpu.memory_space<vmem>> -> memref<128x64xf32, #tpu.memory_space<vmem>>
    %dma_wait3A_62 = arith.constant 0 : i32
    %dma_wait3A_63 = tpu.memref_slice %arg5[%arg0, %add3A_32, %dma_wait3A_62] : memref<2x10112x64xf32, #tpu.memory_space<hbm>> -> memref<1x128x64xf32, #tpu.memory_space<hbm>>
    %dma_wait3A_64 = tpu.memref_squeeze %dma_wait3A_63 : memref<1x128x64xf32, #tpu.memory_space<hbm>> -> memref<128x64xf32, #tpu.memory_space<hbm>>
    %dma_wait3A_65 = arith.constant 0 : i32
    %dma_wait3A_66 = tpu.memref_slice %arg5[%arg0, %add3A_32, %dma_wait3A_65] : memref<2x10112x64xf32, #tpu.memory_space<hbm>> -> memref<1x128x64xf32, #tpu.memory_space<hbm>>
    %dma_wait3A_67 = tpu.memref_squeeze %dma_wait3A_66 : memref<1x128x64xf32, #tpu.memory_space<hbm>> -> memref<128x64xf32, #tpu.memory_space<hbm>>
    %dma_wait3A_68 = arith.constant 0 : i32
    %dma_wait3A_69 = arith.constant 0 : i32
    %dma_wait3A_70 = tpu.memref_slice %arg9[%dma_wait3A_68, %dma_wait3A_69] : memref<128x64xf32, #tpu.memory_space<vmem>> -> memref<128x64xf32, #tpu.memory_space<vmem>>
    tpu.wait_dma2 semaphore(%arg13 : memref<!tpu.dma_semaphore, #tpu.memory_space<semaphore_mem>>) src(%dma_wait3A_70 : memref<128x64xf32, #tpu.memory_space<vmem>>) dst(%dma_wait3A_67 : memref<128x64xf32, #tpu.memory_space<hbm>>)
    %add3A_71 = arith.constant 256 : i32
    %add3A_72 = arith.addi %mul3A_2, %add3A_71 : i32
    "tpu.region"() ({
      %run_scoped3A = tpu.sem_alloc : memref<!tpu.dma_semaphore, #tpu.memory_space<semaphore_mem>>
      %dma_start3A_167 = arith.constant 0 : i32
      %dma_start3A_168 = arith.constant 0 : i32
      %dma_start3A_169 = tpu.memref_slice %arg9[%dma_start3A_167, %dma_start3A_168] : memref<128x64xf32, #tpu.memory_space<vmem>> -> memref<128x64xf32, #tpu.memory_space<vmem>>
      %dma_start3A_170 = arith.constant 0 : i32
      %dma_start3A_171 = tpu.memref_slice %arg12[%add3A_72, %dma_start3A_170] : memref<10112x64xf32, #tpu.memory_space<vmem_shared>> -> memref<128x64xf32, #tpu.memory_space<vmem_shared>>
      %dma_start3A_172 = arith.constant 0 : i32
      %dma_start3A_173 = arith.constant 0 : i32
      %dma_start3A_174 = tpu.memref_slice %arg9[%dma_start3A_172, %dma_start3A_173] : memref<128x64xf32, #tpu.memory_space<vmem>> -> memref<128x64xf32, #tpu.memory_space<vmem>>
      %dma_start3A_175 = arith.constant 0 : i32
      %dma_start3A_176 = tpu.memref_slice %arg12[%add3A_72, %dma_start3A_175] : memref<10112x64xf32, #tpu.memory_space<vmem_shared>> -> memref<128x64xf32, #tpu.memory_space<vmem_shared>>
      tpu.enqueue_dma source(%dma_start3A_176 : memref<128x64xf32, #tpu.memory_space<vmem_shared>>) target(%dma_start3A_174 : memref<128x64xf32, #tpu.memory_space<vmem>>) target_semaphore(%run_scoped3A : memref<!tpu.dma_semaphore, #tpu.memory_space<semaphore_mem>>)
      %dma_wait3A_177 = arith.constant 0 : i32
      %dma_wait3A_178 = arith.constant 0 : i32
      %dma_wait3A_179 = tpu.memref_slice %arg9[%dma_wait3A_177, %dma_wait3A_178] : memref<128x64xf32, #tpu.memory_space<vmem>> -> memref<128x64xf32, #tpu.memory_space<vmem>>
      %dma_wait3A_180 = arith.constant 0 : i32
      %dma_wait3A_181 = tpu.memref_slice %arg12[%add3A_72, %dma_wait3A_180] : memref<10112x64xf32, #tpu.memory_space<vmem_shared>> -> memref<128x64xf32, #tpu.memory_space<vmem_shared>>
      %dma_wait3A_182 = arith.constant 0 : i32
      %dma_wait3A_183 = arith.constant 0 : i32
      %dma_wait3A_184 = tpu.memref_slice %arg9[%dma_wait3A_182, %dma_wait3A_183] : memref<128x64xf32, #tpu.memory_space<vmem>> -> memref<128x64xf32, #tpu.memory_space<vmem>>
      %dma_wait3A_185 = arith.constant 0 : i32
      %dma_wait3A_186 = tpu.memref_slice %arg12[%add3A_72, %dma_wait3A_185] : memref<10112x64xf32, #tpu.memory_space<vmem_shared>> -> memref<128x64xf32, #tpu.memory_space<vmem_shared>>
      tpu.wait_dma2 semaphore(%run_scoped3A : memref<!tpu.dma_semaphore, #tpu.memory_space<semaphore_mem>>) src(%dma_wait3A_186 : memref<128x64xf32, #tpu.memory_space<vmem_shared>>) dst(%dma_wait3A_184 : memref<128x64xf32, #tpu.memory_space<vmem>>)
      tpu.yield
    }) : () -> ()
    %add3A_73 = arith.constant 256 : i32
    %add3A_74 = arith.addi %mul3A_2, %add3A_73 : i32
    %dma_start3A_75 = arith.constant 0 : i32
    %dma_start3A_76 = arith.constant 0 : i32
    %dma_start3A_77 = tpu.memref_slice %arg9[%dma_start3A_75, %dma_start3A_76] : memref<128x64xf32, #tpu.memory_space<vmem>> -> memref<128x64xf32, #tpu.memory_space<vmem>>
    %dma_start3A_78 = arith.constant 0 : i32
    %dma_start3A_79 = tpu.memref_slice %arg5[%arg0, %add3A_74, %dma_start3A_78] : memref<2x10112x64xf32, #tpu.memory_space<hbm>> -> memref<1x128x64xf32, #tpu.memory_space<hbm>>
    %dma_start3A_80 = tpu.memref_squeeze %dma_start3A_79 : memref<1x128x64xf32, #tpu.memory_space<hbm>> -> memref<128x64xf32, #tpu.memory_space<hbm>>
    %dma_start3A_81 = arith.constant 0 : i32
    %dma_start3A_82 = tpu.memref_slice %arg5[%arg0, %add3A_74, %dma_start3A_81] : memref<2x10112x64xf32, #tpu.memory_space<hbm>> -> memref<1x128x64xf32, #tpu.memory_space<hbm>>
    %dma_start3A_83 = tpu.memref_squeeze %dma_start3A_82 : memref<1x128x64xf32, #tpu.memory_space<hbm>> -> memref<128x64xf32, #tpu.memory_space<hbm>>
    %dma_start3A_84 = arith.constant 0 : i32
    %dma_start3A_85 = arith.constant 0 : i32
    %dma_start3A_86 = tpu.memref_slice %arg9[%dma_start3A_84, %dma_start3A_85] : memref<128x64xf32, #tpu.memory_space<vmem>> -> memref<128x64xf32, #tpu.memory_space<vmem>>
    tpu.enqueue_dma source(%dma_start3A_86 : memref<128x64xf32, #tpu.memory_space<vmem>>) target(%dma_start3A_83 : memref<128x64xf32, #tpu.memory_space<hbm>>) target_semaphore(%arg13 : memref<!tpu.dma_semaphore, #tpu.memory_space<semaphore_mem>>)
    %dma_wait3A_87 = arith.constant 0 : i32
    %dma_wait3A_88 = arith.constant 0 : i32
    %dma_wait3A_89 = tpu.memref_slice %arg10[%dma_wait3A_87, %dma_wait3A_88] : memref<128x64xf32, #tpu.memory_space<vmem>> -> memref<128x64xf32, #tpu.memory_space<vmem>>
    %dma_wait3A_90 = arith.constant 0 : i32
    %dma_wait3A_91 = tpu.memref_slice %arg5[%arg0, %add3A_47, %dma_wait3A_90] : memref<2x10112x64xf32, #tpu.memory_space<hbm>> -> memref<1x128x64xf32, #tpu.memory_space<hbm>>
    %dma_wait3A_92 = tpu.memref_squeeze %dma_wait3A_91 : memref<1x128x64xf32, #tpu.memory_space<hbm>> -> memref<128x64xf32, #tpu.memory_space<hbm>>
    %dma_wait3A_93 = arith.constant 0 : i32
    %dma_wait3A_94 = tpu.memref_slice %arg5[%arg0, %add3A_47, %dma_wait3A_93] : memref<2x10112x64xf32, #tpu.memory_space<hbm>> -> memref<1x128x64xf32, #tpu.memory_space<hbm>>
    %dma_wait3A_95 = tpu.memref_squeeze %dma_wait3A_94 : memref<1x128x64xf32, #tpu.memory_space<hbm>> -> memref<128x64xf32, #tpu.memory_space<hbm>>
    %dma_wait3A_96 = arith.constant 0 : i32
    %dma_wait3A_97 = arith.constant 0 : i32
    %dma_wait3A_98 = tpu.memref_slice %arg10[%dma_wait3A_96, %dma_wait3A_97] : memref<128x64xf32, #tpu.memory_space<vmem>> -> memref<128x64xf32, #tpu.memory_space<vmem>>
    tpu.wait_dma2 semaphore(%arg14 : memref<!tpu.dma_semaphore, #tpu.memory_space<semaphore_mem>>) src(%dma_wait3A_98 : memref<128x64xf32, #tpu.memory_space<vmem>>) dst(%dma_wait3A_95 : memref<128x64xf32, #tpu.memory_space<hbm>>)
    %add3A_99 = arith.constant 384 : i32
    %add3A_100 = arith.addi %mul3A_2, %add3A_99 : i32
    "tpu.region"() ({
      %run_scoped3A = tpu.sem_alloc : memref<!tpu.dma_semaphore, #tpu.memory_space<semaphore_mem>>
      %dma_start3A_167 = arith.constant 0 : i32
      %dma_start3A_168 = arith.constant 0 : i32
      %dma_start3A_169 = tpu.memref_slice %arg10[%dma_start3A_167, %dma_start3A_168] : memref<128x64xf32, #tpu.memory_space<vmem>> -> memref<128x64xf32, #tpu.memory_space<vmem>>
      %dma_start3A_170 = arith.constant 0 : i32
      %dma_start3A_171 = tpu.memref_slice %arg12[%add3A_100, %dma_start3A_170] : memref<10112x64xf32, #tpu.memory_space<vmem_shared>> -> memref<128x64xf32, #tpu.memory_space<vmem_shared>>
      %dma_start3A_172 = arith.constant 0 : i32
      %dma_start3A_173 = arith.constant 0 : i32
      %dma_start3A_174 = tpu.memref_slice %arg10[%dma_start3A_172, %dma_start3A_173] : memref<128x64xf32, #tpu.memory_space<vmem>> -> memref<128x64xf32, #tpu.memory_space<vmem>>
      %dma_start3A_175 = arith.constant 0 : i32
      %dma_start3A_176 = tpu.memref_slice %arg12[%add3A_100, %dma_start3A_175] : memref<10112x64xf32, #tpu.memory_space<vmem_shared>> -> memref<128x64xf32, #tpu.memory_space<vmem_shared>>
      tpu.enqueue_dma source(%dma_start3A_176 : memref<128x64xf32, #tpu.memory_space<vmem_shared>>) target(%dma_start3A_174 : memref<128x64xf32, #tpu.memory_space<vmem>>) target_semaphore(%run_scoped3A : memref<!tpu.dma_semaphore, #tpu.memory_space<semaphore_mem>>)
      %dma_wait3A_177 = arith.constant 0 : i32
      %dma_wait3A_178 = arith.constant 0 : i32
      %dma_wait3A_179 = tpu.memref_slice %arg10[%dma_wait3A_177, %dma_wait3A_178] : memref<128x64xf32, #tpu.memory_space<vmem>> -> memref<128x64xf32, #tpu.memory_space<vmem>>
      %dma_wait3A_180 = arith.constant 0 : i32
      %dma_wait3A_181 = tpu.memref_slice %arg12[%add3A_100, %dma_wait3A_180] : memref<10112x64xf32, #tpu.memory_space<vmem_shared>> -> memref<128x64xf32, #tpu.memory_space<vmem_shared>>
      %dma_wait3A_182 = arith.constant 0 : i32
      %dma_wait3A_183 = arith.constant 0 : i32
      %dma_wait3A_184 = tpu.memref_slice %arg10[%dma_wait3A_182, %dma_wait3A_183] : memref<128x64xf32, #tpu.memory_space<vmem>> -> memref<128x64xf32, #tpu.memory_space<vmem>>
      %dma_wait3A_185 = arith.constant 0 : i32
      %dma_wait3A_186 = tpu.memref_slice %arg12[%add3A_100, %dma_wait3A_185] : memref<10112x64xf32, #tpu.memory_space<vmem_shared>> -> memref<128x64xf32, #tpu.memory_space<vmem_shared>>
      tpu.wait_dma2 semaphore(%run_scoped3A : memref<!tpu.dma_semaphore, #tpu.memory_space<semaphore_mem>>) src(%dma_wait3A_186 : memref<128x64xf32, #tpu.memory_space<vmem_shared>>) dst(%dma_wait3A_184 : memref<128x64xf32, #tpu.memory_space<vmem>>)
      tpu.yield
    }) : () -> ()
    %add3A_101 = arith.constant 384 : i32
    %add3A_102 = arith.addi %mul3A_2, %add3A_101 : i32
    %dma_start3A_103 = arith.constant 0 : i32
    %dma_start3A_104 = arith.constant 0 : i32
    %dma_start3A_105 = tpu.memref_slice %arg10[%dma_start3A_103, %dma_start3A_104] : memref<128x64xf32, #tpu.memory_space<vmem>> -> memref<128x64xf32, #tpu.memory_space<vmem>>
    %dma_start3A_106 = arith.constant 0 : i32
    %dma_start3A_107 = tpu.memref_slice %arg5[%arg0, %add3A_102, %dma_start3A_106] : memref<2x10112x64xf32, #tpu.memory_space<hbm>> -> memref<1x128x64xf32, #tpu.memory_space<hbm>>
    %dma_start3A_108 = tpu.memref_squeeze %dma_start3A_107 : memref<1x128x64xf32, #tpu.memory_space<hbm>> -> memref<128x64xf32, #tpu.memory_space<hbm>>
    %dma_start3A_109 = arith.constant 0 : i32
    %dma_start3A_110 = tpu.memref_slice %arg5[%arg0, %add3A_102, %dma_start3A_109] : memref<2x10112x64xf32, #tpu.memory_space<hbm>> -> memref<1x128x64xf32, #tpu.memory_space<hbm>>
    %dma_start3A_111 = tpu.memref_squeeze %dma_start3A_110 : memref<1x128x64xf32, #tpu.memory_space<hbm>> -> memref<128x64xf32, #tpu.memory_space<hbm>>
    %dma_start3A_112 = arith.constant 0 : i32
    %dma_start3A_113 = arith.constant 0 : i32
    %dma_start3A_114 = tpu.memref_slice %arg10[%dma_start3A_112, %dma_start3A_113] : memref<128x64xf32, #tpu.memory_space<vmem>> -> memref<128x64xf32, #tpu.memory_space<vmem>>
    tpu.enqueue_dma source(%dma_start3A_114 : memref<128x64xf32, #tpu.memory_space<vmem>>) target(%dma_start3A_111 : memref<128x64xf32, #tpu.memory_space<hbm>>) target_semaphore(%arg14 : memref<!tpu.dma_semaphore, #tpu.memory_space<semaphore_mem>>)
    %dma_wait3A_115 = arith.constant 0 : i32
    %dma_wait3A_116 = arith.constant 0 : i32
    %dma_wait3A_117 = tpu.memref_slice %arg9[%dma_wait3A_115, %dma_wait3A_116] : memref<128x64xf32, #tpu.memory_space<vmem>> -> memref<128x64xf32, #tpu.memory_space<vmem>>
    %dma_wait3A_118 = arith.constant 0 : i32
    %dma_wait3A_119 = tpu.memref_slice %arg5[%arg0, %add3A_74, %dma_wait3A_118] : memref<2x10112x64xf32, #tpu.memory_space<hbm>> -> memref<1x128x64xf32, #tpu.memory_space<hbm>>
    %dma_wait3A_120 = tpu.memref_squeeze %dma_wait3A_119 : memref<1x128x64xf32, #tpu.memory_space<hbm>> -> memref<128x64xf32, #tpu.memory_space<hbm>>
    %dma_wait3A_121 = arith.constant 0 : i32
    %dma_wait3A_122 = tpu.memref_slice %arg5[%arg0, %add3A_74, %dma_wait3A_121] : memref<2x10112x64xf32, #tpu.memory_space<hbm>> -> memref<1x128x64xf32, #tpu.memory_space<hbm>>
    %dma_wait3A_123 = tpu.memref_squeeze %dma_wait3A_122 : memref<1x128x64xf32, #tpu.memory_space<hbm>> -> memref<128x64xf32, #tpu.memory_space<hbm>>
    %dma_wait3A_124 = arith.constant 0 : i32
    %dma_wait3A_125 = arith.constant 0 : i32
    %dma_wait3A_126 = tpu.memref_slice %arg9[%dma_wait3A_124, %dma_wait3A_125] : memref<128x64xf32, #tpu.memory_space<vmem>> -> memref<128x64xf32, #tpu.memory_space<vmem>>
    tpu.wait_dma2 semaphore(%arg13 : memref<!tpu.dma_semaphore, #tpu.memory_space<semaphore_mem>>) src(%dma_wait3A_126 : memref<128x64xf32, #tpu.memory_space<vmem>>) dst(%dma_wait3A_123 : memref<128x64xf32, #tpu.memory_space<hbm>>)
    %add3A_127 = arith.constant 512 : i32
    %add3A_128 = arith.addi %mul3A_2, %add3A_127 : i32
    "tpu.region"() ({
      %run_scoped3A = tpu.sem_alloc : memref<!tpu.dma_semaphore, #tpu.memory_space<semaphore_mem>>
      %dma_start3A_167 = arith.constant 0 : i32
      %dma_start3A_168 = arith.constant 0 : i32
      %dma_start3A_169 = tpu.memref_slice %arg9[%dma_start3A_167, %dma_start3A_168] : memref<128x64xf32, #tpu.memory_space<vmem>> -> memref<120x64xf32, #tpu.memory_space<vmem>>
      %dma_start3A_170 = arith.constant 0 : i32
      %dma_start3A_171 = tpu.memref_slice %arg12[%add3A_128, %dma_start3A_170] : memref<10112x64xf32, #tpu.memory_space<vmem_shared>> -> memref<120x64xf32, #tpu.memory_space<vmem_shared>>
      %dma_start3A_172 = arith.constant 0 : i32
      %dma_start3A_173 = arith.constant 0 : i32
      %dma_start3A_174 = tpu.memref_slice %arg9[%dma_start3A_172, %dma_start3A_173] : memref<128x64xf32, #tpu.memory_space<vmem>> -> memref<120x64xf32, #tpu.memory_space<vmem>>
      %dma_start3A_175 = arith.constant 0 : i32
      %dma_start3A_176 = tpu.memref_slice %arg12[%add3A_128, %dma_start3A_175] : memref<10112x64xf32, #tpu.memory_space<vmem_shared>> -> memref<120x64xf32, #tpu.memory_space<vmem_shared>>
      tpu.enqueue_dma source(%dma_start3A_176 : memref<120x64xf32, #tpu.memory_space<vmem_shared>>) target(%dma_start3A_174 : memref<120x64xf32, #tpu.memory_space<vmem>>) target_semaphore(%run_scoped3A : memref<!tpu.dma_semaphore, #tpu.memory_space<semaphore_mem>>)
      %dma_wait3A_177 = arith.constant 0 : i32
      %dma_wait3A_178 = arith.constant 0 : i32
      %dma_wait3A_179 = tpu.memref_slice %arg9[%dma_wait3A_177, %dma_wait3A_178] : memref<128x64xf32, #tpu.memory_space<vmem>> -> memref<120x64xf32, #tpu.memory_space<vmem>>
      %dma_wait3A_180 = arith.constant 0 : i32
      %dma_wait3A_181 = tpu.memref_slice %arg12[%add3A_128, %dma_wait3A_180] : memref<10112x64xf32, #tpu.memory_space<vmem_shared>> -> memref<120x64xf32, #tpu.memory_space<vmem_shared>>
      %dma_wait3A_182 = arith.constant 0 : i32
      %dma_wait3A_183 = arith.constant 0 : i32
      %dma_wait3A_184 = tpu.memref_slice %arg9[%dma_wait3A_182, %dma_wait3A_183] : memref<128x64xf32, #tpu.memory_space<vmem>> -> memref<120x64xf32, #tpu.memory_space<vmem>>
      %dma_wait3A_185 = arith.constant 0 : i32
      %dma_wait3A_186 = tpu.memref_slice %arg12[%add3A_128, %dma_wait3A_185] : memref<10112x64xf32, #tpu.memory_space<vmem_shared>> -> memref<120x64xf32, #tpu.memory_space<vmem_shared>>
      tpu.wait_dma2 semaphore(%run_scoped3A : memref<!tpu.dma_semaphore, #tpu.memory_space<semaphore_mem>>) src(%dma_wait3A_186 : memref<120x64xf32, #tpu.memory_space<vmem_shared>>) dst(%dma_wait3A_184 : memref<120x64xf32, #tpu.memory_space<vmem>>)
      tpu.yield
    }) : () -> ()
    %add3A_129 = arith.constant 512 : i32
    %add3A_130 = arith.addi %mul3A_2, %add3A_129 : i32
    %dma_start3A_131 = arith.constant 0 : i32
    %dma_start3A_132 = arith.constant 0 : i32
    %dma_start3A_133 = tpu.memref_slice %arg9[%dma_start3A_131, %dma_start3A_132] : memref<128x64xf32, #tpu.memory_space<vmem>> -> memref<120x64xf32, #tpu.memory_space<vmem>>
    %dma_start3A_134 = arith.constant 0 : i32
    %dma_start3A_135 = tpu.memref_slice %arg5[%arg0, %add3A_130, %dma_start3A_134] : memref<2x10112x64xf32, #tpu.memory_space<hbm>> -> memref<1x120x64xf32, #tpu.memory_space<hbm>>
    %dma_start3A_136 = tpu.memref_squeeze %dma_start3A_135 : memref<1x120x64xf32, #tpu.memory_space<hbm>> -> memref<120x64xf32, #tpu.memory_space<hbm>>
    %dma_start3A_137 = arith.constant 0 : i32
    %dma_start3A_138 = tpu.memref_slice %arg5[%arg0, %add3A_130, %dma_start3A_137] : memref<2x10112x64xf32, #tpu.memory_space<hbm>> -> memref<1x120x64xf32, #tpu.memory_space<hbm>>
    %dma_start3A_139 = tpu.memref_squeeze %dma_start3A_138 : memref<1x120x64xf32, #tpu.memory_space<hbm>> -> memref<120x64xf32, #tpu.memory_space<hbm>>
    %dma_start3A_140 = arith.constant 0 : i32
    %dma_start3A_141 = arith.constant 0 : i32
    %dma_start3A_142 = tpu.memref_slice %arg9[%dma_start3A_140, %dma_start3A_141] : memref<128x64xf32, #tpu.memory_space<vmem>> -> memref<120x64xf32, #tpu.memory_space<vmem>>
    tpu.enqueue_dma source(%dma_start3A_142 : memref<120x64xf32, #tpu.memory_space<vmem>>) target(%dma_start3A_139 : memref<120x64xf32, #tpu.memory_space<hbm>>) target_semaphore(%arg13 : memref<!tpu.dma_semaphore, #tpu.memory_space<semaphore_mem>>)
    %dma_wait3A_143 = arith.constant 0 : i32
    %dma_wait3A_144 = arith.constant 0 : i32
    %dma_wait3A_145 = tpu.memref_slice %arg10[%dma_wait3A_143, %dma_wait3A_144] : memref<128x64xf32, #tpu.memory_space<vmem>> -> memref<128x64xf32, #tpu.memory_space<vmem>>
    %dma_wait3A_146 = arith.constant 0 : i32
    %dma_wait3A_147 = tpu.memref_slice %arg5[%arg0, %add3A_102, %dma_wait3A_146] : memref<2x10112x64xf32, #tpu.memory_space<hbm>> -> memref<1x128x64xf32, #tpu.memory_space<hbm>>
    %dma_wait3A_148 = tpu.memref_squeeze %dma_wait3A_147 : memref<1x128x64xf32, #tpu.memory_space<hbm>> -> memref<128x64xf32, #tpu.memory_space<hbm>>
    %dma_wait3A_149 = arith.constant 0 : i32
    %dma_wait3A_150 = tpu.memref_slice %arg5[%arg0, %add3A_102, %dma_wait3A_149] : memref<2x10112x64xf32, #tpu.memory_space<hbm>> -> memref<1x128x64xf32, #tpu.memory_space<hbm>>
    %dma_wait3A_151 = tpu.memref_squeeze %dma_wait3A_150 : memref<1x128x64xf32, #tpu.memory_space<hbm>> -> memref<128x64xf32, #tpu.memory_space<hbm>>
    %dma_wait3A_152 = arith.constant 0 : i32
    %dma_wait3A_153 = arith.constant 0 : i32
    %dma_wait3A_154 = tpu.memref_slice %arg10[%dma_wait3A_152, %dma_wait3A_153] : memref<128x64xf32, #tpu.memory_space<vmem>> -> memref<128x64xf32, #tpu.memory_space<vmem>>
    tpu.wait_dma2 semaphore(%arg14 : memref<!tpu.dma_semaphore, #tpu.memory_space<semaphore_mem>>) src(%dma_wait3A_154 : memref<128x64xf32, #tpu.memory_space<vmem>>) dst(%dma_wait3A_151 : memref<128x64xf32, #tpu.memory_space<hbm>>)
    %dma_wait3A_155 = arith.constant 0 : i32
    %dma_wait3A_156 = arith.constant 0 : i32
    %dma_wait3A_157 = tpu.memref_slice %arg9[%dma_wait3A_155, %dma_wait3A_156] : memref<128x64xf32, #tpu.memory_space<vmem>> -> memref<120x64xf32, #tpu.memory_space<vmem>>
    %dma_wait3A_158 = arith.constant 0 : i32
    %dma_wait3A_159 = tpu.memref_slice %arg5[%arg0, %add3A_130, %dma_wait3A_158] : memref<2x10112x64xf32, #tpu.memory_space<hbm>> -> memref<1x120x64xf32, #tpu.memory_space<hbm>>
    %dma_wait3A_160 = tpu.memref_squeeze %dma_wait3A_159 : memref<1x120x64xf32, #tpu.memory_space<hbm>> -> memref<120x64xf32, #tpu.memory_space<hbm>>
    %dma_wait3A_161 = arith.constant 0 : i32
    %dma_wait3A_162 = tpu.memref_slice %arg5[%arg0, %add3A_130, %dma_wait3A_161] : memref<2x10112x64xf32, #tpu.memory_space<hbm>> -> memref<1x120x64xf32, #tpu.memory_space<hbm>>
    %dma_wait3A_163 = tpu.memref_squeeze %dma_wait3A_162 : memref<1x120x64xf32, #tpu.memory_space<hbm>> -> memref<120x64xf32, #tpu.memory_space<hbm>>
    %dma_wait3A_164 = arith.constant 0 : i32
    %dma_wait3A_165 = arith.constant 0 : i32
    %dma_wait3A_166 = tpu.memref_slice %arg9[%dma_wait3A_164, %dma_wait3A_165] : memref<128x64xf32, #tpu.memory_space<vmem>> -> memref<120x64xf32, #tpu.memory_space<vmem>>
    tpu.wait_dma2 semaphore(%arg13 : memref<!tpu.dma_semaphore, #tpu.memory_space<semaphore_mem>>) src(%dma_wait3A_166 : memref<120x64xf32, #tpu.memory_space<vmem>>) dst(%dma_wait3A_163 : memref<120x64xf32, #tpu.memory_space<hbm>>)
    return
  }
}

module attributes {stable_mosaic.version = 14 : i64} {
  func.func @_mm1_body(%arg0: memref<10112x128xf32, #tpu.memory_space<vmem>>, %arg1: memref<128x128xf32, #tpu.memory_space<vmem>>, %arg2: memref<10112x128xf32, #tpu.memory_space<vmem>>) attributes {dimension_semantics = [], scalar_prefetch = 0 : i64, scratch_operands = 0 : i64, tpu.core_type = #tpu.core_type<tc>} {
    %get3A = arith.constant 0 : index
    %get3A_0 = arith.constant 0 : index
    %get3A_1 = vector.load %arg0[%get3A, %get3A_0] : memref<10112x128xf32, #tpu.memory_space<vmem>>, vector<10112x128xf32>
    %get3A_2 = arith.constant 0 : index
    %get3A_3 = arith.constant 0 : index
    %get3A_4 = vector.load %arg1[%get3A_2, %get3A_3] : memref<128x128xf32, #tpu.memory_space<vmem>>, vector<128x128xf32>
    %dot_general3A = arith.constant dense<0.000000e+00> : vector<10112x128xf32>
    %dot_general3A_5 = tpu.matmul %get3A_1, %get3A_4, %dot_general3A {dimension_numbers = #tpu.dot_dimension_numbers<[1], [0], [0], [1], [0, 0, 1, 1], [], []>, transpose_lhs_hint = false} : vector<10112x128xf32>, vector<128x128xf32>, vector<10112x128xf32> -> vector<10112x128xf32>
    %swap3A = arith.constant 0 : index
    %swap3A_6 = arith.constant 0 : index
    %swap3A_7 = vector.load %arg2[%swap3A, %swap3A_6] : memref<10112x128xf32, #tpu.memory_space<vmem>>, vector<10112x128xf32>
    tpu.vector_store %arg2[%swap3A, %swap3A_6], %dot_general3A_5 {strides = array<i32>} : memref<10112x128xf32, #tpu.memory_space<vmem>>, vector<10112x128xf32>,
    return
  }
}

module attributes {stable_mosaic.version = 14 : i64} {
  func.func @_stage_a_body(%arg0: memref<10112x128xf32, #tpu.memory_space<vmem>>, %arg1: memref<10112x32xf32, #tpu.memory_space<vmem>>, %arg2: memref<10112x128xf32, #tpu.memory_space<vmem>>, %arg3: memref<10112x1xf32, #tpu.memory_space<vmem>>) attributes {dimension_semantics = [], scalar_prefetch = 0 : i64, scratch_operands = 0 : i64, tpu.core_type = #tpu.core_type<tc>} {
    %get3A = arith.constant 0 : index
    %get3A_0 = arith.constant 0 : index
    %get3A_1 = vector.load %arg1[%get3A, %get3A_0] : memref<10112x32xf32, #tpu.memory_space<vmem>>, vector<10112x32xf32>
    %reduce_sum3A = arith.constant dense<0.000000e+00> : vector<10112xf32>
    %reduce_sum3A_2 = vector.multi_reduction <add>, %get3A_1, %reduce_sum3A [1] : vector<10112x32xf32> to vector<10112xf32>
    %broadcast_in_dim3A = vector.shape_cast %reduce_sum3A_2 : vector<10112xf32> to vector<10112x1xf32>
    %max3A = arith.constant 1.000000e+00 : f32
    %max3A_3 = vector.broadcast %max3A : f32 to vector<10112x1xf32>
    %max3A_4 = arith.maximumf %broadcast_in_dim3A, %max3A_3 : vector<10112x1xf32>
    %rsqrt3A = math.rsqrt %max3A_4 : vector<10112x1xf32>
    %swap3A = arith.constant 0 : index
    %swap3A_5 = arith.constant 0 : index
    %swap3A_6 = vector.load %arg3[%swap3A, %swap3A_5] : memref<10112x1xf32, #tpu.memory_space<vmem>>, vector<10112x1xf32>
    tpu.vector_store %arg3[%swap3A, %swap3A_5], %rsqrt3A {strides = array<i32>} : memref<10112x1xf32, #tpu.memory_space<vmem>>, vector<10112x1xf32>,
    %get3A_7 = arith.constant 0 : index
    %get3A_8 = arith.constant 0 : index
    %get3A_9 = vector.load %arg0[%get3A_7, %get3A_8] : memref<10112x128xf32, #tpu.memory_space<vmem>>, vector<10112x128xf32>
    %mul3A = vector.broadcast %rsqrt3A : vector<10112x1xf32> to vector<10112x128xf32>
    %mul3A_10 = arith.mulf %get3A_9, %mul3A : vector<10112x128xf32>
    %swap3A_11 = arith.constant 0 : index
    %swap3A_12 = arith.constant 0 : index
    %swap3A_13 = vector.load %arg2[%swap3A_11, %swap3A_12] : memref<10112x128xf32, #tpu.memory_space<vmem>>, vector<10112x128xf32>
    tpu.vector_store %arg2[%swap3A_11, %swap3A_12], %mul3A_10 {strides = array<i32>} : memref<10112x128xf32, #tpu.memory_space<vmem>>, vector<10112x128xf32>,
    return
  }
}

module attributes {stable_mosaic.version = 14 : i64} {
  func.func @_stage_b_body(%arg0: memref<2x10112x128xf32, #tpu.memory_space<vmem>>, %arg1: memref<10112x1xf32, #tpu.memory_space<vmem>>, %arg2: memref<1x128xf32, #tpu.memory_space<vmem>>, %arg3: memref<128x64xf32, #tpu.memory_space<vmem>>, %arg4: memref<10112x64xf32, #tpu.memory_space<vmem>>) attributes {dimension_semantics = [], scalar_prefetch = 0 : i64, scratch_operands = 0 : i64, tpu.core_type = #tpu.core_type<tc>} {
    %get3A = arith.constant 0 : index
    %get3A_0 = arith.constant 0 : index
    %get3A_1 = arith.constant 0 : index
    %get3A_2 = vector.load %arg0[%get3A, %get3A_0, %get3A_1] : memref<2x10112x128xf32, #tpu.memory_space<vmem>>, vector<1x10112x128xf32>
    %get3A_3 = vector.shape_cast %get3A_2 : vector<1x10112x128xf32> to vector<10112x128xf32>
    %get3A_4 = arith.constant 1 : index
    %get3A_5 = arith.constant 0 : index
    %get3A_6 = arith.constant 0 : index
    %get3A_7 = vector.load %arg0[%get3A_4, %get3A_5, %get3A_6] : memref<2x10112x128xf32, #tpu.memory_space<vmem>>, vector<1x10112x128xf32>
    %get3A_8 = vector.shape_cast %get3A_7 : vector<1x10112x128xf32> to vector<10112x128xf32>
    %add3A = arith.addf %get3A_3, %get3A_8 : vector<10112x128xf32>
    %get3A_9 = arith.constant 0 : index
    %get3A_10 = arith.constant 0 : index
    %get3A_11 = vector.load %arg1[%get3A_9, %get3A_10] : memref<10112x1xf32, #tpu.memory_space<vmem>>, vector<10112x1xf32>
    %mul3A = vector.broadcast %get3A_11 : vector<10112x1xf32> to vector<10112x128xf32>
    %mul3A_12 = arith.mulf %add3A, %mul3A : vector<10112x128xf32>
    %get3A_13 = arith.constant 0 : index
    %get3A_14 = arith.constant 0 : index
    %get3A_15 = vector.load %arg2[%get3A_13, %get3A_14] : memref<1x128xf32, #tpu.memory_space<vmem>>, vector<1x128xf32>
    %add3A_16 = vector.broadcast %get3A_15 : vector<1x128xf32> to vector<10112x128xf32>
    %add3A_17 = arith.addf %mul3A_12, %add3A_16 : vector<10112x128xf32>
    %max3A = arith.constant 0.000000e+00 : f32
    %max3A_18 = vector.broadcast %max3A : f32 to vector<10112x128xf32>
    %max3A_19 = arith.maximumf %add3A_17, %max3A_18 : vector<10112x128xf32>
    %get3A_20 = arith.constant 0 : index
    %get3A_21 = arith.constant 0 : index
    %get3A_22 = vector.load %arg3[%get3A_20, %get3A_21] : memref<128x64xf32, #tpu.memory_space<vmem>>, vector<128x64xf32>
    %dot_general3A = arith.constant dense<0.000000e+00> : vector<10112x64xf32>
    %dot_general3A_23 = tpu.matmul %max3A_19, %get3A_22, %dot_general3A {dimension_numbers = #tpu.dot_dimension_numbers<[1], [0], [0], [1], [0, 0, 1, 1], [], []>, transpose_lhs_hint = false} : vector<10112x128xf32>, vector<128x64xf32>, vector<10112x64xf32> -> vector<10112x64xf32>
    %mul3A_24 = vector.broadcast %get3A_11 : vector<10112x1xf32> to vector<10112x64xf32>
    %mul3A_25 = arith.mulf %dot_general3A_23, %mul3A_24 : vector<10112x64xf32>
    %swap3A = arith.constant 0 : index
    %swap3A_26 = arith.constant 0 : index
    %swap3A_27 = vector.load %arg4[%swap3A, %swap3A_26] : memref<10112x64xf32, #tpu.memory_space<vmem>>, vector<10112x64xf32>
    tpu.vector_store %arg4[%swap3A, %swap3A_26], %mul3A_25 {strides = array<i32>} : memref<10112x64xf32, #tpu.memory_space<vmem>>, vector<10112x64xf32>,
    return
  }
}

module attributes {stable_mosaic.version = 14 : i64} {
  func.func @_stage_c_body(%arg0: memref<2x10112x64xf32, #tpu.memory_space<vmem>>, %arg1: memref<10112x1xf32, #tpu.memory_space<vmem>>, %arg2: memref<1x64xf32, #tpu.memory_space<vmem>>, %arg3: memref<10000x40xf32, #tpu.memory_space<vmem>>) attributes {dimension_semantics = [], scalar_prefetch = 0 : i64, scratch_operands = 0 : i64, tpu.core_type = #tpu.core_type<tc>} {
    %get3A = arith.constant 0 : index
    %get3A_0 = arith.constant 0 : index
    %get3A_1 = arith.constant 0 : index
    %get3A_2 = vector.load %arg0[%get3A, %get3A_0, %get3A_1] : memref<2x10112x64xf32, #tpu.memory_space<vmem>>, vector<1x10112x64xf32>
    %get3A_3 = vector.shape_cast %get3A_2 : vector<1x10112x64xf32> to vector<10112x64xf32>
    %get3A_4 = arith.constant 1 : index
    %get3A_5 = arith.constant 0 : index
    %get3A_6 = arith.constant 0 : index
    %get3A_7 = vector.load %arg0[%get3A_4, %get3A_5, %get3A_6] : memref<2x10112x64xf32, #tpu.memory_space<vmem>>, vector<1x10112x64xf32>
    %get3A_8 = vector.shape_cast %get3A_7 : vector<1x10112x64xf32> to vector<10112x64xf32>
    %add3A = arith.addf %get3A_3, %get3A_8 : vector<10112x64xf32>
    %get3A_9 = arith.constant 0 : index
    %get3A_10 = arith.constant 0 : index
    %get3A_11 = vector.load %arg1[%get3A_9, %get3A_10] : memref<10112x1xf32, #tpu.memory_space<vmem>>, vector<10112x1xf32>
    %mul3A = vector.broadcast %get3A_11 : vector<10112x1xf32> to vector<10112x64xf32>
    %mul3A_12 = arith.mulf %add3A, %mul3A : vector<10112x64xf32>
    %get3A_13 = arith.constant 0 : index
    %get3A_14 = arith.constant 0 : index
    %get3A_15 = vector.load %arg2[%get3A_13, %get3A_14] : memref<1x64xf32, #tpu.memory_space<vmem>>, vector<1x64xf32>
    %add3A_16 = vector.broadcast %get3A_15 : vector<1x64xf32> to vector<10112x64xf32>
    %add3A_17 = arith.addf %mul3A_12, %add3A_16 : vector<10112x64xf32>
    %iota3A = tpu.iota {dimensions = array<i32: 1>} : vector<10112x64xi32>
    %lt3A = arith.constant 40 : i32
    %lt3A_18 = vector.broadcast %lt3A : i32 to vector<10112x64xi32>
    %lt3A_19 = arith.cmpi slt, %iota3A, %lt3A_18 : vector<10112x64xi32>
    %jit3A = arith.constant 0xFF800000 : f32
    %broadcast_in_dim3A = vector.broadcast %jit3A : f32 to vector<10112x64xf32>
    %select_n3A = arith.select %lt3A_19, %add3A_17, %broadcast_in_dim3A : vector<10112x64xi1>, vector<10112x64xf32>
    %reduce_max3A = arith.constant dense<0xFF800000> : vector<10112xf32>
    %reduce_max3A_20 = vector.multi_reduction <maximumf>, %select_n3A, %reduce_max3A [1] : vector<10112x64xf32> to vector<10112xf32>
    %broadcast_in_dim3A_21 = vector.shape_cast %reduce_max3A_20 : vector<10112xf32> to vector<10112x1xf32>
    %sub3A = vector.broadcast %broadcast_in_dim3A_21 : vector<10112x1xf32> to vector<10112x64xf32>
    %sub3A_22 = arith.subf %select_n3A, %sub3A : vector<10112x64xf32>
    %exp3A = math.exp %sub3A_22 : vector<10112x64xf32>
    %jit3A_23 = arith.constant 0.000000e+00 : f32
    %broadcast_in_dim3A_24 = vector.broadcast %jit3A_23 : f32 to vector<10112x64xf32>
    %select_n3A_25 = arith.select %lt3A_19, %exp3A, %broadcast_in_dim3A_24 : vector<10112x64xi1>, vector<10112x64xf32>
    %reduce_sum3A = arith.constant dense<0.000000e+00> : vector<10112xf32>
    %reduce_sum3A_26 = vector.multi_reduction <add>, %select_n3A_25, %reduce_sum3A [1] : vector<10112x64xf32> to vector<10112xf32>
    %broadcast_in_dim3A_27 = vector.shape_cast %reduce_sum3A_26 : vector<10112xf32> to vector<10112x1xf32>
    %log3A = math.log %broadcast_in_dim3A_27 : vector<10112x1xf32>
    %sub3A_28 = vector.broadcast %broadcast_in_dim3A_21 : vector<10112x1xf32> to vector<10112x64xf32>
    %sub3A_29 = arith.subf %select_n3A, %sub3A_28 : vector<10112x64xf32>
    %sub3A_30 = vector.broadcast %log3A : vector<10112x1xf32> to vector<10112x64xf32>
    %sub3A_31 = arith.subf %sub3A_29, %sub3A_30 : vector<10112x64xf32>
    %slice3A = vector.extract_strided_slice %sub3A_31 {offsets = [0, 0], sizes = [10000, 40], strides = [1, 1]} : vector<10112x64xf32> to vector<10000x40xf32>
    %swap3A = arith.constant 0 : index
    %swap3A_32 = arith.constant 0 : index
    %swap3A_33 = vector.load %arg3[%swap3A, %swap3A_32] : memref<10000x40xf32, #tpu.memory_space<vmem>>, vector<10000x40xf32>
    tpu.vector_store %arg3[%swap3A, %swap3A_32], %slice3A {strides = array<i32>} : memref<10000x40xf32, #tpu.memory_space<vmem>>, vector<10000x40xf32>,
    return
  }
}

</mosaic_0001>

<sc_bundles>
// kernel: kernel.12.cloned.1.call-start
scs
__scs_entry_jumppad:
0x0: {  	(pc) =	sbr.rel $0x88, $3  }
0x1: {  	(tag) =	ssettag $0x0;
	lr =	simm.s32 $0x1  }
0x2: {  	[smem:$0x3F9B] =	sst lr;
	_ =	strace $0xD0000000  }
0x3: {  	_ = 	snop  }
0x4: {  	_ = 	snop  }
0x5: {  	_ = 	snop  }
0x6: {  	_ = 	snop  }
0x7: {  	_ = 	snop  }
__scs_overlays_trampoline_lowered:
0x8: {  	[smem:$0x3FAA] =	sst s0  }
0x9: {  	[smem:$0x3FAB] =	sst s1  }
0xa: {  	[smem:$0x3FAC] =	sst s2  }
0xb: {  	[smem:$0x3FAD] =	sst s3  }
0xc: {  	[smem:$0x3FAE] =	sst s4  }
0xd: {  	[smem:$0x3FAF] =	sst s5  }
0xe: {  	[smem:$0x3FB0] =	sst s6  }
0xf: {  	[smem:$0x3FB1] =	sst s7  }
0x10: {  	[smem:$0x3FB2] =	sst s8  }
0x11: {  	[smem:$0x3FB3] =	sst s9;
	s0 =	simm.s32 @!p0 $0x0  }
0x12: {  	s1 =	sld [smem:$0x3F99];
	s0 =	simm.s32 @p0 $0x1  }
0x13: {  	[smem:$0x3FB4] =	sst s0;
	s0 =	simm.s32 @!p1 $0x0  }
0x14: {  	s2 =	sld [smem:$0x3F98];
	s0 =	simm.s32 @p1 $0x1  }
0x15: {  	[smem:$0x3FB5] =	sst s0;
	s0 =	simm.s32 @!p2 $0x0  }
0x16: {  	s3 =	sld [smem:$0x3FDB];
	s0 =	simm.s32 @p2 $0x1  }
0x17: {  	s4 =	simm.s32 $0x1BF5;
	[smem:$0x3FB7] =	sst s0  }
0x18: {  	s0 =	sld [smem:$0x3F9A];
	_ =	swait.ge [sflag:s4], $0x0  }
0x19: {  	s7 =	sld [smem:$0x3F9B]  }
0x1a: {  	s8 =	sadd.s32 $0xFFFFE003, lr  }
0x1b: {  	s9 =	sadd.s32 $0xFFFFFEF7, lr;
	s5 =	simm.s32 $0xFFFFFFFF;
	p2 =	slt.u32 s8, $0xFFFFF086  }
0x1c: {  	p1 =	slt.u32 s9, $0xF7A;
	s5 =	simm.s32 @!p2 $0x0  }
0x1d: {  	s5 =	simm.s32 @p1 $0x1;
	p0 =	seq.s32 s7, s2  }
0x1e: {  	s7 =	smul.u32 @!p0 $0xF7A, s2;
	p2 =	seq.s32 @!p0 s5, $0x0  }
0x1f: {  	s9 =	smul.u32 $0xF7A, s1;
	s8 =	simm.s32 @!p0 $0x1BF5;
	p2 =	por !p2, p0  }
0x20: {  	[sflag:s8] =	ssyncset.s32 @!p0 $0xFFFFF086;
	s6 =	sadd.s32 @!p0 s3, s7;
	s7 =	simm.s32 @!p0 $0x108  }
0x21: {  	s3 =	sadd.s32 s3, s9;
	s6 =	sadd.s32 @!p0 $0x88, s6;
	s7 =	simm.s32 @p2 $0x1082  }
0x22: {  	[simem:s7], [sflag:s8] =	dma.local @!p0 [hbm:s6], $0xF7A  }
0x23: {  	s9 =	sor.u32 $0xD0000000, s2;
	s6 =	simm.s32 $0x108;
	_ =	swait.ge @!p0 [sflag:s8], $0x0  }
0x24: {  	s3 =	sadd.s32 $0x88, s3;
	s6 =	simm.s32 @!p1 $0x1082;
	[sflag:s4] =	ssyncset.s32 $0xFFFFF086  }
0x25: {  	[simem:s6], [sflag:s4] =	dma.local [hbm:s3], $0xF7A  }
0x26: {  	[smem:$0x3F9B] =	sst s1;
	(tag) =	ssettag s2;
	_ =	strace s9  }
0x27: {  	s1 =	sld [smem:$0x3FAB]  }
0x28: {  	s2 =	sld [smem:$0x3FAC]  }
0x29: {  	s4 =	sld [smem:$0x3FAE]  }
0x2a: {  	p0 =	seq.s32 s5, $0x0;
	s5 =	sld [smem:$0x3FAF]  }
0x2b: {  	s6 =	sld [smem:$0x3FB0]  }
0x2c: {  	s7 =	sld [smem:$0x3FB1]  }
0x2d: {  	s3 =	simm.s32 $0x108;
	s8 =	sld [smem:$0x3FB2]  }
0x2e: {  	s3 =	simm.s32 @!p0 $0x1082;
	s9 =	sld [smem:$0x3FB3]  }
0x2f: {  	lr =	sadd.s32 s0, s3;
	s0 =	sld [smem:$0x3FAA]  }
0x30: {  	s3 =	sld [smem:$0x3FAD]  }
0x31: {  	[smem:$0x3FB6] =	sst s10  }
0x32: {  	s10 =	sld [smem:$0x3FB4];
	_ =	sdelay $0x3  }
0x33: {  	p0 =	seq.s32 s10, $0x1;
	s10 =	sld [smem:$0x3FB6];
	_ =	sdelay $0x3  }
0x34: {  	[smem:$0x3FB6] =	sst s10  }
0x35: {  	s10 =	sld [smem:$0x3FB5];
	_ =	sdelay $0x3  }
0x36: {  	p1 =	seq.s32 s10, $0x1;
	s10 =	sld [smem:$0x3FB6];
	_ =	sdelay $0x3  }
0x37: {  	[smem:$0x3FB6] =	sst s10  }
0x38: {  	s10 =	sld [smem:$0x3FB7]  }
0x39: {  	_ = 	snop;
	(pc) =	sbr.ind lr, $3  }
0x3a: {  	_ = 	snop  }
0x3b: {  	_ = 	snop  }
0x3c: {  	p2 =	seq.s32 s10, $0x1;
	s10 =	sld [smem:$0x3FB6]  }
0x3d: {  	_ =	shalt  }
0x3e: {  	_ =	shalt  }
0x3f: {  	_ =	shalt  }
0x40: {  	_ =	shalt  }
0x41: {  	_ =	shalt  }
0x42: {  	_ =	shalt  }
0x43: {  	_ =	shalt  }
0x44: {  	_ =	shalt  }
0x45: {  	_ =	shalt  }
0x46: {  	_ =	shalt  }
0x47: {  	_ =	shalt  }
0x48: {  	_ =	shalt  }
0x49: {  	_ =	shalt  }
0x4a: {  	_ =	shalt  }
0x4b: {  	_ =	shalt  }
0x4c: {  	_ =	shalt  }
0x4d: {  	_ =	shalt  }
0x4e: {  	_ =	shalt  }
0x4f: {  	_ =	shalt  }
0x50: {  	_ =	shalt  }
0x51: {  	_ =	shalt  }
0x52: {  	_ =	shalt  }
0x53: {  	_ =	shalt  }
0x54: {  	_ =	shalt  }
0x55: {  	_ =	shalt  }
0x56: {  	_ =	shalt  }
0x57: {  	_ =	shalt  }
0x58: {  	_ =	shalt  }
0x59: {  	_ =	shalt  }
0x5a: {  	_ =	shalt  }
0x5b: {  	_ =	shalt  }
0x5c: {  	_ =	shalt  }
0x5d: {  	_ =	shalt  }
0x5e: {  	_ =	shalt  }
0x5f: {  	_ =	shalt  }
0x60: {  	_ =	shalt  }
0x61: {  	_ =	shalt  }
0x62: {  	_ =	shalt  }
0x63: {  	_ =	shalt  }
0x64: {  	_ =	shalt  }
0x65: {  	_ =	shalt  }
0x66: {  	_ =	shalt  }
0x67: {  	_ =	shalt  }
0x68: {  	_ =	shalt  }
0x69: {  	_ =	shalt  }
0x6a: {  	_ =	shalt  }
0x6b: {  	_ =	shalt  }
0x6c: {  	_ =	shalt  }
0x6d: {  	_ =	shalt  }
0x6e: {  	_ =	shalt  }
0x6f: {  	_ =	shalt  }
0x70: {  	_ =	shalt  }
0x71: {  	_ =	shalt  }
0x72: {  	_ =	shalt  }
0x73: {  	_ =	shalt  }
0x74: {  	_ =	shalt  }
0x75: {  	_ =	shalt  }
0x76: {  	_ =	shalt  }
0x77: {  	_ =	shalt  }
0x78: {  	_ =	shalt  }
0x79: {  	_ =	shalt  }
0x7a: {  	_ =	shalt  }
0x7b: {  	_ =	shalt  }
0x7c: {  	_ =	shalt  }
0x7d: {  	_ =	shalt  }
0x7e: {  	_ =	shalt  }
0x7f: {  	_ =	shalt  }
0x80: {  	_ =	shalt  }
0x81: {  	_ =	shalt  }
0x82: {  	_ =	shalt  }
0x83: {  	_ =	shalt  }
0x84: {  	_ =	shalt  }
0x85: {  	_ =	shalt  }
0x86: {  	_ =	shalt  }
0x87: {  	_ =	shalt  }
.Lfunc_end0:
.L_simem_size_0:
called_computation.1_lowered:
.L_overlay_start_0:
0x88: {  	s2 =	sld [smem:$0x3FD9]  }
0x89: {  	s3 =	sld [smem:$0x3FFE];
	_ =	sdelay $0x1  }
0x8a: {  	s1 =	srdreg.scid  }
0x8b: {  	s0 =	sand.u32 $0x1, s1  }
0x8c: {  	s16 =	sshll.u32 s0, $0xA;
	s2 =	sadd.s32 s3, s2  }
0x8d: {  	s2 =	sadd.s32 s2, s16  }
0x8e: {  	[smem:$0x3FC2] =	sst s2  }
0x8f: {  	_ = 	snop  }
0x90: {  	(tm) =	ssettm $0x1  }
0x91: {  	s17 =	sld [smem:$0x3FFB];
	_ =	sdelay $0x3  }
0x92: {  	_ =	strace s17  }
0x93: {  	s2 =	sld [smem:$0x3FFC];
	_ =	sdelay $0x3  }
0x94: {  	_ =	strace s2  }
0x95: {  	s2 =	sld [smem:$0x3FFD];
	_ =	sdelay $0x3  }
0x96: {  	_ =	strace s2  }
0x97: {  	_ =	strace $0x8FFFFFFF  }
0x98: {  	s18 =	sld [smem:$0x3FDB];
	_ =	sdelay $0x1  }
0x99: {  	s19 =	simm.s32 $_scs_section_size  }
0x9a: {  	s4 =	simm.s32 $_size__tile_overlayer_lowered;
	s5 =	simm.s32 $_tile_overlayer_lowered  }
0x9b: {  	s22 =	simm.s32 $0x1BFF;
	s21 =	sshll.u32 s5, $0x1;
	s2 =	sadd.s32 s19, s18  }
0x9c: {  	s6 =	simm.s32 $0x0;
	s20 =	sshll.u32 s4, $0x1;
	s4 =	sadd.s32 s21, s2  }
0x9d: {  	[timem:s6], [sflag:s22] =	dma.local [hbm:s4], s20  }
0x9e: {  	_ =	swait.ge [sflag:s22], s20  }
0x9f: {  	s3 =	ssub.s32 $0x0, s20;
	[sflag:s22] =	ssyncset.done $0x0  }
0xa0: {  	[sflag:s22] =	ssyncadd.s32 s3;
	_ =	sdelay $0x1  }
0xa1: {  	s23 =	simm.s32 $0x1B8B  }
0xa2: {  	_ =	swait.ge [sflag:s23], $0x1  }
0xa3: {  	[sflag:s23] =	ssyncset.done $0x0  }
0xa4: {  	s25 =	simm.s32 $0x1B8E;
	s24 =	sld [smem:$0x3FFE];
	[sflag:s23] =	ssyncadd.s32 $0xFFFFFFFF  }
0xa5: {  	s26 =	simm.s32 $execute0_lowered;
	[smem:$0x3FD2] =	sst s25  }
0xa6: {  	s4 =	sshll.u32 s26, $0x1;
	_ =	strace $0x80000049;
	[dreg:$0x1] =	wrdreg $0xFFFFFFFF  }
0xa7: {  	s28 =	simm.s32 $_size_execute0_lowered;
	s2 =	sadd.s32 s2, s4;
	[dreg:$0x0] =	wrdreg $0x0  }
0xa8: {  	s4 =	sshll.u32 s28, $0x1;
	[dreg:$0x2] =	wrdreg s2  }
0xa9: {  	[dreg:$0x3] =	wrdreg s4  }
0xaa: {  	[dreg:$0x4] =	wrdreg $0xC0  }
0xab: {  	_ =	task [dreg:s6], $0x5FFFF  }
0xac: {  	[dreg:$0x1] =	wrdreg $0xFFFFFFFF  }
0xad: {  	[dreg:$0x0] =	wrdreg $0x60  }
0xae: {  	[dreg:$0x2] =	wrdreg s24  }
0xaf: {  	[dreg:$0x3] =	wrdreg $0xC3000  }
0xb0: {  	[dreg:$0x4] =	wrdreg $0x9  }
0xb1: {  	_ =	task.clear_ibuf [dreg:s6], $0x5FFFF;
	_ =	strace $0x90000049  }
0xb2: {  	s29 =	simm.s32 $0x9;
	_ =	strace $0x8000004B  }
0xb3: {  	_ =	swait.ge [sflag:s29], $0x1  }
0xb4: {  	[sflag:s29] =	ssyncadd.s32 $0xFFFFFFFF  }
0xb5: {  	_ =	strace $0x9000004B  }
0xb6: {  	_ =	sfence  }
0xb7: {  	s30 =	sld [smem:$0x0];
	_ =	sdelay $0x2  }
0xb8: {  	s31 =	sshll.u32 s1, $0xD;
	s1 =	sshrl.u32 s1, $0x2  }
0xb9: {  	s3 =	sand.u32 $0x4000, s31;
	s1 =	sadd.s32 s1, s30  }
0xba: {  	s0 =	sor.u32 s3, s0;
	s1 =	sshll.u32 s1, $0x11  }
0xbb: {  	s0 =	sor.u32 s1, s0  }
0xbc: {  	s0 =	sadd.s32 $0x8F2B, s0  }
0xbd: {  	[sflag:s0] =	ssyncadd.remote.s32 $0x1  }
0xbe: {  	_ =	sfence.sel $0xFFFF  }
0xbf: {  	[dreg:$0x0] =	wrdreg $0xFFFFFFFF;
	(pc) =	sbr.abs _section_cstart, $3  }
0xc0: {  	[dreg:$0x1] =	wrdreg $0xFFFFFFFF  }
0xc1: {  	_ =	task.clear_ibuf [dreg:s6], $0x2FFFF;
	_ =	strace $0x9FFFFFFF  }
0xc2: {  	(tm) =	ssettm $0x7FFFFFFF  }
0xc3: {  	_ =	shalt  }
tec
execute0_lowered:
.L_overlay_start_1:
0x0: {  	(tag) =	ssettag $0x1  }
0x1: {  	s0 =	rddreg [dreg:$0x0]  }
0x2: {  	s2 =	rddreg [dreg:$0x1];
	s3 =	simm.s32 $0x0;
	s10 =	stileid.u32  }
0x3: {  	s4 =	srdreg.scid;
	s28 =	simm.s32 $0x200;
	s1 =	smul.u32 $0x1440, s10  }
0x4: {  	s29 =	simm.s32 $0x8300;
	s30 =	simm.s32 $0x1;
	s7 =	smul.u32 $0x278, s10  }
0x5: {  	s31 =	simm.s32 $0x2;
	[smem:$0x7FF] =	sst s3;
	s9 =	smul.u32 $0x13C00, s10  }
0x6: {  	s5 =	sand.u32 $0x1, s4;
	s4 =	sadd.s32 $0x16400, s0;
	s10 =	smul.u32 $0x4F000, s10  }
0x7: {  	s11 =	sadd.s32 $0x3DC00, s0;
	_ =	strace $0x8000004A;
	s6 =	ssub.s32 $0x2, s5  }
0x8: {  	s1 =	sadd.s32 s1, s0;
	s8 =	sshrl.u32 s6, $0x1;
	s0 =	sadd.s32 $0x65400, s0  }
0x9: {  	s15 =	sshrl.u32 s9, $0x3;
	s16 =	sshrl.u32 s10, $0x2;
	s17 =	sadd.s32 $0x80, s7  }
0xa: {  	s19 =	sadd.s32 $0x100, s7;
	s12 =	sadd.s32 $0x180, s7;
	s7 =	sadd.s32 $0x200, s7  }
0xb: {  	s13 =	ssub.s32 s6, s8;
	s6 =	sadd.s32 s11, s15;
	s18 =	sshll.u32 s17, $0x4  }
0xc: {  	s15 =	sshll.u32 s17, $0x7;
	s10 =	sshll.u32 s19, $0x4;
	s17 =	sshll.u32 s12, $0x7  }
0xd: {  	s12 =	sshll.u32 s12, $0x4;
	s14 =	sshll.u32 s7, $0x4;
	s7 =	sshll.u32 s7, $0x7  }
0xe: {  	[dreg:$0x3] =	wrdreg s6;
	s6 =	sadd.s32 s16, s2;
	s8 =	sadd.s32 s11, s18  }
0xf: {  	s16 =	sshll.u32 s19, $0x7;
	s10 =	sadd.s32 s11, s10;
	s12 =	sadd.s32 s11, s12  }
0x10: {  	s18 =	smul.u32 $0x13C000, s5;
	s11 =	sadd.s32 s11, s14;
	[dreg:$0x4] =	wrdreg s8  }
0x11: {  	s14 =	sadd.s32 s7, s2;
	s5 =	smul.u32 $0xA20, s5;
	[dreg:$0x5] =	wrdreg s10  }
0x12: {  	s8 =	sadd.s32 s15, s2;
	s10 =	sadd.s32 s16, s2;
	[dreg:$0x6] =	wrdreg s12  }
0x13: {  	s12 =	sadd.s32 s17, s2;
	[dreg:$0x7] =	wrdreg s11;
	s9 =	sadd.s32 s9, s18  }
0x14: {  	s20 =	sadd.s32 s18, s15;
	s21 =	sadd.s32 s18, s16;
	s24 =	sadd.s32 s18, s17  }
0x15: {  	s7 =	sadd.s32 s18, s7;
	s26 =	sadd.s32 s5, s1;
	s1 =	simm.s32 $0x3  }
0x16: {  	s5 =	simm.s32 $0x280;
	s9 =	sshrl.u32 s9, $0x3;
	s11 =	sshrl.u32 s20, $0x3  }
0x17: {  	s23 =	sshrl.u32 s21, $0x3;
	s25 =	sshrl.u32 s24, $0x3;
	s7 =	sshrl.u32 s7, $0x3  }
0x18: {  	s20 =	smax.u32 s13, $0x1;
	s21 =	sadd.s32 $0x2000, s26;
	s24 =	simm.s32 $0x80  }
0x19: {  	s26 =	simm.s32 $0x4300;
	s13 =	simm.s32 $0x0;
	s9 =	sadd.s32 s0, s9  }
0x1a: {  	s22 =	sadd.s32 s0, s11;
	s19 =	sadd.s32 s0, s7;
	[dreg:$0x8] =	wrdreg s9  }
0x1b: {  	s7 =	simm.s32 $0x4;
	s11 =	simm.s32 $0x6;
	[dreg:$0x9] =	wrdreg s22  }
0x1c: {  	s9 =	sadd.s32 s0, s23;
	s22 =	simm.s32 $0x300;
	s23 =	simm.s32 $0x7  }
0x1d: {  	[dreg:$0xa] =	wrdreg s9;
	s9 =	sadd.s32 s0, s25;
	s25 =	simm.s32 $0x100  }
0x1e: {  	s0 =	simm.s32 $0x180;
	[dreg:$0xb] =	wrdreg s9;
	s9 =	simm.s32 $0x5  }
.LBB2_1:
0x1f: {  	s15 =	rddreg [dreg:$0x3]  }
0x20: {  	[tilespmem:s22], [sflag:$0x7] =	stream.linear.gather [hbm4b:s15+s3], $0x4000, $0x38;
	[tilespmem:$0x1FF00] =	vst v63  }
0x21: {  	_ =	swait.ge [sflag:s23], $0x4000  }
0x22: {  	[sflag:s23] =	ssyncset.done $0x0  }
0x23: {  	[sflag:s23] =	ssyncadd.s32 $0xFFFFC000  }
0x24: {  	[spmem:s6] =	stream.linear.scatter [tilespmem:s22], [sflag:$0x7], $0x4000, $0x38;
	[tilespmem:$0x1FF00] =	vst v63  }
0x25: {  	_ =	swait.ge [sflag:s23], $0x4000  }
0x26: {  	[sflag:s23] =	ssyncset.done $0x0  }
0x27: {  	s17 =	rddreg [dreg:$0x4];
	[sflag:s23] =	ssyncadd.s32 $0xFFFFC000  }
0x28: {  	[tilespmem:s22], [sflag:$0x7] =	stream.linear.gather [hbm4b:s17+s3], $0x4000, $0x38;
	[tilespmem:$0x1FF00] =	vst v63  }
0x29: {  	_ =	swait.ge [sflag:s23], $0x4000  }
0x2a: {  	[sflag:s23] =	ssyncset.done $0x0  }
0x2b: {  	[sflag:s23] =	ssyncadd.s32 $0xFFFFC000  }
0x2c: {  	[spmem:s8] =	stream.linear.scatter [tilespmem:s22], [sflag:$0x7], $0x4000, $0x38;
	[tilespmem:$0x1FF00] =	vst v63  }
0x2d: {  	_ =	swait.ge [sflag:s23], $0x4000  }
0x2e: {  	[sflag:s23] =	ssyncset.done $0x0  }
0x2f: {  	s18 =	rddreg [dreg:$0x5];
	[sflag:s23] =	ssyncadd.s32 $0xFFFFC000  }
0x30: {  	[tilespmem:s22], [sflag:$0x7] =	stream.linear.gather [hbm4b:s18+s3], $0x4000, $0x38;
	[tilespmem:$0x1FF00] =	vst v63  }
0x31: {  	_ =	swait.ge [sflag:s23], $0x4000  }
0x32: {  	[sflag:s23] =	ssyncset.done $0x0  }
0x33: {  	[sflag:s23] =	ssyncadd.s32 $0xFFFFC000  }
0x34: {  	[spmem:s10] =	stream.linear.scatter [tilespmem:s22], [sflag:$0x7], $0x4000, $0x38;
	[tilespmem:$0x1FF00] =	vst v63  }
0x35: {  	_ =	swait.ge [sflag:s23], $0x4000  }
0x36: {  	[sflag:s23] =	ssyncset.done $0x0  }
0x37: {  	s16 =	rddreg [dreg:$0x6];
	[sflag:s23] =	ssyncadd.s32 $0xFFFFC000  }
0x38: {  	[tilespmem:s22], [sflag:$0x7] =	stream.linear.gather [hbm4b:s16+s3], $0x4000, $0x38;
	[tilespmem:$0x1FF00] =	vst v63  }
0x39: {  	_ =	swait.ge [sflag:s23], $0x4000  }
0x3a: {  	[sflag:s23] =	ssyncset.done $0x0  }
0x3b: {  	[sflag:s23] =	ssyncadd.s32 $0xFFFFC000  }
0x3c: {  	[spmem:s12] =	stream.linear.scatter [tilespmem:s22], [sflag:$0x7], $0x4000, $0x38;
	[tilespmem:$0x1FF00] =	vst v63  }
0x3d: {  	_ =	swait.ge [sflag:s23], $0x4000  }
0x3e: {  	[sflag:s23] =	ssyncset.done $0x0  }
0x3f: {  	s17 =	rddreg [dreg:$0x7];
	[sflag:s23] =	ssyncadd.s32 $0xFFFFC000  }
0x40: {  	[tilespmem:s22], [sflag:$0x7] =	stream.linear.gather [hbm4b:s17+s3], $0x3C00, $0x38;
	[tilespmem:$0x1FF00] =	vst v63  }
0x41: {  	_ =	swait.ge [sflag:s23], $0x3C00  }
0x42: {  	[sflag:s23] =	ssyncset.done $0x0  }
0x43: {  	[sflag:s23] =	ssyncadd.s32 $0xFFFFC400  }
0x44: {  	[spmem:s14] =	stream.linear.scatter [tilespmem:s22], [sflag:$0x7], $0x3C00, $0x38;
	[tilespmem:$0x1FF00] =	vst v63  }
0x45: {  	_ =	swait.ge [sflag:s23], $0x3C00  }
0x46: {  	[sflag:s23] =	ssyncset.done $0x0  }
0x47: {  	[sflag:s23] =	ssyncadd.s32 $0xFFFFC400  }
0x48: {  	s18 =	sadd.s32 $0x0, s21;
	[bflag:$0x0] =	sbarrier.arrive $0xFFFF  }
0x49: {  	[tilespmem:s3], [sflag:$0x7] =	stream.linear.gather [hbm4b:s18+s3], $0x100, $0x38;
	[tilespmem:$0x1FF00] =	vst v63  }
0x4a: {  	_ =	swait.ge [sflag:s23], $0x100  }
0x4b: {  	[sflag:s23] =	ssyncset.done $0x0  }
0x4c: {  	[sflag:s23] =	ssyncadd.s32 $0xFFFFFF00  }
0x4d: {  	[tilespmem:s22], [sflag:$0x1] =	stream.indirect.gather [hbm4b:s4+s24], $0x80, s3, s24, $0xb8;
	[tilespmem:$0x1FF00] =	vst v63  }
0x4e: {  	s16 =	sadd.s32 $0x20, s18  }
0x4f: {  	[tilespmem:s25], [sflag:$0x7] =	stream.linear.gather [hbm4b:s16+s3], $0x100, $0x38;
	[tilespmem:$0x1FF00] =	vst v63  }
0x50: {  	_ =	swait.ge [sflag:s23], $0x100  }
0x51: {  	[sflag:s23] =	ssyncset.done $0x0  }
0x52: {  	[sflag:s23] =	ssyncadd.s32 $0xFFFFFF00  }
0x53: {  	[tilespmem:s26], [sflag:$0x2] =	stream.indirect.gather [hbm4b:s4+s24], $0x80, s25, s24, $0xb8;
	[tilespmem:$0x1FF00] =	vst v63  }
0x54: {  	s15 =	sadd.s32 $0x40, s18  }
0x55: {  	[tilespmem:s28], [sflag:$0x7] =	stream.linear.gather [hbm4b:s15+s3], $0x100, $0x38;
	[tilespmem:$0x1FF00] =	vst v63  }
0x56: {  	_ =	swait.ge [sflag:s23], $0x100  }
0x57: {  	[sflag:s23] =	ssyncset.done $0x0  }
0x58: {  	[sflag:s23] =	ssyncadd.s32 $0xFFFFFF00  }
0x59: {  	[tilespmem:s29], [sflag:$0x3] =	stream.indirect.gather [hbm4b:s4+s24], $0x80, s28, s24, $0xb8;
	[tilespmem:$0x1FF00] =	vst v63  }
0x5a: {  	_ =	swait.ge [sflag:s30], $0x4000  }
0x5b: {  	[sflag:s30] =	ssyncset.done $0x0  }
0x5c: {  	[sflag:s30] =	ssyncadd.s32 $0xFFFFC000  }
0x5d: {  	[spmem:s2] =	stream.indirect.scatter.add.f32 [tilespmem:s22], [sflag:$0x4], $0x80, s24, s24, $0xb8;
	[tilespmem:$0x1FF00] =	vst v63  }
0x5e: {  	_ =	swait.ge [sflag:s31], $0x4000  }
0x5f: {  	[sflag:s31] =	ssyncset.done $0x0  }
0x60: {  	[sflag:s31] =	ssyncadd.s32 $0xFFFFC000  }
0x61: {  	[spmem:s2] =	stream.indirect.scatter.add.f32 [tilespmem:s26], [sflag:$0x5], $0x80, s0, s24, $0xb8;
	[tilespmem:$0x1FF00] =	vst v63  }
0x62: {  	_ =	swait.ge [sflag:s1], $0x4000  }
0x63: {  	[sflag:s1] =	ssyncset.done $0x0  }
0x64: {  	[sflag:s1] =	ssyncadd.s32 $0xFFFFC000  }
0x65: {  	[spmem:s2] =	stream.indirect.scatter.add.f32 [tilespmem:s29], [sflag:$0x6], $0x80, s5, s24, $0xb8;
	[tilespmem:$0x1FF00] =	vst v63  }
0x66: {  	_ =	swait.ge [sflag:s7], $0x4000  }
0x67: {  	[sflag:s7] =	ssyncset.done $0x0  }
0x68: {  	[sflag:s7] =	ssyncadd.s32 $0xFFFFC000  }
0x69: {  	_ =	swait.ge [sflag:s9], $0x4000  }
0x6a: {  	[sflag:s9] =	ssyncset.done $0x0  }
0x6b: {  	[sflag:s9] =	ssyncadd.s32 $0xFFFFC000  }
0x6c: {  	_ =	swait.ge [sflag:s11], $0x4000  }
0x6d: {  	s16 =	simm.s32 $0xC0;
	s15 =	simm.s32 $0x60;
	[sflag:s11] =	ssyncset.done $0x0  }
.LBB2_2:
0x6e: {  	s18 =	sadd.s32 s15, s21  }
0x6f: {  	[sflag:s11] =	ssyncadd.s32 $0xFFFFC000;
	s15 =	smov.u32 s16;
	s17 =	sadd.s32 $0x60, s16  }
0x70: {  	[tilespmem:s3], [sflag:$0x7] =	stream.linear.gather [hbm4b:s18+s3], $0x100, $0x38;
	[tilespmem:$0x1FF00] =	vst v63  }
0x71: {  	p0 =	sne.s32 s16, $0x9C0;
	_ =	swait.ge [sflag:s23], $0x100  }
0x72: {  	[sflag:s23] =	ssyncset.done $0x0  }
0x73: {  	[sflag:s23] =	ssyncadd.s32 $0xFFFFFF00  }
0x74: {  	[tilespmem:s22], [sflag:$0x1] =	stream.indirect.gather [hbm4b:s4+s24], $0x80, s3, s24, $0xb8;
	[tilespmem:$0x1FF00] =	vst v63  }
0x75: {  	s16 =	sadd.s32 $0x20, s18  }
0x76: {  	[tilespmem:s25], [sflag:$0x7] =	stream.linear.gather [hbm4b:s16+s3], $0x100, $0x38;
	[tilespmem:$0x1FF00] =	vst v63  }
0x77: {  	_ =	swait.ge [sflag:s23], $0x100  }
0x78: {  	[sflag:s23] =	ssyncset.done $0x0  }
0x79: {  	[sflag:s23] =	ssyncadd.s32 $0xFFFFFF00  }
0x7a: {  	[tilespmem:s26], [sflag:$0x2] =	stream.indirect.gather [hbm4b:s4+s24], $0x80, s25, s24, $0xb8;
	[tilespmem:$0x1FF00] =	vst v63  }
0x7b: {  	s16 =	sadd.s32 $0x40, s18  }
0x7c: {  	[tilespmem:s28], [sflag:$0x7] =	stream.linear.gather [hbm4b:s16+s3], $0x100, $0x38;
	[tilespmem:$0x1FF00] =	vst v63  }
0x7d: {  	_ =	swait.ge [sflag:s23], $0x100  }
0x7e: {  	[sflag:s23] =	ssyncset.done $0x0  }
0x7f: {  	[sflag:s23] =	ssyncadd.s32 $0xFFFFFF00  }
0x80: {  	[tilespmem:s29], [sflag:$0x3] =	stream.indirect.gather [hbm4b:s4+s24], $0x80, s28, s24, $0xb8;
	[tilespmem:$0x1FF00] =	vst v63  }
0x81: {  	_ =	swait.ge [sflag:s30], $0x4000  }
0x82: {  	[sflag:s30] =	ssyncset.done $0x0  }
0x83: {  	[sflag:s30] =	ssyncadd.s32 $0xFFFFC000  }
0x84: {  	[spmem:s2] =	stream.indirect.scatter.add.f32 [tilespmem:s22], [sflag:$0x4], $0x80, s24, s24, $0xb8;
	[tilespmem:$0x1FF00] =	vst v63  }
0x85: {  	_ =	swait.ge [sflag:s31], $0x4000  }
0x86: {  	[sflag:s31] =	ssyncset.done $0x0  }
0x87: {  	[sflag:s31] =	ssyncadd.s32 $0xFFFFC000  }
0x88: {  	[spmem:s2] =	stream.indirect.scatter.add.f32 [tilespmem:s26], [sflag:$0x5], $0x80, s0, s24, $0xb8;
	[tilespmem:$0x1FF00] =	vst v63  }
0x89: {  	_ =	swait.ge [sflag:s1], $0x4000  }
0x8a: {  	[sflag:s1] =	ssyncset.done $0x0  }
0x8b: {  	[sflag:s1] =	ssyncadd.s32 $0xFFFFC000  }
0x8c: {  	[spmem:s2] =	stream.indirect.scatter.add.f32 [tilespmem:s29], [sflag:$0x6], $0x80, s5, s24, $0xb8;
	[tilespmem:$0x1FF00] =	vst v63  }
0x8d: {  	_ =	swait.ge [sflag:s7], $0x4000  }
0x8e: {  	[sflag:s7] =	ssyncset.done $0x0  }
0x8f: {  	[sflag:s7] =	ssyncadd.s32 $0xFFFFC000  }
.Ltmp0:
0x90: {  	_ =	swait.ge [sflag:s9], $0x4000;
	(pc) =	sbr.rel @p0 .LBB2_2-.Ltmp0, $4  }
0x91: {  	[sflag:s9] =	ssyncset.done $0x0  }
0x92: {  	[sflag:s9] =	ssyncadd.s32 $0xFFFFC000  }
0x93: {  	_ =	swait.ge [sflag:s11], $0x4000  }
0x94: {  	s16 =	smov.u32 s17;
	[sflag:s11] =	ssyncset.done $0x0  }
0x95: {  	s15 =	sadd.s32 s15, s21;
	[sflag:s11] =	ssyncadd.s32 $0xFFFFC000  }
0x96: {  	[tilespmem:s3], [sflag:$0x7] =	stream.linear.gather [hbm4b:s15+s3], $0x100, $0x38;
	[tilespmem:$0x1FF00] =	vst v63  }
0x97: {  	_ =	swait.ge [sflag:s23], $0x100  }
0x98: {  	[sflag:s23] =	ssyncset.done $0x0  }
0x99: {  	[sflag:s23] =	ssyncadd.s32 $0xFFFFFF00  }
0x9a: {  	[tilespmem:s22], [sflag:$0x1] =	stream.indirect.gather [hbm4b:s4+s24], $0x80, s3, s24, $0xb8;
	[tilespmem:$0x1FF00] =	vst v63  }
0x9b: {  	s16 =	sadd.s32 $0x20, s15  }
0x9c: {  	[tilespmem:s25], [sflag:$0x7] =	stream.linear.gather [hbm4b:s16+s3], $0x100, $0x38;
	[tilespmem:$0x1FF00] =	vst v63  }
0x9d: {  	_ =	swait.ge [sflag:s23], $0x100  }
0x9e: {  	[sflag:s23] =	ssyncset.done $0x0  }
0x9f: {  	[sflag:s23] =	ssyncadd.s32 $0xFFFFFF00  }
0xa0: {  	[tilespmem:s26], [sflag:$0x2] =	stream.indirect.gather [hbm4b:s4+s24], $0x80, s25, s24, $0xb8;
	[tilespmem:$0x1FF00] =	vst v63  }
0xa1: {  	s15 =	sadd.s32 $0x40, s15  }
0xa2: {  	[tilespmem:s28], [sflag:$0x7] =	stream.linear.gather [hbm4b:s15+s3], $0x100, $0x38;
	[tilespmem:$0x1FF00] =	vst v63  }
0xa3: {  	_ =	swait.ge [sflag:s23], $0x100  }
0xa4: {  	[sflag:s23] =	ssyncset.done $0x0  }
0xa5: {  	[sflag:s23] =	ssyncadd.s32 $0xFFFFFF00  }
0xa6: {  	[tilespmem:s29], [sflag:$0x3] =	stream.indirect.gather [hbm4b:s4+s24], $0x80, s28, s24, $0xb8;
	[tilespmem:$0x1FF00] =	vst v63  }
0xa7: {  	_ =	swait.ge [sflag:s30], $0x4000  }
0xa8: {  	[sflag:s30] =	ssyncset.done $0x0  }
0xa9: {  	[sflag:s30] =	ssyncadd.s32 $0xFFFFC000  }
0xaa: {  	[spmem:s2] =	stream.indirect.scatter.add.f32 [tilespmem:s22], [sflag:$0x4], $0x80, s24, s24, $0xb8;
	[tilespmem:$0x1FF00] =	vst v63  }
0xab: {  	_ =	swait.ge [sflag:s31], $0x4000  }
0xac: {  	[sflag:s31] =	ssyncset.done $0x0  }
0xad: {  	[sflag:s31] =	ssyncadd.s32 $0xFFFFC000  }
0xae: {  	[spmem:s2] =	stream.indirect.scatter.add.f32 [tilespmem:s26], [sflag:$0x5], $0x80, s0, s24, $0xb8;
	[tilespmem:$0x1FF00] =	vst v63  }
0xaf: {  	_ =	swait.ge [sflag:s1], $0x4000  }
0xb0: {  	[sflag:s1] =	ssyncset.done $0x0  }
0xb1: {  	[sflag:s1] =	ssyncadd.s32 $0xFFFFC000  }
0xb2: {  	[spmem:s2] =	stream.indirect.scatter.add.f32 [tilespmem:s29], [sflag:$0x6], $0x80, s5, s24, $0xb8;
	[tilespmem:$0x1FF00] =	vst v63  }
0xb3: {  	_ =	swait.ge [sflag:s7], $0x4000  }
0xb4: {  	[sflag:s7] =	ssyncset.done $0x0  }
0xb5: {  	[sflag:s7] =	ssyncadd.s32 $0xFFFFC000  }
0xb6: {  	_ =	swait.ge [sflag:s9], $0x4000  }
0xb7: {  	[sflag:s9] =	ssyncset.done $0x0  }
0xb8: {  	[sflag:s9] =	ssyncadd.s32 $0xFFFFC000  }
0xb9: {  	_ =	swait.ge [sflag:s11], $0x4000  }
0xba: {  	[sflag:s11] =	ssyncset.done $0x0  }
0xbb: {  	[sflag:s11] =	ssyncadd.s32 $0xFFFFC000  }
0xbc: {  	[bflag:$0x0] =	sbarrier.arrive $0xFFFF  }
0xbd: {  	[tilespmem:s22], [sflag:$0x7] =	stream.linear.gather [spmem:s6], $0x4000, $0x38;
	[tilespmem:$0x1FF00] =	vst v63  }
0xbe: {  	_ =	swait.ge [sflag:s23], $0x4000  }
0xbf: {  	[sflag:s23] =	ssyncset.done $0x0  }
0xc0: {  	s18 =	rddreg [dreg:$0x8];
	[sflag:s23] =	ssyncadd.s32 $0xFFFFC000  }
0xc1: {  	[hbm4b:s18+s3] =	stream.linear.scatter [tilespmem:s22], [sflag:$0x1], $0x4000, $0x38;
	[tilespmem:$0x1FF00] =	vst v63  }
0xc2: {  	_ = 	snop  }
0xc3: {  	[tilespmem:s26], [sflag:$0x7] =	stream.linear.gather [spmem:s8], $0x4000, $0x38;
	[tilespmem:$0x1FF00] =	vst v63  }
0xc4: {  	_ =	swait.ge [sflag:s23], $0x4000  }
0xc5: {  	[sflag:s23] =	ssyncset.done $0x0  }
0xc6: {  	s16 =	rddreg [dreg:$0x9];
	[sflag:s23] =	ssyncadd.s32 $0xFFFFC000  }
0xc7: {  	[hbm4b:s16+s3] =	stream.linear.scatter [tilespmem:s26], [sflag:$0x2], $0x4000, $0x38;
	[tilespmem:$0x1FF00] =	vst v63  }
0xc8: {  	_ =	swait.ge [sflag:s30], $0x4000  }
0xc9: {  	[sflag:s30] =	ssyncset.done $0x0  }
0xca: {  	[sflag:s30] =	ssyncadd.s32 $0xFFFFC000  }
0xcb: {  	[tilespmem:s22], [sflag:$0x7] =	stream.linear.gather [spmem:s10], $0x4000, $0x38;
	[tilespmem:$0x1FF00] =	vst v63  }
0xcc: {  	_ =	swait.ge [sflag:s23], $0x4000  }
0xcd: {  	[sflag:s23] =	ssyncset.done $0x0  }
0xce: {  	s17 =	rddreg [dreg:$0xa];
	[sflag:s23] =	ssyncadd.s32 $0xFFFFC000  }
0xcf: {  	[hbm4b:s17+s3] =	stream.linear.scatter [tilespmem:s22], [sflag:$0x1], $0x4000, $0x38;
	[tilespmem:$0x1FF00] =	vst v63  }
0xd0: {  	_ =	swait.ge [sflag:s31], $0x4000  }
0xd1: {  	[sflag:s31] =	ssyncset.done $0x0  }
0xd2: {  	[sflag:s31] =	ssyncadd.s32 $0xFFFFC000  }
0xd3: {  	[tilespmem:s26], [sflag:$0x7] =	stream.linear.gather [spmem:s12], $0x4000, $0x38;
	[tilespmem:$0x1FF00] =	vst v63  }
0xd4: {  	_ =	swait.ge [sflag:s23], $0x4000  }
0xd5: {  	[sflag:s23] =	ssyncset.done $0x0  }
0xd6: {  	s18 =	rddreg [dreg:$0xb];
	[sflag:s23] =	ssyncadd.s32 $0xFFFFC000  }
0xd7: {  	[hbm4b:s18+s3] =	stream.linear.scatter [tilespmem:s26], [sflag:$0x2], $0x4000, $0x38;
	[tilespmem:$0x1FF00] =	vst v63  }
0xd8: {  	_ =	swait.ge [sflag:s30], $0x4000  }
0xd9: {  	[sflag:s30] =	ssyncset.done $0x0  }
0xda: {  	[sflag:s30] =	ssyncadd.s32 $0xFFFFC000  }
0xdb: {  	[tilespmem:s22], [sflag:$0x7] =	stream.linear.gather [spmem:s14], $0x3C00, $0x38;
	[tilespmem:$0x1FF00] =	vst v63  }
0xdc: {  	_ =	swait.ge [sflag:s23], $0x3C00  }
0xdd: {  	[sflag:s23] =	ssyncset.done $0x0  }
0xde: {  	s13 =	sadd.s32 $0x1, s13;
	[sflag:s23] =	ssyncadd.s32 $0xFFFFC400  }
0xdf: {  	[hbm4b:s19+s3] =	stream.linear.scatter [tilespmem:s22], [sflag:$0x1], $0x3C00, $0x38;
	[tilespmem:$0x1FF00] =	vst v63  }
0xe0: {  	p0 =	sne.s32 s13, s20;
	_ =	swait.ge [sflag:s31], $0x4000  }
.Ltmp1:
0xe1: {  	[sflag:s31] =	ssyncset.done $0x0;
	(pc) =	sbr.rel @p0 .LBB2_1-.Ltmp1, $4  }
0xe2: {  	[sflag:s31] =	ssyncadd.s32 $0xFFFFC000  }
0xe3: {  	_ =	swait.ge [sflag:s30], $0x3C00  }
0xe4: {  	[sflag:s30] =	ssyncset.done $0x0  }
0xe5: {  	[sflag:s30] =	ssyncadd.s32 $0xFFFFC400  }
0xe6: {  	_ =	sfence.sel $0x180000  }
0xe7: {  	[bflag:$0x0] =	sbarrier.arrive $0xFFFF  }
0xe8: {  	_ =	strace $0x9000004A  }
0xe9: {  	s0 =	stileid.u32;
	[bflag:$0x2] =	sbarrier.arrive $0xFFFF  }
0xea: {  	p0 =	sne.s32 s0, $0x0;
	s0 =	rddreg [dreg:$0x2]  }
0xeb: {  	s0 =	sadd.s32 @!p0 $0x100000, s0  }
0xec: {  	[sflag:s0] =	ssyncadd.tile.s32 @!p0 $0x1;
	_ =	shalt  }
.Lfunc_end2:
_tile_overlayer_lowered:
.L_overlay_start_2:
0xed: {  	(tag) =	ssettag $0x2  }
0xee: {  	s0 =	rddreg [dreg:$0x0];
	s2 =	stileid.u32  }
0xef: {  	s1 =	rddreg [dreg:$0x1];
	p0 =	sne.s32 s2, $0x0  }
0xf0: {  	s3 =	rddreg [dreg:$0x2];
	[bflag:$0x3] =	sbarrier.arrive $0xFFFF;
	s2 =	simm.s32 @!p0 $0x1C07  }
0xf1: {  	[timem:s3], [sflag:s2] =	dma.local @!p0 [hbm:s0], s1  }
0xf2: {  	s0 =	simm.s32 @!p0 $0x7  }
0xf3: {  	_ =	swait.ge @!p0 [sflag:s0], s1  }
0xf4: {  	s1 =	ssub.s32 @!p0 $0x0, s1;
	[sflag:s0] =	ssyncset.done @!p0 $0x0  }
0xf5: {  	[sflag:s0] =	ssyncadd.s32 @!p0 s1  }
0xf6: {  	[bflag:$0x3] =	sbarrier.arrive $0xFFFF  }
0xf7: {  	_ =	shalt  }

// kernel: kernel.15.cloned.1.call-start
scs
__scs_entry_jumppad:
0x0: {  	(pc) =	sbr.rel $0x88, $3  }
0x1: {  	(tag) =	ssettag $0x0;
	lr =	simm.s32 $0x1  }
0x2: {  	[smem:$0x3F9B] =	sst lr;
	_ =	strace $0xD0000000  }
0x3: {  	_ = 	snop  }
0x4: {  	_ = 	snop  }
0x5: {  	_ = 	snop  }
0x6: {  	_ = 	snop  }
0x7: {  	_ = 	snop  }
__scs_overlays_trampoline_lowered:
0x8: {  	[smem:$0x3FAA] =	sst s0  }
0x9: {  	[smem:$0x3FAB] =	sst s1  }
0xa: {  	[smem:$0x3FAC] =	sst s2  }
0xb: {  	[smem:$0x3FAD] =	sst s3  }
0xc: {  	[smem:$0x3FAE] =	sst s4  }
0xd: {  	[smem:$0x3FAF] =	sst s5  }
0xe: {  	[smem:$0x3FB0] =	sst s6  }
0xf: {  	[smem:$0x3FB1] =	sst s7  }
0x10: {  	[smem:$0x3FB2] =	sst s8  }
0x11: {  	[smem:$0x3FB3] =	sst s9;
	s0 =	simm.s32 @!p0 $0x0  }
0x12: {  	s1 =	sld [smem:$0x3F99];
	s0 =	simm.s32 @p0 $0x1  }
0x13: {  	[smem:$0x3FB4] =	sst s0;
	s0 =	simm.s32 @!p1 $0x0  }
0x14: {  	s2 =	sld [smem:$0x3F98];
	s0 =	simm.s32 @p1 $0x1  }
0x15: {  	[smem:$0x3FB5] =	sst s0;
	s0 =	simm.s32 @!p2 $0x0  }
0x16: {  	s3 =	sld [smem:$0x3FDB];
	s0 =	simm.s32 @p2 $0x1  }
0x17: {  	s4 =	simm.s32 $0x1BF5;
	[smem:$0x3FB7] =	sst s0  }
0x18: {  	s0 =	sld [smem:$0x3F9A];
	_ =	swait.ge [sflag:s4], $0x0  }
0x19: {  	s7 =	sld [smem:$0x3F9B]  }
0x1a: {  	s8 =	sadd.s32 $0xFFFFE003, lr  }
0x1b: {  	s9 =	sadd.s32 $0xFFFFFEF7, lr;
	s5 =	simm.s32 $0xFFFFFFFF;
	p2 =	slt.u32 s8, $0xFFFFF086  }
0x1c: {  	p1 =	slt.u32 s9, $0xF7A;
	s5 =	simm.s32 @!p2 $0x0  }
0x1d: {  	s5 =	simm.s32 @p1 $0x1;
	p0 =	seq.s32 s7, s2  }
0x1e: {  	s7 =	smul.u32 @!p0 $0xF7A, s2;
	p2 =	seq.s32 @!p0 s5, $0x0  }
0x1f: {  	s9 =	smul.u32 $0xF7A, s1;
	s8 =	simm.s32 @!p0 $0x1BF5;
	p2 =	por !p2, p0  }
0x20: {  	[sflag:s8] =	ssyncset.s32 @!p0 $0xFFFFF086;
	s6 =	sadd.s32 @!p0 s3, s7;
	s7 =	simm.s32 @!p0 $0x108  }
0x21: {  	s3 =	sadd.s32 s3, s9;
	s6 =	sadd.s32 @!p0 $0x88, s6;
	s7 =	simm.s32 @p2 $0x1082  }
0x22: {  	[simem:s7], [sflag:s8] =	dma.local @!p0 [hbm:s6], $0xF7A  }
0x23: {  	s9 =	sor.u32 $0xD0000000, s2;
	s6 =	simm.s32 $0x108;
	_ =	swait.ge @!p0 [sflag:s8], $0x0  }
0x24: {  	s3 =	sadd.s32 $0x88, s3;
	s6 =	simm.s32 @!p1 $0x1082;
	[sflag:s4] =	ssyncset.s32 $0xFFFFF086  }
0x25: {  	[simem:s6], [sflag:s4] =	dma.local [hbm:s3], $0xF7A  }
0x26: {  	[smem:$0x3F9B] =	sst s1;
	(tag) =	ssettag s2;
	_ =	strace s9  }
0x27: {  	s1 =	sld [smem:$0x3FAB]  }
0x28: {  	s2 =	sld [smem:$0x3FAC]  }
0x29: {  	s4 =	sld [smem:$0x3FAE]  }
0x2a: {  	p0 =	seq.s32 s5, $0x0;
	s5 =	sld [smem:$0x3FAF]  }
0x2b: {  	s6 =	sld [smem:$0x3FB0]  }
0x2c: {  	s7 =	sld [smem:$0x3FB1]  }
0x2d: {  	s3 =	simm.s32 $0x108;
	s8 =	sld [smem:$0x3FB2]  }
0x2e: {  	s3 =	simm.s32 @!p0 $0x1082;
	s9 =	sld [smem:$0x3FB3]  }
0x2f: {  	lr =	sadd.s32 s0, s3;
	s0 =	sld [smem:$0x3FAA]  }
0x30: {  	s3 =	sld [smem:$0x3FAD]  }
0x31: {  	[smem:$0x3FB6] =	sst s10  }
0x32: {  	s10 =	sld [smem:$0x3FB4];
	_ =	sdelay $0x3  }
0x33: {  	p0 =	seq.s32 s10, $0x1;
	s10 =	sld [smem:$0x3FB6];
	_ =	sdelay $0x3  }
0x34: {  	[smem:$0x3FB6] =	sst s10  }
0x35: {  	s10 =	sld [smem:$0x3FB5];
	_ =	sdelay $0x3  }
0x36: {  	p1 =	seq.s32 s10, $0x1;
	s10 =	sld [smem:$0x3FB6];
	_ =	sdelay $0x3  }
0x37: {  	[smem:$0x3FB6] =	sst s10  }
0x38: {  	s10 =	sld [smem:$0x3FB7]  }
0x39: {  	_ = 	snop;
	(pc) =	sbr.ind lr, $3  }
0x3a: {  	_ = 	snop  }
0x3b: {  	_ = 	snop  }
0x3c: {  	p2 =	seq.s32 s10, $0x1;
	s10 =	sld [smem:$0x3FB6]  }
0x3d: {  	_ =	shalt  }
0x3e: {  	_ =	shalt  }
0x3f: {  	_ =	shalt  }
0x40: {  	_ =	shalt  }
0x41: {  	_ =	shalt  }
0x42: {  	_ =	shalt  }
0x43: {  	_ =	shalt  }
0x44: {  	_ =	shalt  }
0x45: {  	_ =	shalt  }
0x46: {  	_ =	shalt  }
0x47: {  	_ =	shalt  }
0x48: {  	_ =	shalt  }
0x49: {  	_ =	shalt  }
0x4a: {  	_ =	shalt  }
0x4b: {  	_ =	shalt  }
0x4c: {  	_ =	shalt  }
0x4d: {  	_ =	shalt  }
0x4e: {  	_ =	shalt  }
0x4f: {  	_ =	shalt  }
0x50: {  	_ =	shalt  }
0x51: {  	_ =	shalt  }
0x52: {  	_ =	shalt  }
0x53: {  	_ =	shalt  }
0x54: {  	_ =	shalt  }
0x55: {  	_ =	shalt  }
0x56: {  	_ =	shalt  }
0x57: {  	_ =	shalt  }
0x58: {  	_ =	shalt  }
0x59: {  	_ =	shalt  }
0x5a: {  	_ =	shalt  }
0x5b: {  	_ =	shalt  }
0x5c: {  	_ =	shalt  }
0x5d: {  	_ =	shalt  }
0x5e: {  	_ =	shalt  }
0x5f: {  	_ =	shalt  }
0x60: {  	_ =	shalt  }
0x61: {  	_ =	shalt  }
0x62: {  	_ =	shalt  }
0x63: {  	_ =	shalt  }
0x64: {  	_ =	shalt  }
0x65: {  	_ =	shalt  }
0x66: {  	_ =	shalt  }
0x67: {  	_ =	shalt  }
0x68: {  	_ =	shalt  }
0x69: {  	_ =	shalt  }
0x6a: {  	_ =	shalt  }
0x6b: {  	_ =	shalt  }
0x6c: {  	_ =	shalt  }
0x6d: {  	_ =	shalt  }
0x6e: {  	_ =	shalt  }
0x6f: {  	_ =	shalt  }
0x70: {  	_ =	shalt  }
0x71: {  	_ =	shalt  }
0x72: {  	_ =	shalt  }
0x73: {  	_ =	shalt  }
0x74: {  	_ =	shalt  }
0x75: {  	_ =	shalt  }
0x76: {  	_ =	shalt  }
0x77: {  	_ =	shalt  }
0x78: {  	_ =	shalt  }
0x79: {  	_ =	shalt  }
0x7a: {  	_ =	shalt  }
0x7b: {  	_ =	shalt  }
0x7c: {  	_ =	shalt  }
0x7d: {  	_ =	shalt  }
0x7e: {  	_ =	shalt  }
0x7f: {  	_ =	shalt  }
0x80: {  	_ =	shalt  }
0x81: {  	_ =	shalt  }
0x82: {  	_ =	shalt  }
0x83: {  	_ =	shalt  }
0x84: {  	_ =	shalt  }
0x85: {  	_ =	shalt  }
0x86: {  	_ =	shalt  }
0x87: {  	_ =	shalt  }
.Lfunc_end0:
.L_simem_size_0:
called_computation.2_lowered:
.L_overlay_start_0:
0x88: {  	s2 =	sld [smem:$0x3FD9]  }
0x89: {  	s3 =	sld [smem:$0x3FFE];
	_ =	sdelay $0x1  }
0x8a: {  	s1 =	srdreg.scid  }
0x8b: {  	s0 =	sand.u32 $0x1, s1  }
0x8c: {  	s16 =	sshll.u32 s0, $0xA;
	s2 =	sadd.s32 s3, s2  }
0x8d: {  	s2 =	sadd.s32 s2, s16  }
0x8e: {  	[smem:$0x3FC2] =	sst s2  }
0x8f: {  	_ = 	snop  }
0x90: {  	(tm) =	ssettm $0x1  }
0x91: {  	s17 =	sld [smem:$0x3FFB];
	_ =	sdelay $0x3  }
0x92: {  	_ =	strace s17  }
0x93: {  	s2 =	sld [smem:$0x3FFC];
	_ =	sdelay $0x3  }
0x94: {  	_ =	strace s2  }
0x95: {  	s2 =	sld [smem:$0x3FFD];
	_ =	sdelay $0x3  }
0x96: {  	_ =	strace s2  }
0x97: {  	_ =	strace $0x8FFFFFFF  }
0x98: {  	s18 =	sld [smem:$0x3FDB];
	_ =	sdelay $0x1  }
0x99: {  	s19 =	simm.s32 $_scs_section_size  }
0x9a: {  	s4 =	simm.s32 $_size__tile_overlayer_lowered;
	s5 =	simm.s32 $_tile_overlayer_lowered  }
0x9b: {  	s22 =	simm.s32 $0x1BFF;
	s21 =	sshll.u32 s5, $0x1;
	s2 =	sadd.s32 s19, s18  }
0x9c: {  	s6 =	simm.s32 $0x0;
	s20 =	sshll.u32 s4, $0x1;
	s4 =	sadd.s32 s21, s2  }
0x9d: {  	[timem:s6], [sflag:s22] =	dma.local [hbm:s4], s20  }
0x9e: {  	_ =	swait.ge [sflag:s22], s20  }
0x9f: {  	s3 =	ssub.s32 $0x0, s20;
	[sflag:s22] =	ssyncset.done $0x0  }
0xa0: {  	[sflag:s22] =	ssyncadd.s32 s3;
	_ =	sdelay $0x1  }
0xa1: {  	s23 =	simm.s32 $0x1B8B  }
0xa2: {  	_ =	swait.ge [sflag:s23], $0x1  }
0xa3: {  	[sflag:s23] =	ssyncset.done $0x0  }
0xa4: {  	s25 =	simm.s32 $0x1B8E;
	s24 =	sld [smem:$0x3FFE];
	[sflag:s23] =	ssyncadd.s32 $0xFFFFFFFF  }
0xa5: {  	s26 =	simm.s32 $execute0_lowered;
	[smem:$0x3FD2] =	sst s25  }
0xa6: {  	s4 =	sshll.u32 s26, $0x1;
	_ =	strace $0x8000004C;
	[dreg:$0x1] =	wrdreg $0xFFFFFFFF  }
0xa7: {  	s28 =	simm.s32 $_size_execute0_lowered;
	s2 =	sadd.s32 s2, s4;
	[dreg:$0x0] =	wrdreg $0x0  }
0xa8: {  	s4 =	sshll.u32 s28, $0x1;
	[dreg:$0x2] =	wrdreg s2  }
0xa9: {  	[dreg:$0x3] =	wrdreg s4  }
0xaa: {  	[dreg:$0x4] =	wrdreg $0xC0  }
0xab: {  	_ =	task [dreg:s6], $0x5FFFF  }
0xac: {  	[dreg:$0x1] =	wrdreg $0xFFFFFFFF  }
0xad: {  	[dreg:$0x0] =	wrdreg $0x60  }
0xae: {  	[dreg:$0x2] =	wrdreg s24  }
0xaf: {  	[dreg:$0x3] =	wrdreg $0x63000  }
0xb0: {  	[dreg:$0x4] =	wrdreg $0x9  }
0xb1: {  	_ =	task.clear_ibuf [dreg:s6], $0x5FFFF;
	_ =	strace $0x9000004C  }
0xb2: {  	s29 =	simm.s32 $0x9;
	_ =	strace $0x8000004E  }
0xb3: {  	_ =	swait.ge [sflag:s29], $0x1  }
0xb4: {  	[sflag:s29] =	ssyncadd.s32 $0xFFFFFFFF  }
0xb5: {  	_ =	strace $0x9000004E  }
0xb6: {  	_ =	sfence  }
0xb7: {  	s30 =	sld [smem:$0x0];
	_ =	sdelay $0x2  }
0xb8: {  	s31 =	sshll.u32 s1, $0xD;
	s1 =	sshrl.u32 s1, $0x2  }
0xb9: {  	s3 =	sand.u32 $0x4000, s31;
	s1 =	sadd.s32 s1, s30  }
0xba: {  	s0 =	sor.u32 s3, s0;
	s1 =	sshll.u32 s1, $0x11  }
0xbb: {  	s0 =	sor.u32 s1, s0  }
0xbc: {  	s0 =	sadd.s32 $0x8F2B, s0  }
0xbd: {  	[sflag:s0] =	ssyncadd.remote.s32 $0x1  }
0xbe: {  	_ =	sfence.sel $0xFFFF  }
0xbf: {  	[dreg:$0x0] =	wrdreg $0xFFFFFFFF;
	(pc) =	sbr.abs _section_cstart, $3  }
0xc0: {  	[dreg:$0x1] =	wrdreg $0xFFFFFFFF  }
0xc1: {  	_ =	task.clear_ibuf [dreg:s6], $0x2FFFF;
	_ =	strace $0x9FFFFFFF  }
0xc2: {  	(tm) =	ssettm $0x7FFFFFFF  }
0xc3: {  	_ =	shalt  }
tec
execute0_lowered:
.L_overlay_start_1:
0x0: {  	(tag) =	ssettag $0x1  }
0x1: {  	s0 =	rddreg [dreg:$0x0]  }
0x2: {  	s2 =	rddreg [dreg:$0x1];
	s3 =	simm.s32 $0x0  }
0x3: {  	s7 =	stileid.u32;
	s1 =	srdreg.scid;
	s28 =	simm.s32 $0x200  }
0x4: {  	s29 =	simm.s32 $0x4300;
	s30 =	simm.s32 $0x1;
	s31 =	simm.s32 $0x2  }
0x5: {  	[smem:$0x7FF] =	sst s3;
	s5 =	smul.u32 $0x1440, s7;
	s1 =	sand.u32 $0x1, s1  }
0x6: {  	s4 =	sadd.s32 $0x16400, s0;
	s7 =	smul.u32 $0x9E00, s7;
	s9 =	sadd.s32 $0x2A000, s0  }
0x7: {  	_ =	strace $0x8000004D;
	s6 =	ssub.s32 $0x2, s1;
	s18 =	smul.u32 $0x9E000, s1  }
0x8: {  	s1 =	smul.u32 $0xA20, s1;
	s5 =	sadd.s32 s5, s0;
	s8 =	sshrl.u32 s6, $0x1  }
0x9: {  	s0 =	sadd.s32 $0x3DC00, s0;
	s10 =	sshrl.u32 s7, $0x3;
	s13 =	sadd.s32 $0x2000, s7  }
0xa: {  	s15 =	sadd.s32 $0x4000, s7;
	s16 =	sadd.s32 $0x6000, s7;
	s17 =	sadd.s32 $0x8000, s7  }
0xb: {  	s11 =	ssub.s32 s6, s8;
	s6 =	sadd.s32 s9, s10;
	s12 =	sshrl.u32 s13, $0x3  }
0xc: {  	s10 =	sshrl.u32 s15, $0x3;
	s14 =	sshrl.u32 s17, $0x3;
	s19 =	sadd.s32 s18, s15  }
0xd: {  	s22 =	sadd.s32 s18, s16;
	s23 =	sadd.s32 s18, s17;
	s26 =	sadd.s32 s1, s5  }
0xe: {  	s1 =	simm.s32 $0x3;
	s5 =	simm.s32 $0x280;
	[dreg:$0x3] =	wrdreg s6  }
0xf: {  	s6 =	sadd.s32 s7, s2;
	s8 =	sadd.s32 s9, s12;
	s10 =	sadd.s32 s9, s10  }
0x10: {  	s12 =	sshrl.u32 s16, $0x3;
	s7 =	sadd.s32 s7, s18;
	s21 =	sshrl.u32 s19, $0x3  }
0x11: {  	s24 =	sshrl.u32 s22, $0x3;
	s25 =	sshrl.u32 s23, $0x3;
	s22 =	simm.s32 $0x300  }
0x12: {  	s23 =	simm.s32 $0x7;
	[dreg:$0x4] =	wrdreg s8;
	s8 =	sadd.s32 s13, s2  }
0x13: {  	[dreg:$0x5] =	wrdreg s10;
	s10 =	sadd.s32 s15, s2;
	s12 =	sadd.s32 s9, s12  }
0x14: {  	s9 =	sadd.s32 s9, s14;
	s14 =	sadd.s32 s17, s2;
	s13 =	sadd.s32 s18, s13  }
0x15: {  	s7 =	sshrl.u32 s7, $0x3;
	s19 =	sadd.s32 s0, s25;
	[dreg:$0x6] =	wrdreg s12  }
0x16: {  	s25 =	simm.s32 $0x100;
	s12 =	sadd.s32 s16, s2;
	[dreg:$0x7] =	wrdreg s9  }
0x17: {  	s9 =	sshrl.u32 s13, $0x3;
	s7 =	sadd.s32 s0, s7;
	s13 =	simm.s32 $0x0  }
0x18: {  	[dreg:$0x8] =	wrdreg s7;
	s20 =	sadd.s32 s0, s9;
	s7 =	sadd.s32 s0, s21  }
0x19: {  	s21 =	sadd.s32 $0x2000, s26;
	s26 =	simm.s32 $0x2300;
	[dreg:$0x9] =	wrdreg s20  }
0x1a: {  	s9 =	simm.s32 $0x5;
	[dreg:$0xa] =	wrdreg s7;
	s7 =	sadd.s32 s0, s24  }
0x1b: {  	s20 =	smax.u32 s11, $0x1;
	s24 =	simm.s32 $0x80;
	s0 =	simm.s32 $0x180  }
0x1c: {  	s11 =	simm.s32 $0x6;
	[dreg:$0xb] =	wrdreg s7;
	s7 =	simm.s32 $0x4  }
.LBB2_1:
0x1d: {  	s15 =	rddreg [dreg:$0x3]  }
0x1e: {  	[tilespmem:s22], [sflag:$0x7] =	stream.linear.gather [hbm4b:s15+s3], $0x2000, $0x38;
	[tilespmem:$0x10100] =	vst v63  }
0x1f: {  	_ =	swait.ge [sflag:s23], $0x2000  }
0x20: {  	[sflag:s23] =	ssyncset.done $0x0  }
0x21: {  	[sflag:s23] =	ssyncadd.s32 $0xFFFFE000  }
0x22: {  	[spmem:s6] =	stream.linear.scatter [tilespmem:s22], [sflag:$0x7], $0x2000, $0x38;
	[tilespmem:$0x10100] =	vst v63  }
0x23: {  	_ =	swait.ge [sflag:s23], $0x2000  }
0x24: {  	[sflag:s23] =	ssyncset.done $0x0  }
0x25: {  	s17 =	rddreg [dreg:$0x4];
	[sflag:s23] =	ssyncadd.s32 $0xFFFFE000  }
0x26: {  	[tilespmem:s22], [sflag:$0x7] =	stream.linear.gather [hbm4b:s17+s3], $0x2000, $0x38;
	[tilespmem:$0x10100] =	vst v63  }
0x27: {  	_ =	swait.ge [sflag:s23], $0x2000  }
0x28: {  	[sflag:s23] =	ssyncset.done $0x0  }
0x29: {  	[sflag:s23] =	ssyncadd.s32 $0xFFFFE000  }
0x2a: {  	[spmem:s8] =	stream.linear.scatter [tilespmem:s22], [sflag:$0x7], $0x2000, $0x38;
	[tilespmem:$0x10100] =	vst v63  }
0x2b: {  	_ =	swait.ge [sflag:s23], $0x2000  }
0x2c: {  	[sflag:s23] =	ssyncset.done $0x0  }
0x2d: {  	s18 =	rddreg [dreg:$0x5];
	[sflag:s23] =	ssyncadd.s32 $0xFFFFE000  }
0x2e: {  	[tilespmem:s22], [sflag:$0x7] =	stream.linear.gather [hbm4b:s18+s3], $0x2000, $0x38;
	[tilespmem:$0x10100] =	vst v63  }
0x2f: {  	_ =	swait.ge [sflag:s23], $0x2000  }
0x30: {  	[sflag:s23] =	ssyncset.done $0x0  }
0x31: {  	[sflag:s23] =	ssyncadd.s32 $0xFFFFE000  }
0x32: {  	[spmem:s10] =	stream.linear.scatter [tilespmem:s22], [sflag:$0x7], $0x2000, $0x38;
	[tilespmem:$0x10100] =	vst v63  }
0x33: {  	_ =	swait.ge [sflag:s23], $0x2000  }
0x34: {  	[sflag:s23] =	ssyncset.done $0x0  }
0x35: {  	s16 =	rddreg [dreg:$0x6];
	[sflag:s23] =	ssyncadd.s32 $0xFFFFE000  }
0x36: {  	[tilespmem:s22], [sflag:$0x7] =	stream.linear.gather [hbm4b:s16+s3], $0x2000, $0x38;
	[tilespmem:$0x10100] =	vst v63  }
0x37: {  	_ =	swait.ge [sflag:s23], $0x2000  }
0x38: {  	[sflag:s23] =	ssyncset.done $0x0  }
0x39: {  	[sflag:s23] =	ssyncadd.s32 $0xFFFFE000  }
0x3a: {  	[spmem:s12] =	stream.linear.scatter [tilespmem:s22], [sflag:$0x7], $0x2000, $0x38;
	[tilespmem:$0x10100] =	vst v63  }
0x3b: {  	_ =	swait.ge [sflag:s23], $0x2000  }
0x3c: {  	[sflag:s23] =	ssyncset.done $0x0  }
0x3d: {  	s17 =	rddreg [dreg:$0x7];
	[sflag:s23] =	ssyncadd.s32 $0xFFFFE000  }
0x3e: {  	[tilespmem:s22], [sflag:$0x7] =	stream.linear.gather [hbm4b:s17+s3], $0x1E00, $0x38;
	[tilespmem:$0x10100] =	vst v63  }
0x3f: {  	_ =	swait.ge [sflag:s23], $0x1E00  }
0x40: {  	[sflag:s23] =	ssyncset.done $0x0  }
0x41: {  	[sflag:s23] =	ssyncadd.s32 $0xFFFFE200  }
0x42: {  	[spmem:s14] =	stream.linear.scatter [tilespmem:s22], [sflag:$0x7], $0x1E00, $0x38;
	[tilespmem:$0x10100] =	vst v63  }
0x43: {  	_ =	swait.ge [sflag:s23], $0x1E00  }
0x44: {  	[sflag:s23] =	ssyncset.done $0x0  }
0x45: {  	[sflag:s23] =	ssyncadd.s32 $0xFFFFE200  }
0x46: {  	s18 =	sadd.s32 $0x0, s21;
	[bflag:$0x0] =	sbarrier.arrive $0xFFFF  }
0x47: {  	[tilespmem:s3], [sflag:$0x7] =	stream.linear.gather [hbm4b:s18+s3], $0x100, $0x38;
	[tilespmem:$0x10100] =	vst v63  }
0x48: {  	_ =	swait.ge [sflag:s23], $0x100  }
0x49: {  	[sflag:s23] =	ssyncset.done $0x0  }
0x4a: {  	[sflag:s23] =	ssyncadd.s32 $0xFFFFFF00  }
0x4b: {  	[tilespmem:s22], [sflag:$0x1] =	stream.indirect.gather [hbm4b:s4+s24], $0x40, s3, s24, $0xb8;
	[tilespmem:$0x10100] =	vst v63  }
0x4c: {  	s16 =	sadd.s32 $0x20, s18  }
0x4d: {  	[tilespmem:s25], [sflag:$0x7] =	stream.linear.gather [hbm4b:s16+s3], $0x100, $0x38;
	[tilespmem:$0x10100] =	vst v63  }
0x4e: {  	_ =	swait.ge [sflag:s23], $0x100  }
0x4f: {  	[sflag:s23] =	ssyncset.done $0x0  }
0x50: {  	[sflag:s23] =	ssyncadd.s32 $0xFFFFFF00  }
0x51: {  	[tilespmem:s26], [sflag:$0x2] =	stream.indirect.gather [hbm4b:s4+s24], $0x40, s25, s24, $0xb8;
	[tilespmem:$0x10100] =	vst v63  }
0x52: {  	s15 =	sadd.s32 $0x40, s18  }
0x53: {  	[tilespmem:s28], [sflag:$0x7] =	stream.linear.gather [hbm4b:s15+s3], $0x100, $0x38;
	[tilespmem:$0x10100] =	vst v63  }
0x54: {  	_ =	swait.ge [sflag:s23], $0x100  }
0x55: {  	[sflag:s23] =	ssyncset.done $0x0  }
0x56: {  	[sflag:s23] =	ssyncadd.s32 $0xFFFFFF00  }
0x57: {  	[tilespmem:s29], [sflag:$0x3] =	stream.indirect.gather [hbm4b:s4+s24], $0x40, s28, s24, $0xb8;
	[tilespmem:$0x10100] =	vst v63  }
0x58: {  	_ =	swait.ge [sflag:s30], $0x2000  }
0x59: {  	[sflag:s30] =	ssyncset.done $0x0  }
0x5a: {  	[sflag:s30] =	ssyncadd.s32 $0xFFFFE000  }
0x5b: {  	[spmem:s2] =	stream.indirect.scatter.add.f32 [tilespmem:s22], [sflag:$0x4], $0x40, s24, s24, $0xb8;
	[tilespmem:$0x10100] =	vst v63  }
0x5c: {  	_ =	swait.ge [sflag:s31], $0x2000  }
0x5d: {  	[sflag:s31] =	ssyncset.done $0x0  }
0x5e: {  	[sflag:s31] =	ssyncadd.s32 $0xFFFFE000  }
0x5f: {  	[spmem:s2] =	stream.indirect.scatter.add.f32 [tilespmem:s26], [sflag:$0x5], $0x40, s0, s24, $0xb8;
	[tilespmem:$0x10100] =	vst v63  }
0x60: {  	_ =	swait.ge [sflag:s1], $0x2000  }
0x61: {  	[sflag:s1] =	ssyncset.done $0x0  }
0x62: {  	[sflag:s1] =	ssyncadd.s32 $0xFFFFE000  }
0x63: {  	[spmem:s2] =	stream.indirect.scatter.add.f32 [tilespmem:s29], [sflag:$0x6], $0x40, s5, s24, $0xb8;
	[tilespmem:$0x10100] =	vst v63  }
0x64: {  	_ =	swait.ge [sflag:s7], $0x2000  }
0x65: {  	[sflag:s7] =	ssyncset.done $0x0  }
0x66: {  	[sflag:s7] =	ssyncadd.s32 $0xFFFFE000  }
0x67: {  	_ =	swait.ge [sflag:s9], $0x2000  }
0x68: {  	[sflag:s9] =	ssyncset.done $0x0  }
0x69: {  	[sflag:s9] =	ssyncadd.s32 $0xFFFFE000  }
0x6a: {  	_ =	swait.ge [sflag:s11], $0x2000  }
0x6b: {  	s16 =	simm.s32 $0xC0;
	s15 =	simm.s32 $0x60;
	[sflag:s11] =	ssyncset.done $0x0  }
.LBB2_2:
0x6c: {  	s18 =	sadd.s32 s15, s21  }
0x6d: {  	[sflag:s11] =	ssyncadd.s32 $0xFFFFE000;
	s15 =	smov.u32 s16;
	s17 =	sadd.s32 $0x60, s16  }
0x6e: {  	[tilespmem:s3], [sflag:$0x7] =	stream.linear.gather [hbm4b:s18+s3], $0x100, $0x38;
	[tilespmem:$0x10100] =	vst v63  }
0x6f: {  	p0 =	sne.s32 s16, $0x9C0;
	_ =	swait.ge [sflag:s23], $0x100  }
0x70: {  	[sflag:s23] =	ssyncset.done $0x0  }
0x71: {  	[sflag:s23] =	ssyncadd.s32 $0xFFFFFF00  }
0x72: {  	[tilespmem:s22], [sflag:$0x1] =	stream.indirect.gather [hbm4b:s4+s24], $0x40, s3, s24, $0xb8;
	[tilespmem:$0x10100] =	vst v63  }
0x73: {  	s16 =	sadd.s32 $0x20, s18  }
0x74: {  	[tilespmem:s25], [sflag:$0x7] =	stream.linear.gather [hbm4b:s16+s3], $0x100, $0x38;
	[tilespmem:$0x10100] =	vst v63  }
0x75: {  	_ =	swait.ge [sflag:s23], $0x100  }
0x76: {  	[sflag:s23] =	ssyncset.done $0x0  }
0x77: {  	[sflag:s23] =	ssyncadd.s32 $0xFFFFFF00  }
0x78: {  	[tilespmem:s26], [sflag:$0x2] =	stream.indirect.gather [hbm4b:s4+s24], $0x40, s25, s24, $0xb8;
	[tilespmem:$0x10100] =	vst v63  }
0x79: {  	s16 =	sadd.s32 $0x40, s18  }
0x7a: {  	[tilespmem:s28], [sflag:$0x7] =	stream.linear.gather [hbm4b:s16+s3], $0x100, $0x38;
	[tilespmem:$0x10100] =	vst v63  }
0x7b: {  	_ =	swait.ge [sflag:s23], $0x100  }
0x7c: {  	[sflag:s23] =	ssyncset.done $0x0  }
0x7d: {  	[sflag:s23] =	ssyncadd.s32 $0xFFFFFF00  }
0x7e: {  	[tilespmem:s29], [sflag:$0x3] =	stream.indirect.gather [hbm4b:s4+s24], $0x40, s28, s24, $0xb8;
	[tilespmem:$0x10100] =	vst v63  }
0x7f: {  	_ =	swait.ge [sflag:s30], $0x2000  }
0x80: {  	[sflag:s30] =	ssyncset.done $0x0  }
0x81: {  	[sflag:s30] =	ssyncadd.s32 $0xFFFFE000  }
0x82: {  	[spmem:s2] =	stream.indirect.scatter.add.f32 [tilespmem:s22], [sflag:$0x4], $0x40, s24, s24, $0xb8;
	[tilespmem:$0x10100] =	vst v63  }
0x83: {  	_ =	swait.ge [sflag:s31], $0x2000  }
0x84: {  	[sflag:s31] =	ssyncset.done $0x0  }
0x85: {  	[sflag:s31] =	ssyncadd.s32 $0xFFFFE000  }
0x86: {  	[spmem:s2] =	stream.indirect.scatter.add.f32 [tilespmem:s26], [sflag:$0x5], $0x40, s0, s24, $0xb8;
	[tilespmem:$0x10100] =	vst v63  }
0x87: {  	_ =	swait.ge [sflag:s1], $0x2000  }
0x88: {  	[sflag:s1] =	ssyncset.done $0x0  }
0x89: {  	[sflag:s1] =	ssyncadd.s32 $0xFFFFE000  }
0x8a: {  	[spmem:s2] =	stream.indirect.scatter.add.f32 [tilespmem:s29], [sflag:$0x6], $0x40, s5, s24, $0xb8;
	[tilespmem:$0x10100] =	vst v63  }
0x8b: {  	_ =	swait.ge [sflag:s7], $0x2000  }
0x8c: {  	[sflag:s7] =	ssyncset.done $0x0  }
0x8d: {  	[sflag:s7] =	ssyncadd.s32 $0xFFFFE000  }
.Ltmp0:
0x8e: {  	_ =	swait.ge [sflag:s9], $0x2000;
	(pc) =	sbr.rel @p0 .LBB2_2-.Ltmp0, $4  }
0x8f: {  	[sflag:s9] =	ssyncset.done $0x0  }
0x90: {  	[sflag:s9] =	ssyncadd.s32 $0xFFFFE000  }
0x91: {  	_ =	swait.ge [sflag:s11], $0x2000  }
0x92: {  	s16 =	smov.u32 s17;
	[sflag:s11] =	ssyncset.done $0x0  }
0x93: {  	s15 =	sadd.s32 s15, s21;
	[sflag:s11] =	ssyncadd.s32 $0xFFFFE000  }
0x94: {  	[tilespmem:s3], [sflag:$0x7] =	stream.linear.gather [hbm4b:s15+s3], $0x100, $0x38;
	[tilespmem:$0x10100] =	vst v63  }
0x95: {  	_ =	swait.ge [sflag:s23], $0x100  }
0x96: {  	[sflag:s23] =	ssyncset.done $0x0  }
0x97: {  	[sflag:s23] =	ssyncadd.s32 $0xFFFFFF00  }
0x98: {  	[tilespmem:s22], [sflag:$0x1] =	stream.indirect.gather [hbm4b:s4+s24], $0x40, s3, s24, $0xb8;
	[tilespmem:$0x10100] =	vst v63  }
0x99: {  	s16 =	sadd.s32 $0x20, s15  }
0x9a: {  	[tilespmem:s25], [sflag:$0x7] =	stream.linear.gather [hbm4b:s16+s3], $0x100, $0x38;
	[tilespmem:$0x10100] =	vst v63  }
0x9b: {  	_ =	swait.ge [sflag:s23], $0x100  }
0x9c: {  	[sflag:s23] =	ssyncset.done $0x0  }
0x9d: {  	[sflag:s23] =	ssyncadd.s32 $0xFFFFFF00  }
0x9e: {  	[tilespmem:s26], [sflag:$0x2] =	stream.indirect.gather [hbm4b:s4+s24], $0x40, s25, s24, $0xb8;
	[tilespmem:$0x10100] =	vst v63  }
0x9f: {  	s15 =	sadd.s32 $0x40, s15  }
0xa0: {  	[tilespmem:s28], [sflag:$0x7] =	stream.linear.gather [hbm4b:s15+s3], $0x100, $0x38;
	[tilespmem:$0x10100] =	vst v63  }
0xa1: {  	_ =	swait.ge [sflag:s23], $0x100  }
0xa2: {  	[sflag:s23] =	ssyncset.done $0x0  }
0xa3: {  	[sflag:s23] =	ssyncadd.s32 $0xFFFFFF00  }
0xa4: {  	[tilespmem:s29], [sflag:$0x3] =	stream.indirect.gather [hbm4b:s4+s24], $0x40, s28, s24, $0xb8;
	[tilespmem:$0x10100] =	vst v63  }
0xa5: {  	_ =	swait.ge [sflag:s30], $0x2000  }
0xa6: {  	[sflag:s30] =	ssyncset.done $0x0  }
0xa7: {  	[sflag:s30] =	ssyncadd.s32 $0xFFFFE000  }
0xa8: {  	[spmem:s2] =	stream.indirect.scatter.add.f32 [tilespmem:s22], [sflag:$0x4], $0x40, s24, s24, $0xb8;
	[tilespmem:$0x10100] =	vst v63  }
0xa9: {  	_ =	swait.ge [sflag:s31], $0x2000  }
0xaa: {  	[sflag:s31] =	ssyncset.done $0x0  }
0xab: {  	[sflag:s31] =	ssyncadd.s32 $0xFFFFE000  }
0xac: {  	[spmem:s2] =	stream.indirect.scatter.add.f32 [tilespmem:s26], [sflag:$0x5], $0x40, s0, s24, $0xb8;
	[tilespmem:$0x10100] =	vst v63  }
0xad: {  	_ =	swait.ge [sflag:s1], $0x2000  }
0xae: {  	[sflag:s1] =	ssyncset.done $0x0  }
0xaf: {  	[sflag:s1] =	ssyncadd.s32 $0xFFFFE000  }
0xb0: {  	[spmem:s2] =	stream.indirect.scatter.add.f32 [tilespmem:s29], [sflag:$0x6], $0x40, s5, s24, $0xb8;
	[tilespmem:$0x10100] =	vst v63  }
0xb1: {  	_ =	swait.ge [sflag:s7], $0x2000  }
0xb2: {  	[sflag:s7] =	ssyncset.done $0x0  }
0xb3: {  	[sflag:s7] =	ssyncadd.s32 $0xFFFFE000  }
0xb4: {  	_ =	swait.ge [sflag:s9], $0x2000  }
0xb5: {  	[sflag:s9] =	ssyncset.done $0x0  }
0xb6: {  	[sflag:s9] =	ssyncadd.s32 $0xFFFFE000  }
0xb7: {  	_ =	swait.ge [sflag:s11], $0x2000  }
0xb8: {  	[sflag:s11] =	ssyncset.done $0x0  }
0xb9: {  	[sflag:s11] =	ssyncadd.s32 $0xFFFFE000  }
0xba: {  	[bflag:$0x0] =	sbarrier.arrive $0xFFFF  }
0xbb: {  	[tilespmem:s22], [sflag:$0x7] =	stream.linear.gather [spmem:s6], $0x2000, $0x38;
	[tilespmem:$0x10100] =	vst v63  }
0xbc: {  	_ =	swait.ge [sflag:s23], $0x2000  }
0xbd: {  	[sflag:s23] =	ssyncset.done $0x0  }
0xbe: {  	s18 =	rddreg [dreg:$0x8];
	[sflag:s23] =	ssyncadd.s32 $0xFFFFE000  }
0xbf: {  	[hbm4b:s18+s3] =	stream.linear.scatter [tilespmem:s22], [sflag:$0x1], $0x2000, $0x38;
	[tilespmem:$0x10100] =	vst v63  }
0xc0: {  	_ = 	snop  }
0xc1: {  	[tilespmem:s26], [sflag:$0x7] =	stream.linear.gather [spmem:s8], $0x2000, $0x38;
	[tilespmem:$0x10100] =	vst v63  }
0xc2: {  	_ =	swait.ge [sflag:s23], $0x2000  }
0xc3: {  	[sflag:s23] =	ssyncset.done $0x0  }
0xc4: {  	s16 =	rddreg [dreg:$0x9];
	[sflag:s23] =	ssyncadd.s32 $0xFFFFE000  }
0xc5: {  	[hbm4b:s16+s3] =	stream.linear.scatter [tilespmem:s26], [sflag:$0x2], $0x2000, $0x38;
	[tilespmem:$0x10100] =	vst v63  }
0xc6: {  	_ =	swait.ge [sflag:s30], $0x2000  }
0xc7: {  	[sflag:s30] =	ssyncset.done $0x0  }
0xc8: {  	[sflag:s30] =	ssyncadd.s32 $0xFFFFE000  }
0xc9: {  	[tilespmem:s22], [sflag:$0x7] =	stream.linear.gather [spmem:s10], $0x2000, $0x38;
	[tilespmem:$0x10100] =	vst v63  }
0xca: {  	_ =	swait.ge [sflag:s23], $0x2000  }
0xcb: {  	[sflag:s23] =	ssyncset.done $0x0  }
0xcc: {  	s17 =	rddreg [dreg:$0xa];
	[sflag:s23] =	ssyncadd.s32 $0xFFFFE000  }
0xcd: {  	[hbm4b:s17+s3] =	stream.linear.scatter [tilespmem:s22], [sflag:$0x1], $0x2000, $0x38;
	[tilespmem:$0x10100] =	vst v63  }
0xce: {  	_ =	swait.ge [sflag:s31], $0x2000  }
0xcf: {  	[sflag:s31] =	ssyncset.done $0x0  }
0xd0: {  	[sflag:s31] =	ssyncadd.s32 $0xFFFFE000  }
0xd1: {  	[tilespmem:s26], [sflag:$0x7] =	stream.linear.gather [spmem:s12], $0x2000, $0x38;
	[tilespmem:$0x10100] =	vst v63  }
0xd2: {  	_ =	swait.ge [sflag:s23], $0x2000  }
0xd3: {  	[sflag:s23] =	ssyncset.done $0x0  }
0xd4: {  	s18 =	rddreg [dreg:$0xb];
	[sflag:s23] =	ssyncadd.s32 $0xFFFFE000  }
0xd5: {  	[hbm4b:s18+s3] =	stream.linear.scatter [tilespmem:s26], [sflag:$0x2], $0x2000, $0x38;
	[tilespmem:$0x10100] =	vst v63  }
0xd6: {  	_ =	swait.ge [sflag:s30], $0x2000  }
0xd7: {  	[sflag:s30] =	ssyncset.done $0x0  }
0xd8: {  	[sflag:s30] =	ssyncadd.s32 $0xFFFFE000  }
0xd9: {  	[tilespmem:s22], [sflag:$0x7] =	stream.linear.gather [spmem:s14], $0x1E00, $0x38;
	[tilespmem:$0x10100] =	vst v63  }
0xda: {  	_ =	swait.ge [sflag:s23], $0x1E00  }
0xdb: {  	[sflag:s23] =	ssyncset.done $0x0  }
0xdc: {  	s13 =	sadd.s32 $0x1, s13;
	[sflag:s23] =	ssyncadd.s32 $0xFFFFE200  }
0xdd: {  	[hbm4b:s19+s3] =	stream.linear.scatter [tilespmem:s22], [sflag:$0x1], $0x1E00, $0x38;
	[tilespmem:$0x10100] =	vst v63  }
0xde: {  	p0 =	sne.s32 s13, s20;
	_ =	swait.ge [sflag:s31], $0x2000  }
.Ltmp1:
0xdf: {  	[sflag:s31] =	ssyncset.done $0x0;
	(pc) =	sbr.rel @p0 .LBB2_1-.Ltmp1, $4  }
0xe0: {  	[sflag:s31] =	ssyncadd.s32 $0xFFFFE000  }
0xe1: {  	_ =	swait.ge [sflag:s30], $0x1E00  }
0xe2: {  	[sflag:s30] =	ssyncset.done $0x0  }
0xe3: {  	[sflag:s30] =	ssyncadd.s32 $0xFFFFE200  }
0xe4: {  	_ =	sfence.sel $0x180000  }
0xe5: {  	[bflag:$0x0] =	sbarrier.arrive $0xFFFF  }
0xe6: {  	_ =	strace $0x9000004D  }
0xe7: {  	s0 =	stileid.u32;
	[bflag:$0x2] =	sbarrier.arrive $0xFFFF  }
0xe8: {  	p0 =	sne.s32 s0, $0x0;
	s0 =	rddreg [dreg:$0x2]  }
0xe9: {  	s0 =	sadd.s32 @!p0 $0x100000, s0  }
0xea: {  	[sflag:s0] =	ssyncadd.tile.s32 @!p0 $0x1;
	_ =	shalt  }
.Lfunc_end2:
_tile_overlayer_lowered:
.L_overlay_start_2:
0xeb: {  	(tag) =	ssettag $0x2  }
0xec: {  	s0 =	rddreg [dreg:$0x0];
	s2 =	stileid.u32  }
0xed: {  	s1 =	rddreg [dreg:$0x1];
	p0 =	sne.s32 s2, $0x0  }
0xee: {  	s3 =	rddreg [dreg:$0x2];
	[bflag:$0x3] =	sbarrier.arrive $0xFFFF;
	s2 =	simm.s32 @!p0 $0x1C07  }
0xef: {  	[timem:s3], [sflag:s2] =	dma.local @!p0 [hbm:s0], s1  }
0xf0: {  	s0 =	simm.s32 @!p0 $0x7  }
0xf1: {  	_ =	swait.ge @!p0 [sflag:s0], s1  }
0xf2: {  	s1 =	ssub.s32 @!p0 $0x0, s1;
	[sflag:s0] =	ssyncset.done @!p0 $0x0  }
0xf3: {  	[sflag:s0] =	ssyncadd.s32 @!p0 s1  }
0xf4: {  	[bflag:$0x3] =	sbarrier.arrive $0xFFFF  }
0xf5: {  	_ =	shalt  }

// kernel: kernel.9.cloned.1.call-start
scs
__scs_entry_jumppad:
0x0: {  	(pc) =	sbr.rel $0x88, $3  }
0x1: {  	(tag) =	ssettag $0x0;
	lr =	simm.s32 $0x1  }
0x2: {  	[smem:$0x3F9B] =	sst lr;
	_ =	strace $0xD0000000  }
0x3: {  	_ = 	snop  }
0x4: {  	_ = 	snop  }
0x5: {  	_ = 	snop  }
0x6: {  	_ = 	snop  }
0x7: {  	_ = 	snop  }
__scs_overlays_trampoline_lowered:
0x8: {  	[smem:$0x3FAA] =	sst s0  }
0x9: {  	[smem:$0x3FAB] =	sst s1  }
0xa: {  	[smem:$0x3FAC] =	sst s2  }
0xb: {  	[smem:$0x3FAD] =	sst s3  }
0xc: {  	[smem:$0x3FAE] =	sst s4  }
0xd: {  	[smem:$0x3FAF] =	sst s5  }
0xe: {  	[smem:$0x3FB0] =	sst s6  }
0xf: {  	[smem:$0x3FB1] =	sst s7  }
0x10: {  	[smem:$0x3FB2] =	sst s8  }
0x11: {  	[smem:$0x3FB3] =	sst s9;
	s0 =	simm.s32 @!p0 $0x0  }
0x12: {  	s1 =	sld [smem:$0x3F99];
	s0 =	simm.s32 @p0 $0x1  }
0x13: {  	[smem:$0x3FB4] =	sst s0;
	s0 =	simm.s32 @!p1 $0x0  }
0x14: {  	s2 =	sld [smem:$0x3F98];
	s0 =	simm.s32 @p1 $0x1  }
0x15: {  	[smem:$0x3FB5] =	sst s0;
	s0 =	simm.s32 @!p2 $0x0  }
0x16: {  	s3 =	sld [smem:$0x3FDB];
	s0 =	simm.s32 @p2 $0x1  }
0x17: {  	s4 =	simm.s32 $0x1BF5;
	[smem:$0x3FB7] =	sst s0  }
0x18: {  	s0 =	sld [smem:$0x3F9A];
	_ =	swait.ge [sflag:s4], $0x0  }
0x19: {  	s7 =	sld [smem:$0x3F9B]  }
0x1a: {  	s8 =	sadd.s32 $0xFFFFE003, lr  }
0x1b: {  	s9 =	sadd.s32 $0xFFFFFEF7, lr;
	s5 =	simm.s32 $0xFFFFFFFF;
	p2 =	slt.u32 s8, $0xFFFFF086  }
0x1c: {  	p1 =	slt.u32 s9, $0xF7A;
	s5 =	simm.s32 @!p2 $0x0  }
0x1d: {  	s5 =	simm.s32 @p1 $0x1;
	p0 =	seq.s32 s7, s2  }
0x1e: {  	s7 =	smul.u32 @!p0 $0xF7A, s2;
	p2 =	seq.s32 @!p0 s5, $0x0  }
0x1f: {  	s9 =	smul.u32 $0xF7A, s1;
	s8 =	simm.s32 @!p0 $0x1BF5;
	p2 =	por !p2, p0  }
0x20: {  	[sflag:s8] =	ssyncset.s32 @!p0 $0xFFFFF086;
	s6 =	sadd.s32 @!p0 s3, s7;
	s7 =	simm.s32 @!p0 $0x108  }
0x21: {  	s3 =	sadd.s32 s3, s9;
	s6 =	sadd.s32 @!p0 $0x88, s6;
	s7 =	simm.s32 @p2 $0x1082  }
0x22: {  	[simem:s7], [sflag:s8] =	dma.local @!p0 [hbm:s6], $0xF7A  }
0x23: {  	s9 =	sor.u32 $0xD0000000, s2;
	s6 =	simm.s32 $0x108;
	_ =	swait.ge @!p0 [sflag:s8], $0x0  }
0x24: {  	s3 =	sadd.s32 $0x88, s3;
	s6 =	simm.s32 @!p1 $0x1082;
	[sflag:s4] =	ssyncset.s32 $0xFFFFF086  }
0x25: {  	[simem:s6], [sflag:s4] =	dma.local [hbm:s3], $0xF7A  }
0x26: {  	[smem:$0x3F9B] =	sst s1;
	(tag) =	ssettag s2;
	_ =	strace s9  }
0x27: {  	s1 =	sld [smem:$0x3FAB]  }
0x28: {  	s2 =	sld [smem:$0x3FAC]  }
0x29: {  	s4 =	sld [smem:$0x3FAE]  }
0x2a: {  	p0 =	seq.s32 s5, $0x0;
	s5 =	sld [smem:$0x3FAF]  }
0x2b: {  	s6 =	sld [smem:$0x3FB0]  }
0x2c: {  	s7 =	sld [smem:$0x3FB1]  }
0x2d: {  	s3 =	simm.s32 $0x108;
	s8 =	sld [smem:$0x3FB2]  }
0x2e: {  	s3 =	simm.s32 @!p0 $0x1082;
	s9 =	sld [smem:$0x3FB3]  }
0x2f: {  	lr =	sadd.s32 s0, s3;
	s0 =	sld [smem:$0x3FAA]  }
0x30: {  	s3 =	sld [smem:$0x3FAD]  }
0x31: {  	[smem:$0x3FB6] =	sst s10  }
0x32: {  	s10 =	sld [smem:$0x3FB4];
	_ =	sdelay $0x3  }
0x33: {  	p0 =	seq.s32 s10, $0x1;
	s10 =	sld [smem:$0x3FB6];
	_ =	sdelay $0x3  }
0x34: {  	[smem:$0x3FB6] =	sst s10  }
0x35: {  	s10 =	sld [smem:$0x3FB5];
	_ =	sdelay $0x3  }
0x36: {  	p1 =	seq.s32 s10, $0x1;
	s10 =	sld [smem:$0x3FB6];
	_ =	sdelay $0x3  }
0x37: {  	[smem:$0x3FB6] =	sst s10  }
0x38: {  	s10 =	sld [smem:$0x3FB7]  }
0x39: {  	_ = 	snop;
	(pc) =	sbr.ind lr, $3  }
0x3a: {  	_ = 	snop  }
0x3b: {  	_ = 	snop  }
0x3c: {  	p2 =	seq.s32 s10, $0x1;
	s10 =	sld [smem:$0x3FB6]  }
0x3d: {  	_ =	shalt  }
0x3e: {  	_ =	shalt  }
0x3f: {  	_ =	shalt  }
0x40: {  	_ =	shalt  }
0x41: {  	_ =	shalt  }
0x42: {  	_ =	shalt  }
0x43: {  	_ =	shalt  }
0x44: {  	_ =	shalt  }
0x45: {  	_ =	shalt  }
0x46: {  	_ =	shalt  }
0x47: {  	_ =	shalt  }
0x48: {  	_ =	shalt  }
0x49: {  	_ =	shalt  }
0x4a: {  	_ =	shalt  }
0x4b: {  	_ =	shalt  }
0x4c: {  	_ =	shalt  }
0x4d: {  	_ =	shalt  }
0x4e: {  	_ =	shalt  }
0x4f: {  	_ =	shalt  }
0x50: {  	_ =	shalt  }
0x51: {  	_ =	shalt  }
0x52: {  	_ =	shalt  }
0x53: {  	_ =	shalt  }
0x54: {  	_ =	shalt  }
0x55: {  	_ =	shalt  }
0x56: {  	_ =	shalt  }
0x57: {  	_ =	shalt  }
0x58: {  	_ =	shalt  }
0x59: {  	_ =	shalt  }
0x5a: {  	_ =	shalt  }
0x5b: {  	_ =	shalt  }
0x5c: {  	_ =	shalt  }
0x5d: {  	_ =	shalt  }
0x5e: {  	_ =	shalt  }
0x5f: {  	_ =	shalt  }
0x60: {  	_ =	shalt  }
0x61: {  	_ =	shalt  }
0x62: {  	_ =	shalt  }
0x63: {  	_ =	shalt  }
0x64: {  	_ =	shalt  }
0x65: {  	_ =	shalt  }
0x66: {  	_ =	shalt  }
0x67: {  	_ =	shalt  }
0x68: {  	_ =	shalt  }
0x69: {  	_ =	shalt  }
0x6a: {  	_ =	shalt  }
0x6b: {  	_ =	shalt  }
0x6c: {  	_ =	shalt  }
0x6d: {  	_ =	shalt  }
0x6e: {  	_ =	shalt  }
0x6f: {  	_ =	shalt  }
0x70: {  	_ =	shalt  }
0x71: {  	_ =	shalt  }
0x72: {  	_ =	shalt  }
0x73: {  	_ =	shalt  }
0x74: {  	_ =	shalt  }
0x75: {  	_ =	shalt  }
0x76: {  	_ =	shalt  }
0x77: {  	_ =	shalt  }
0x78: {  	_ =	shalt  }
0x79: {  	_ =	shalt  }
0x7a: {  	_ =	shalt  }
0x7b: {  	_ =	shalt  }
0x7c: {  	_ =	shalt  }
0x7d: {  	_ =	shalt  }
0x7e: {  	_ =	shalt  }
0x7f: {  	_ =	shalt  }
0x80: {  	_ =	shalt  }
0x81: {  	_ =	shalt  }
0x82: {  	_ =	shalt  }
0x83: {  	_ =	shalt  }
0x84: {  	_ =	shalt  }
0x85: {  	_ =	shalt  }
0x86: {  	_ =	shalt  }
0x87: {  	_ =	shalt  }
.Lfunc_end0:
.L_simem_size_0:
called_computation_lowered:
.L_overlay_start_0:
0x88: {  	s2 =	sld [smem:$0x3FD9]  }
0x89: {  	s3 =	sld [smem:$0x3FFE];
	_ =	sdelay $0x1  }
0x8a: {  	s1 =	srdreg.scid  }
0x8b: {  	s0 =	sand.u32 $0x1, s1  }
0x8c: {  	s16 =	sshll.u32 s0, $0xA;
	s2 =	sadd.s32 s3, s2  }
0x8d: {  	s2 =	sadd.s32 s2, s16  }
0x8e: {  	[smem:$0x3FC2] =	sst s2  }
0x8f: {  	_ = 	snop  }
0x90: {  	(tm) =	ssettm $0x1  }
0x91: {  	s17 =	sld [smem:$0x3FFB];
	_ =	sdelay $0x3  }
0x92: {  	_ =	strace s17  }
0x93: {  	s2 =	sld [smem:$0x3FFC];
	_ =	sdelay $0x3  }
0x94: {  	_ =	strace s2  }
0x95: {  	s2 =	sld [smem:$0x3FFD];
	_ =	sdelay $0x3  }
0x96: {  	_ =	strace s2  }
0x97: {  	_ =	strace $0x8FFFFFFF  }
0x98: {  	s18 =	sld [smem:$0x3FDB];
	_ =	sdelay $0x1  }
0x99: {  	s19 =	simm.s32 $_scs_section_size  }
0x9a: {  	s4 =	simm.s32 $_size__tile_overlayer_lowered;
	s5 =	simm.s32 $_tile_overlayer_lowered  }
0x9b: {  	s22 =	simm.s32 $0x1BFF;
	s21 =	sshll.u32 s5, $0x1;
	s2 =	sadd.s32 s19, s18  }
0x9c: {  	s6 =	simm.s32 $0x0;
	s20 =	sshll.u32 s4, $0x1;
	s4 =	sadd.s32 s21, s2  }
0x9d: {  	[timem:s6], [sflag:s22] =	dma.local [hbm:s4], s20  }
0x9e: {  	_ =	swait.ge [sflag:s22], s20  }
0x9f: {  	s3 =	ssub.s32 $0x0, s20;
	[sflag:s22] =	ssyncset.done $0x0  }
0xa0: {  	[sflag:s22] =	ssyncadd.s32 s3;
	_ =	sdelay $0x1  }
0xa1: {  	s23 =	simm.s32 $0x1B8B  }
0xa2: {  	_ =	swait.ge [sflag:s23], $0x1  }
0xa3: {  	[sflag:s23] =	ssyncset.done $0x0  }
0xa4: {  	s25 =	simm.s32 $0x1B8E;
	s24 =	sld [smem:$0x3FFE];
	[sflag:s23] =	ssyncadd.s32 $0xFFFFFFFF  }
0xa5: {  	s26 =	simm.s32 $execute0_lowered;
	[smem:$0x3FD2] =	sst s25  }
0xa6: {  	s4 =	sshll.u32 s26, $0x1;
	_ =	strace $0x80000046;
	[dreg:$0x1] =	wrdreg $0xFFFFFFFF  }
0xa7: {  	s28 =	simm.s32 $_size_execute0_lowered;
	s2 =	sadd.s32 s2, s4;
	[dreg:$0x0] =	wrdreg $0x0  }
0xa8: {  	s4 =	sshll.u32 s28, $0x1;
	[dreg:$0x2] =	wrdreg s2  }
0xa9: {  	[dreg:$0x3] =	wrdreg s4  }
0xaa: {  	[dreg:$0x4] =	wrdreg $0xC0  }
0xab: {  	_ =	task [dreg:s6], $0x5FFFF  }
0xac: {  	[dreg:$0x1] =	wrdreg $0xFFFFFFFF  }
0xad: {  	[dreg:$0x0] =	wrdreg $0x60  }
0xae: {  	[dreg:$0x2] =	wrdreg s24  }
0xaf: {  	[dreg:$0x3] =	wrdreg $0x9  }
0xb0: {  	_ =	task.clear_ibuf [dreg:s6], $0x4FFFF;
	_ =	strace $0x90000046  }
0xb1: {  	s29 =	simm.s32 $0x9;
	_ =	strace $0x80000048  }
0xb2: {  	_ =	swait.ge [sflag:s29], $0x1  }
0xb3: {  	[sflag:s29] =	ssyncadd.s32 $0xFFFFFFFF  }
0xb4: {  	_ =	strace $0x90000048  }
0xb5: {  	_ =	sfence  }
0xb6: {  	s30 =	sld [smem:$0x0];
	_ =	sdelay $0x2  }
0xb7: {  	s31 =	sshll.u32 s1, $0xD;
	s1 =	sshrl.u32 s1, $0x2  }
0xb8: {  	s3 =	sand.u32 $0x4000, s31;
	s1 =	sadd.s32 s1, s30  }
0xb9: {  	s0 =	sor.u32 s3, s0;
	s1 =	sshll.u32 s1, $0x11  }
0xba: {  	s0 =	sor.u32 s1, s0  }
0xbb: {  	s0 =	sadd.s32 $0x8F2B, s0  }
0xbc: {  	[sflag:s0] =	ssyncadd.remote.s32 $0x1  }
0xbd: {  	_ =	sfence.sel $0xFFFF  }
0xbe: {  	[dreg:$0x0] =	wrdreg $0xFFFFFFFF;
	(pc) =	sbr.abs _section_cstart, $3  }
0xbf: {  	[dreg:$0x1] =	wrdreg $0xFFFFFFFF  }
0xc0: {  	_ =	task.clear_ibuf [dreg:s6], $0x2FFFF;
	_ =	strace $0x9FFFFFFF  }
0xc1: {  	(tm) =	ssettm $0x7FFFFFFF  }
tec
execute0_lowered:
.L_overlay_start_1:
0x0: {  	(tag) =	ssettag $0x1  }
0x1: {  	s1 =	srdreg.scid  }
0x2: {  	s0 =	stileid.u32;
	s3 =	rddreg [dreg:$0x0]  }
0x3: {  	s2 =	simm.s32 $0x0;
	s11 =	simm.s32 $0x3;
	s12 =	simm.s32 $0x400  }
0x4: {  	s13 =	simm.s32 $0x0;
	s4 =	sand.u32 $0x1, s1;
	s5 =	sshll.u32 s0, $0x1  }
0x5: {  	s1 =	rddreg [dreg:$0x1];
	s9 =	smul.u32 $0x1440, s0;
	s5 =	sor.u32 s4, s5  }
0x6: {  	[smem:$0x7FF] =	sst s2;
	s7 =	sadd.s32 $0x2000, s3;
	s6 =	smul.u32 $0x2780, s5  }
0x7: {  	_ =	strace $0x80000047;
	s29 =	ssub.s32 $0x2, s4;
	s5 =	smul.u32 $0x5100, s5  }
0x8: {  	s10 =	smul.u32 $0xA20, s4;
	s8 =	sshrl.u32 s29, $0x1;
	s31 =	sadd.s32 s9, s7  }
0x9: {  	s9 =	simm.s32 $0x100;
	s6 =	sadd.s32 s6, s3;
	s5 =	sshrl.u32 s5, $0x3  }
0xa: {  	s8 =	ssub.s32 s29, s8;
	s30 =	sadd.s32 s7, s5;
	s4 =	sadd.s32 $0x16400, s6  }
0xb: {  	s5 =	smax.u32 s8, $0x1;
	s6 =	sadd.s32 s10, s31;
	s7 =	simm.s32 $0x80  }
0xc: {  	v0 =	vimm.f32 $0.0e+00;
	v1 =	vimm.f32 $1.000000000e+00;
	s8 =	simm.s32 $0x1;
	s10 =	simm.s32 $0x2;
	s3 =	sadd.s32 $0xA10, s30  }
.LBB2_1:
0xd: {  	s14 =	simm.s32 $0x0  }
.LBB2_2:
0xe: {  	p0 =	sne.s32 s14, $0x9DC0  }
.Ltmp0:
0xf: {  	_ = 	snop;
	(pc) =	sbr.rel @p0 .LBB2_2-.Ltmp0, $3  }
0x10: {  	_ =	sdelay $0x1  }
0x11: {  	s15 =	sshra.s32 s14, $0x2  }
0x12: {  	s14 =	sadd.s32 $0x40, s14;
	[tilespmem:s15+$0x100] =	vst v0  }
0x13: {  	s14 =	simm.s32 $0xFFFFF600  }
.LBB2_4:
0x14: {  	s15 =	sadd.s32 s14, s6  }
0x15: {  	s16 =	sadd.s32 $0xA10, s15  }
0x16: {  	[tilespmem:s2], [sflag:$0x1] =	stream.linear.gather [hbm4b:s16+s2], $0x80, $0x38;
	[tilespmem:$0x2880] =	vst v63  }
0x17: {  	s15 =	sadd.s32 $0xA30, s15  }
0x18: {  	[tilespmem:s7], [sflag:$0x2] =	stream.linear.gather [hbm4b:s15+s2], $0x80, $0x38;
	[tilespmem:$0x2880] =	vst v63  }
0x19: {  	_ =	swait.ge [sflag:s8], $0x80  }
0x1a: {  	[sflag:s8] =	ssyncset.done $0x0  }
0x1b: {  	[sflag:s8] =	ssyncadd.s32 $0xFFFFFF80  }
0x1c: {  	v2 =	vld [tilespmem:$0x0];
	_ =	sdelay $0x7  }
0x1d: {  	[tilespmem:v2+s9+$0x0] =	vst.idx.add.f32.msk $0xffff, v1  }
0x1e: {  	v2 =	vld [tilespmem:$0x10];
	_ =	sdelay $0x7  }
0x1f: {  	[tilespmem:v2+s9+$0x0] =	vst.idx.add.f32.msk $0xffff, v1  }
0x20: {  	v2 =	vld [tilespmem:$0x20];
	_ =	sdelay $0x7  }
0x21: {  	[tilespmem:v2+s9+$0x0] =	vst.idx.add.f32.msk $0xffff, v1  }
0x22: {  	v2 =	vld [tilespmem:$0x30];
	_ =	sdelay $0x7  }
0x23: {  	[tilespmem:v2+s9+$0x0] =	vst.idx.add.f32.msk $0xffff, v1  }
0x24: {  	v2 =	vld [tilespmem:$0x40];
	_ =	sdelay $0x7  }
0x25: {  	[tilespmem:v2+s9+$0x0] =	vst.idx.add.f32.msk $0xffff, v1  }
0x26: {  	v2 =	vld [tilespmem:$0x50];
	_ =	sdelay $0x7  }
0x27: {  	[tilespmem:v2+s9+$0x0] =	vst.idx.add.f32.msk $0xffff, v1  }
0x28: {  	v2 =	vld [tilespmem:$0x60];
	_ =	sdelay $0x7  }
0x29: {  	[tilespmem:v2+s9+$0x0] =	vst.idx.add.f32.msk $0xffff, v1  }
0x2a: {  	v2 =	vld [tilespmem:$0x70];
	_ =	sdelay $0x7  }
0x2b: {  	[tilespmem:v2+s9+$0x0] =	vst.idx.add.f32.msk $0xffff, v1  }
0x2c: {  	_ =	swait.ge [sflag:s10], $0x80  }
0x2d: {  	[sflag:s10] =	ssyncset.done $0x0  }
0x2e: {  	[sflag:s10] =	ssyncadd.s32 $0xFFFFFF80  }
0x2f: {  	v2 =	vld [tilespmem:$0x80];
	_ =	sdelay $0x7  }
0x30: {  	[tilespmem:v2+s9+$0x0] =	vst.idx.add.f32.msk $0xffff, v1  }
0x31: {  	v2 =	vld [tilespmem:$0x90];
	_ =	sdelay $0x7  }
0x32: {  	[tilespmem:v2+s9+$0x0] =	vst.idx.add.f32.msk $0xffff, v1  }
0x33: {  	v2 =	vld [tilespmem:$0xA0];
	_ =	sdelay $0x7  }
0x34: {  	[tilespmem:v2+s9+$0x0] =	vst.idx.add.f32.msk $0xffff, v1  }
0x35: {  	v2 =	vld [tilespmem:$0xB0];
	_ =	sdelay $0x7  }
0x36: {  	[tilespmem:v2+s9+$0x0] =	vst.idx.add.f32.msk $0xffff, v1  }
0x37: {  	v2 =	vld [tilespmem:$0xC0];
	_ =	sdelay $0x7  }
0x38: {  	[tilespmem:v2+s9+$0x0] =	vst.idx.add.f32.msk $0xffff, v1  }
0x39: {  	v2 =	vld [tilespmem:$0xD0];
	_ =	sdelay $0x7  }
0x3a: {  	[tilespmem:v2+s9+$0x0] =	vst.idx.add.f32.msk $0xffff, v1  }
0x3b: {  	v2 =	vld [tilespmem:$0xE0];
	_ =	sdelay $0x7  }
0x3c: {  	[tilespmem:v2+s9+$0x0] =	vst.idx.add.f32.msk $0xffff, v1  }
0x3d: {  	v2 =	vld [tilespmem:$0xF0];
	_ =	sdelay $0x2  }
0x3e: {  	p0 =	sne.s32 s14, $0xFFFFFFC0  }
.Ltmp1:
0x3f: {  	_ = 	snop;
	(pc) =	sbr.rel @p0 .LBB2_4-.Ltmp1, $2  }
0x40: {  	_ =	sdelay $0x2  }
0x41: {  	s14 =	sadd.s32 $0x40, s14;
	[tilespmem:v2+s9+$0x0] =	vst.idx.add.f32.msk $0xffff, v1  }
0x42: {  	[tilespmem:s2], [sflag:$0x3] =	stream.linear.gather [hbm4b:s3+s2], $0x80, $0x38;
	[tilespmem:$0x2880] =	vst v63  }
0x43: {  	_ =	swait.ge [sflag:s11], $0x80  }
0x44: {  	[sflag:s11] =	ssyncset.done $0x0  }
0x45: {  	[sflag:s11] =	ssyncadd.s32 $0xFFFFFF80  }
0x46: {  	v2 =	vld [tilespmem:$0x0];
	_ =	sdelay $0x7  }
0x47: {  	[tilespmem:v2+s9+$0x0] =	vst.idx.add.f32.msk $0xffff, v1  }
0x48: {  	v2 =	vld [tilespmem:$0x10];
	_ =	sdelay $0x7  }
0x49: {  	[tilespmem:v2+s9+$0x0] =	vst.idx.add.f32.msk $0xffff, v1  }
0x4a: {  	v2 =	vld [tilespmem:$0x20];
	_ =	sdelay $0x7  }
0x4b: {  	[tilespmem:v2+s9+$0x0] =	vst.idx.add.f32.msk $0xffff, v1  }
0x4c: {  	v2 =	vld [tilespmem:$0x30];
	_ =	sdelay $0x7  }
0x4d: {  	[tilespmem:v2+s9+$0x0] =	vst.idx.add.f32.msk $0xffff, v1  }
0x4e: {  	v2 =	vld [tilespmem:$0x40];
	_ =	sdelay $0x7  }
0x4f: {  	[tilespmem:v2+s9+$0x0] =	vst.idx.add.f32.msk $0xffff, v1  }
0x50: {  	v2 =	vld [tilespmem:$0x50];
	_ =	sdelay $0x7  }
0x51: {  	[tilespmem:v2+s9+$0x0] =	vst.idx.add.f32.msk $0xffff, v1  }
0x52: {  	v2 =	vld [tilespmem:$0x60];
	_ =	sdelay $0x7  }
0x53: {  	[tilespmem:v2+s9+$0x0] =	vst.idx.add.f32.msk $0xffff, v1  }
0x54: {  	v2 =	vld [tilespmem:$0x70];
	_ =	sdelay $0x5  }
0x55: {  	s13 =	sadd.s32 $0x1, s13  }
0x56: {  	p0 =	sne.s32 s13, s5  }
.Ltmp2:
0x57: {  	[tilespmem:v2+s9+$0x0] =	vst.idx.add.f32.msk $0xffff, v1;
	(pc) =	sbr.rel @p0 .LBB2_1-.Ltmp2, $4  }
0x58: {  	[hbm4b:s4+s7] =	stream.strided.scatter [tilespmem:s9], [sflag:$0x3], $0x2780, s12, s7, $0x38;
	[tilespmem:$0x2880] =	vst v63  }
0x59: {  	_ =	swait.ge [sflag:s11], $0x2780  }
0x5a: {  	[sflag:s11] =	ssyncset.done $0x0  }
0x5b: {  	[sflag:s11] =	ssyncadd.s32 $0xFFFFD880  }
0x5c: {  	_ =	sfence.sel $0x180000  }
0x5d: {  	[bflag:$0x0] =	sbarrier.arrive $0xFFFF  }
0x5e: {  	p0 =	sne.s32 s0, $0x0;
	_ =	strace $0x90000047  }
0x5f: {  	s0 =	sadd.s32 @!p0 $0x100000, s1;
	[bflag:$0x2] =	sbarrier.arrive $0xFFFF  }
0x60: {  	[sflag:s0] =	ssyncadd.tile.s32 @!p0 $0x1;
	_ =	shalt  }
.Lfunc_end2:
_tile_overlayer_lowered:
.L_overlay_start_2:
0x61: {  	(tag) =	ssettag $0x2  }
0x62: {  	s0 =	rddreg [dreg:$0x0];
	s2 =	stileid.u32  }
0x63: {  	s1 =	rddreg [dreg:$0x1];
	p0 =	sne.s32 s2, $0x0  }
0x64: {  	s3 =	rddreg [dreg:$0x2];
	[bflag:$0x3] =	sbarrier.arrive $0xFFFF;
	s2 =	simm.s32 @!p0 $0x1C03  }
0x65: {  	[timem:s3], [sflag:s2] =	dma.local @!p0 [hbm:s0], s1  }
0x66: {  	s0 =	simm.s32 @!p0 $0x3  }
0x67: {  	_ =	swait.ge @!p0 [sflag:s0], s1  }
0x68: {  	s1 =	ssub.s32 @!p0 $0x0, s1;
	[sflag:s0] =	ssyncset.done @!p0 $0x0  }
0x69: {  	[sflag:s0] =	ssyncadd.s32 @!p0 s1  }
0x6a: {  	[bflag:$0x3] =	sbarrier.arrive $0xFFFF  }
0x6b: {  	_ =	shalt  }

</sc_bundles>
